<compile_context>
chip_gen: v7x
topology: tpu7x:2x2x1
jax: 0.10.2.dev20260603
libtpu: 0.0.44.dev20260713+nightly
codegen_flags: <defaults>
</compile_context>

<pallas_src>
import jax
import jax.numpy as jnp
from jax import lax
from jax.experimental import pallas as pl
from jax.experimental.pallas import tpu as pltpu
from jax.experimental.pallas import tpu_sc as plsc

D = 128
NC, NS = 2, 16
NW = NC * NS
G_SUBS = (128, 72)
G_OFF = (0, 128)
CH = sum(G_SUBS)
NSLOT = 4


def _prep_body(x_ref, wm1_ref, bm1_ref, ww1_ref, bw1_ref,
               pam_ref, pbm_ref, paw_ref, pbw_ref):
    x = x_ref[...]
    f32 = jnp.float32
    pam_ref[...] = jnp.dot(x, wm1_ref[0:D, :], preferred_element_type=f32) + bm1_ref[...]
    pbm_ref[...] = jnp.dot(x, wm1_ref[D:2 * D, :], preferred_element_type=f32)
    paw_ref[...] = jnp.dot(x, ww1_ref[0:D, :], preferred_element_type=f32) + bw1_ref[...]
    pbw_ref[...] = jnp.dot(x, ww1_ref[D:2 * D, :], preferred_element_type=f32)


def _precompute_tables(x, wm1, bm1, ww1, bw1):
    n = x.shape[0]
    blk = n // 5
    tbl = jax.ShapeDtypeStruct((n, D), jnp.float32)
    row_spec = pl.BlockSpec((blk, D), lambda i: (i, 0))
    full = pl.BlockSpec((2 * D, D), lambda i: (0, 0))
    bias = pl.BlockSpec((1, D), lambda i: (0, 0))
    return pl.pallas_call(
        _prep_body,
        grid=(5,),
        in_specs=[row_spec, full, bias, full, bias],
        out_specs=(row_spec, row_spec, row_spec, row_spec),
        out_shape=(tbl, tbl, tbl, tbl),
    )(x, wm1[: 2 * D], bm1.reshape(1, D), ww1[: 2 * D], bw1.reshape(1, D))


def _gather_stream(table, idx_hbm, out_hbm, idx_v, slots, gsems, wsems,
                   base, n_edges):
    n = n_edges // CH
    pltpu.sync_copy(idx_hbm.at[pl.ds(base, n_edges)], idx_v.at[pl.ds(0, n_edges)])

    def issue(jj, p):
        for off, sub in zip(G_OFF, G_SUBS):
            pltpu.async_copy(
                table.at[idx_v.at[pl.ds(jj * CH + off, sub)]],
                slots[p].at[pl.ds(off, sub)],
                gsems[p],
            )

    def wait_gathers(p):
        for off, sub in zip(G_OFF, G_SUBS):
            pltpu.make_async_copy(table.at[pl.ds(0, sub)],
                                  slots[p].at[pl.ds(off, sub)], gsems[p]).wait()

    def wait_write(p):
        pltpu.make_async_copy(slots[p], out_hbm.at[pl.ds(base, CH)], wsems[p]).wait()

    issue(0, 0)
    issue(1, 1)

    def step(i, carry):
        for p in range(NSLOT):
            @pl.when(i % NSLOT == p)
            def _():
                wait_gathers(p)

                @pl.when(i >= 2)
                def _():
                    wait_write((p + 2) % NSLOT)

                @pl.when(i + 2 < n)
                def _():
                    issue(i + 2, (p + 2) % NSLOT)
                pltpu.async_copy(slots[p], out_hbm.at[pl.ds(base + i * CH, CH)],
                                 wsems[p])
        return carry

    lax.fori_loop(0, n, step, 0)
    wait_write((n - 1) % NSLOT)
    wait_write((n - 2) % NSLOT)


def _sc_body(ta, tb, s_idx, r_idx, ga, gb, idx_v,
             s0, s1, s2, s3, g0, g1, g2, g3, w0, w1, w2, w3):
    wid = lax.axis_index("s") * NC + lax.axis_index("c")
    ne = s_idx.shape[0] // NW
    slots = (s0, s1, s2, s3)
    gsems = (g0, g1, g2, g3)
    wsems = (w0, w1, w2, w3)
    _gather_stream(ta, s_idx, ga, idx_v, slots, gsems, wsems, wid * ne, ne)
    _gather_stream(tb, r_idx, gb, idx_v, slots, gsems, wsems, wid * ne, ne)


def _sc_gather(ta, tb, eidx):
    ne = eidx.shape[1]
    out = (jax.ShapeDtypeStruct((ne, D), jnp.float32),
           jax.ShapeDtypeStruct((ne, D), jnp.float32))
    k = pl.kernel(
        _sc_body,
        out_type=out,
        mesh=plsc.VectorSubcoreMesh(core_axis_name="c", subcore_axis_name="s",
                                    num_cores=NC, num_subcores=NS),
        scratch_types=[
            pltpu.VMEM((ne // NW,), jnp.int32),
            pltpu.VMEM((CH, D), jnp.float32),
            pltpu.VMEM((CH, D), jnp.float32),
            pltpu.VMEM((CH, D), jnp.float32),
            pltpu.VMEM((CH, D), jnp.float32),
            pltpu.SemaphoreType.DMA,
            pltpu.SemaphoreType.DMA,
            pltpu.SemaphoreType.DMA,
            pltpu.SemaphoreType.DMA,
            pltpu.SemaphoreType.DMA,
            pltpu.SemaphoreType.DMA,
            pltpu.SemaphoreType.DMA,
            pltpu.SemaphoreType.DMA,
        ],
    )
    return k(ta, tb, eidx[0], eidx[1])


def _mlp_body(ga_ref, gb_ref, e_ref, w1c_ref, w2_ref, b2_ref, out_ref):
    e = e_ref[...]
    bf = jnp.bfloat16
    h = (ga_ref[...] + gb_ref[...]
         + jnp.dot(e.astype(bf), w1c_ref[...].astype(bf),
                   preferred_element_type=jnp.float32))
    h = jnp.maximum(h, 0.0)
    out_ref[...] = e + jnp.dot(h.astype(bf), w2_ref[...].astype(bf),
                               preferred_element_type=jnp.float32) + b2_ref[...]


def _edge_mlp(ga, gb, e, w1c, w2, b2, blk):
    n = e.shape[0]
    gspec = pl.BlockSpec((blk, D), lambda i: (i, 0))
    wspec = pl.BlockSpec((D, D), lambda i: (0, 0))
    bias = pl.BlockSpec((1, D), lambda i: (0, 0))
    return pl.pallas_call(
        _mlp_body,
        grid=(n // blk,),
        in_specs=[gspec, gspec, gspec, wspec, wspec, bias],
        out_specs=gspec,
        out_shape=jax.ShapeDtypeStruct((n, D), jnp.float32),
        compiler_params=pltpu.CompilerParams(
            dimension_semantics=("arbitrary",)),
    )(ga, gb, e, w1c, w2, b2.reshape(1, D))


def kernel(x, mesh_edge_index, mesh_edge_attr, world_edge_index, world_edge_attr,
           Wm1, bm1, Wm2, bm2, Ww1, bw1, Ww2, bw2):
    pam, pbm, paw, pbw = _precompute_tables(x, Wm1, bm1, Ww1, bw1)
    gam, gbm = _sc_gather(pam, pbm, mesh_edge_index)
    gaw, gbw = _sc_gather(paw, pbw, world_edge_index)
    mesh_out = _edge_mlp(gam, gbm, mesh_edge_attr, Wm1[2 * D:], Wm2, bm2, 4000)
    world_out = _edge_mlp(gaw, gbw, world_edge_attr, Ww1[2 * D:], Ww2, bw2, 4000)
    return (mesh_out, world_out)

# --- scband reference (transcript-rebuilt; emitter-appended) ---
"""Pipeline reference for scband-edge-model-29137058136344 (READ-ONLY COPY).

The authoritative reference and input builder live on the scoring server;
editing this copy changes nothing except your own understanding.
"""

import jax, jax.numpy as jnp
import numpy as np

N, D = 10000, 128
EM, EW = 320000, 64000


def _mlp(h, W1, b1, W2, b2):
    return jnp.maximum(h @ W1 + b1, 0.0) @ W2 + b2


def setup_inputs(seed: int = 0) -> dict:
    key = jax.random.key(seed)
    ks = jax.random.split(key, 13)
    x = jax.random.normal(ks[0], (N, D), jnp.float32)
    mesh_edge_index = jax.random.randint(ks[1], (2, EM), 0, N, jnp.int32)
    mesh_edge_attr = jax.random.normal(ks[2], (EM, D), jnp.float32)
    world_edge_index = jax.random.randint(ks[3], (2, EW), 0, N, jnp.int32)
    world_edge_attr = jax.random.normal(ks[4], (EW, D), jnp.float32)
    s = 0.05
    Wm1 = jax.random.normal(ks[5], (3 * D, D), jnp.float32) * s
    bm1 = jnp.zeros((D,), jnp.float32)
    Wm2 = jax.random.normal(ks[6], (D, D), jnp.float32) * s
    bm2 = jnp.zeros((D,), jnp.float32)
    Ww1 = jax.random.normal(ks[7], (3 * D, D), jnp.float32) * s
    bw1 = jnp.zeros((D,), jnp.float32)
    Ww2 = jax.random.normal(ks[8], (D, D), jnp.float32) * s
    bw2 = jnp.zeros((D,), jnp.float32)
    return {
        'x': x,
        'mesh_edge_index': mesh_edge_index,
        'mesh_edge_attr': mesh_edge_attr,
        'world_edge_index': world_edge_index,
        'world_edge_attr': world_edge_attr,
        'Wm1': Wm1, 'bm1': bm1, 'Wm2': Wm2, 'bm2': bm2,
        'Ww1': Ww1, 'bw1': bw1, 'Ww2': Ww2, 'bw2': bw2,
    }


def reference(x, mesh_edge_index, mesh_edge_attr, world_edge_index, world_edge_attr,
              Wm1, bm1, Wm2, bm2, Ww1, bw1, Ww2, bw2):
    # mesh edges
    s, r = mesh_edge_index[0], mesh_edge_index[1]
    h = jnp.concatenate((jnp.take(x, s, axis=0), jnp.take(x, r, axis=0), mesh_edge_attr), axis=-1)
    mesh_out = mesh_edge_attr + _mlp(h, Wm1, bm1, Wm2, bm2)
    # world edges
    s, r = world_edge_index[0], world_edge_index[1]
    h = jnp.concatenate((jnp.take(x, s, axis=0), jnp.take(x, r, axis=0), world_edge_attr), axis=-1)
    world_out = world_edge_attr + _mlp(h, Ww1, bw1, Ww2, bw2)
    return (mesh_out, world_out)

if __name__ == "__main__":
    import jax
    _d = setup_inputs()
    print(jax.jit(kernel)(*tuple(_d.values())))

</pallas_src>

<mosaic_0001>
#map = affine_map<(d0, d1) -> (0, 0)>
#map1 = affine_map<(d0, d1) -> (0)>
module attributes {stable_mosaic.version = 14 : i64} {
  func.func @_sc_body(%arg0: i32, %arg1: i32, %arg2: memref<10000x128xf32, #tpu.memory_space<hbm>>, %arg3: memref<10000x128xf32, #tpu.memory_space<hbm>>, %arg4: memref<64000xi32, #tpu.memory_space<hbm>>, %arg5: memref<64000xi32, #tpu.memory_space<hbm>>, %arg6: memref<64000x128xf32, #tpu.memory_space<hbm>>, %arg7: memref<64000x128xf32, #tpu.memory_space<hbm>>, %arg8: memref<2000xi32, #tpu.memory_space<vmem>>, %arg9: memref<200x128xf32, #tpu.memory_space<vmem>>, %arg10: memref<200x128xf32, #tpu.memory_space<vmem>>, %arg11: memref<200x128xf32, #tpu.memory_space<vmem>>, %arg12: memref<200x128xf32, #tpu.memory_space<vmem>>, %arg13: memref<!tpu.dma_semaphore, #tpu.memory_space<semaphore_mem>>, %arg14: memref<!tpu.dma_semaphore, #tpu.memory_space<semaphore_mem>>, %arg15: memref<!tpu.dma_semaphore, #tpu.memory_space<semaphore_mem>>, %arg16: memref<!tpu.dma_semaphore, #tpu.memory_space<semaphore_mem>>, %arg17: memref<!tpu.dma_semaphore, #tpu.memory_space<semaphore_mem>>, %arg18: memref<!tpu.dma_semaphore, #tpu.memory_space<semaphore_mem>>, %arg19: memref<!tpu.dma_semaphore, #tpu.memory_space<semaphore_mem>>, %arg20: memref<!tpu.dma_semaphore, #tpu.memory_space<semaphore_mem>>) attributes {dimension_semantics = [#tpu.dimension_semantics<core_parallel>, #tpu.dimension_semantics<subcore_parallel>], iteration_bounds = array<i64: 2, 16>, scalar_prefetch = 0 : i64, scratch_operands = 13 : i64, tpu.core_type = #tpu.core_type<sc_vector_subcore>, window_params = [{transform_indices = #map}, {transform_indices = #map}, {transform_indices = #map1}, {transform_indices = #map1}, {transform_indices = #map}, {transform_indices = #map}]} {
    %mul3A = arith.constant 2 : i32
    %mul3A_0 = arith.muli %arg1, %mul3A : i32
    %add3A = arith.addi %mul3A_0, %arg0 : i32
    %mul3A_1 = arith.constant 2000 : i32
    %mul3A_2 = arith.muli %add3A, %mul3A_1 : i32
    "tpu.region"() ({
      %run_scoped3A = tpu.sem_alloc : memref<!tpu.dma_semaphore, #tpu.memory_space<semaphore_mem>>
      %dma_start3A_94 = arith.constant 0 : i32
      %dma_start3A_95 = tpu.memref_slice %arg8[%dma_start3A_94] : memref<2000xi32, #tpu.memory_space<vmem>> -> memref<2000xi32, #tpu.memory_space<vmem>>
      %dma_start3A_96 = tpu.memref_slice %arg4[%mul3A_2] : memref<64000xi32, #tpu.memory_space<hbm>> -> memref<2000xi32, #tpu.memory_space<hbm>>
      %dma_start3A_97 = arith.constant 0 : i32
      %dma_start3A_98 = tpu.memref_slice %arg8[%dma_start3A_97] : memref<2000xi32, #tpu.memory_space<vmem>> -> memref<2000xi32, #tpu.memory_space<vmem>>
      %dma_start3A_99 = tpu.memref_slice %arg4[%mul3A_2] : memref<64000xi32, #tpu.memory_space<hbm>> -> memref<2000xi32, #tpu.memory_space<hbm>>
      tpu.enqueue_dma source(%dma_start3A_99 : memref<2000xi32, #tpu.memory_space<hbm>>) target(%dma_start3A_98 : memref<2000xi32, #tpu.memory_space<vmem>>) target_semaphore(%run_scoped3A : memref<!tpu.dma_semaphore, #tpu.memory_space<semaphore_mem>>)
      %dma_wait3A_100 = arith.constant 0 : i32
      %dma_wait3A_101 = tpu.memref_slice %arg8[%dma_wait3A_100] : memref<2000xi32, #tpu.memory_space<vmem>> -> memref<2000xi32, #tpu.memory_space<vmem>>
      %dma_wait3A_102 = tpu.memref_slice %arg4[%mul3A_2] : memref<64000xi32, #tpu.memory_space<hbm>> -> memref<2000xi32, #tpu.memory_space<hbm>>
      %dma_wait3A_103 = arith.constant 0 : i32
      %dma_wait3A_104 = tpu.memref_slice %arg8[%dma_wait3A_103] : memref<2000xi32, #tpu.memory_space<vmem>> -> memref<2000xi32, #tpu.memory_space<vmem>>
      %dma_wait3A_105 = tpu.memref_slice %arg4[%mul3A_2] : memref<64000xi32, #tpu.memory_space<hbm>> -> memref<2000xi32, #tpu.memory_space<hbm>>
      tpu.wait_dma2 semaphore(%run_scoped3A : memref<!tpu.dma_semaphore, #tpu.memory_space<semaphore_mem>>) src(%dma_wait3A_105 : memref<2000xi32, #tpu.memory_space<hbm>>) dst(%dma_wait3A_104 : memref<2000xi32, #tpu.memory_space<vmem>>)
      tpu.yield
    }) : () -> ()
    %dma_start3A = arith.constant 0 : i32
    %dma_start3A_3 = arith.constant 0 : i32
    %dma_start3A_4 = tpu.memref_slice %arg9[%dma_start3A, %dma_start3A_3] : memref<200x128xf32, #tpu.memory_space<vmem>> -> memref<128x128xf32, #tpu.memory_space<vmem>>
    %dma_start3A_5 = arith.constant 0 : i32
    %dma_start3A_6 = tpu.memref_slice %arg8[%dma_start3A_5] : memref<2000xi32, #tpu.memory_space<vmem>> -> memref<128xi32, #tpu.memory_space<vmem>>
    %dma_start3A_7 = arith.constant 0 : i32
    %dma_start3A_8 = arith.constant 0 : i32
    %dma_start3A_9 = tpu.memref_slice %arg2[%dma_start3A_7, %dma_start3A_8] : memref<10000x128xf32, #tpu.memory_space<hbm>> -> memref<10000x128xf32, #tpu.memory_space<hbm>>
    tpu.enqueue_indirect_dma source(%dma_start3A_9 : memref<10000x128xf32, #tpu.memory_space<hbm>>) target(%dma_start3A_4 : memref<128x128xf32, #tpu.memory_space<vmem>>) offsets(%dma_start3A_6 : memref<128xi32, #tpu.memory_space<vmem>>) semaphore(%arg13 : memref<!tpu.dma_semaphore, #tpu.memory_space<semaphore_mem>>)
    %dma_start3A_10 = arith.constant 128 : i32
    %dma_start3A_11 = arith.constant 0 : i32
    %dma_start3A_12 = tpu.memref_slice %arg9[%dma_start3A_10, %dma_start3A_11] : memref<200x128xf32, #tpu.memory_space<vmem>> -> memref<72x128xf32, #tpu.memory_space<vmem>>
    %dma_start3A_13 = arith.constant 128 : i32
    %dma_start3A_14 = tpu.memref_slice %arg8[%dma_start3A_13] : memref<2000xi32, #tpu.memory_space<vmem>> -> memref<72xi32, #tpu.memory_space<vmem>>
    %dma_start3A_15 = arith.constant 0 : i32
    %dma_start3A_16 = arith.constant 0 : i32
    %dma_start3A_17 = tpu.memref_slice %arg2[%dma_start3A_15, %dma_start3A_16] : memref<10000x128xf32, #tpu.memory_space<hbm>> -> memref<10000x128xf32, #tpu.memory_space<hbm>>
    tpu.enqueue_indirect_dma source(%dma_start3A_17 : memref<10000x128xf32, #tpu.memory_space<hbm>>) target(%dma_start3A_12 : memref<72x128xf32, #tpu.memory_space<vmem>>) offsets(%dma_start3A_14 : memref<72xi32, #tpu.memory_space<vmem>>) semaphore(%arg13 : memref<!tpu.dma_semaphore, #tpu.memory_space<semaphore_mem>>)
    %dma_start3A_18 = arith.constant 0 : i32
    %dma_start3A_19 = arith.constant 0 : i32
    %dma_start3A_20 = tpu.memref_slice %arg10[%dma_start3A_18, %dma_start3A_19] : memref<200x128xf32, #tpu.memory_space<vmem>> -> memref<128x128xf32, #tpu.memory_space<vmem>>
    %dma_start3A_21 = arith.constant 200 : i32
    %dma_start3A_22 = tpu.memref_slice %arg8[%dma_start3A_21] : memref<2000xi32, #tpu.memory_space<vmem>> -> memref<128xi32, #tpu.memory_space<vmem>>
    %dma_start3A_23 = arith.constant 0 : i32
    %dma_start3A_24 = arith.constant 0 : i32
    %dma_start3A_25 = tpu.memref_slice %arg2[%dma_start3A_23, %dma_start3A_24] : memref<10000x128xf32, #tpu.memory_space<hbm>> -> memref<10000x128xf32, #tpu.memory_space<hbm>>
    tpu.enqueue_indirect_dma source(%dma_start3A_25 : memref<10000x128xf32, #tpu.memory_space<hbm>>) target(%dma_start3A_20 : memref<128x128xf32, #tpu.memory_space<vmem>>) offsets(%dma_start3A_22 : memref<128xi32, #tpu.memory_space<vmem>>) semaphore(%arg14 : memref<!tpu.dma_semaphore, #tpu.memory_space<semaphore_mem>>)
    %dma_start3A_26 = arith.constant 128 : i32
    %dma_start3A_27 = arith.constant 0 : i32
    %dma_start3A_28 = tpu.memref_slice %arg10[%dma_start3A_26, %dma_start3A_27] : memref<200x128xf32, #tpu.memory_space<vmem>> -> memref<72x128xf32, #tpu.memory_space<vmem>>
    %dma_start3A_29 = arith.constant 328 : i32
    %dma_start3A_30 = tpu.memref_slice %arg8[%dma_start3A_29] : memref<2000xi32, #tpu.memory_space<vmem>> -> memref<72xi32, #tpu.memory_space<vmem>>
    %dma_start3A_31 = arith.constant 0 : i32
    %dma_start3A_32 = arith.constant 0 : i32
    %dma_start3A_33 = tpu.memref_slice %arg2[%dma_start3A_31, %dma_start3A_32] : memref<10000x128xf32, #tpu.memory_space<hbm>> -> memref<10000x128xf32, #tpu.memory_space<hbm>>
    tpu.enqueue_indirect_dma source(%dma_start3A_33 : memref<10000x128xf32, #tpu.memory_space<hbm>>) target(%dma_start3A_28 : memref<72x128xf32, #tpu.memory_space<vmem>>) offsets(%dma_start3A_30 : memref<72xi32, #tpu.memory_space<vmem>>) semaphore(%arg14 : memref<!tpu.dma_semaphore, #tpu.memory_space<semaphore_mem>>)
    %scan3A = arith.constant 0 : i32
    %scan3A_34 = arith.constant 0 : i32
    %scan3A_35 = arith.constant 10 : i32
    %scan3A_36 = arith.addi %scan3A_34, %scan3A_35 : i32
    %scan3A_37 = arith.constant 1 : i32
    scf.for %scan3A_94 = %scan3A_34 to %scan3A_36 step %scan3A_37  : i32 {
      %jit3A = arith.constant 4 : i32
      %eq3A = arith.constant 0 : i32
      %eq3A_95 = arith.cmpi eq, %jit3A, %eq3A : i32
      %jit3A_96 = arith.constant 1 : i32
      %select_n3A = arith.select %eq3A_95, %jit3A_96, %jit3A : i32
      %rem3A = arith.remsi %scan3A_94, %select_n3A : i32
      %ne3A = arith.constant 0 : i32
      %ne3A_97 = arith.cmpi ne, %rem3A, %ne3A : i32
      %lt3A = arith.constant 0 : i32
      %lt3A_98 = arith.cmpi slt, %rem3A, %lt3A : i32
      %lt3A_99 = arith.constant 0 : i32
      %lt3A_100 = arith.cmpi slt, %select_n3A, %lt3A_99 : i32
      %ne3A_101 = arith.xori %lt3A_98, %lt3A_100 : i1
      %and3A = arith.andi %ne3A_101, %ne3A_97 : i1
      %add3A_102 = arith.addi %rem3A, %select_n3A : i32
      %select_n3A_103 = arith.select %and3A, %add3A_102, %rem3A : i32
      %eq3A_104 = arith.constant 0 : i32
      %eq3A_105 = arith.cmpi eq, %select_n3A_103, %eq3A_104 : i32
      %convert_element_type3A = arith.extui %eq3A_105 : i1 to i32
      %cond3A = arith.constant 0 : i32
      %cond3A_106 = arith.cmpi ne, %convert_element_type3A, %cond3A : i32
      scf.if %cond3A_106 {
        %dma_wait3A_170 = arith.constant 0 : i32
        %dma_wait3A_171 = arith.constant 0 : i32
        %dma_wait3A_172 = tpu.memref_slice %arg9[%dma_wait3A_170, %dma_wait3A_171] : memref<200x128xf32, #tpu.memory_space<vmem>> -> memref<128x128xf32, #tpu.memory_space<vmem>>
        %dma_wait3A_173 = arith.constant 0 : i32
        %dma_wait3A_174 = arith.constant 0 : i32
        %dma_wait3A_175 = tpu.memref_slice %arg2[%dma_wait3A_173, %dma_wait3A_174] : memref<10000x128xf32, #tpu.memory_space<hbm>> -> memref<128x128xf32, #tpu.memory_space<hbm>>
        %dma_wait3A_176 = arith.constant 0 : i32
        %dma_wait3A_177 = arith.constant 0 : i32
        %dma_wait3A_178 = tpu.memref_slice %arg9[%dma_wait3A_176, %dma_wait3A_177] : memref<200x128xf32, #tpu.memory_space<vmem>> -> memref<128x128xf32, #tpu.memory_space<vmem>>
        %dma_wait3A_179 = arith.constant 0 : i32
        %dma_wait3A_180 = arith.constant 0 : i32
        %dma_wait3A_181 = tpu.memref_slice %arg2[%dma_wait3A_179, %dma_wait3A_180] : memref<10000x128xf32, #tpu.memory_space<hbm>> -> memref<128x128xf32, #tpu.memory_space<hbm>>
        tpu.wait_dma2 semaphore(%arg13 : memref<!tpu.dma_semaphore, #tpu.memory_space<semaphore_mem>>) src(%dma_wait3A_181 : memref<128x128xf32, #tpu.memory_space<hbm>>) dst(%dma_wait3A_178 : memref<128x128xf32, #tpu.memory_space<vmem>>)
        %dma_wait3A_182 = arith.constant 128 : i32
        %dma_wait3A_183 = arith.constant 0 : i32
        %dma_wait3A_184 = tpu.memref_slice %arg9[%dma_wait3A_182, %dma_wait3A_183] : memref<200x128xf32, #tpu.memory_space<vmem>> -> memref<72x128xf32, #tpu.memory_space<vmem>>
        %dma_wait3A_185 = arith.constant 0 : i32
        %dma_wait3A_186 = arith.constant 0 : i32
        %dma_wait3A_187 = tpu.memref_slice %arg2[%dma_wait3A_185, %dma_wait3A_186] : memref<10000x128xf32, #tpu.memory_space<hbm>> -> memref<72x128xf32, #tpu.memory_space<hbm>>
        %dma_wait3A_188 = arith.constant 128 : i32
        %dma_wait3A_189 = arith.constant 0 : i32
        %dma_wait3A_190 = tpu.memref_slice %arg9[%dma_wait3A_188, %dma_wait3A_189] : memref<200x128xf32, #tpu.memory_space<vmem>> -> memref<72x128xf32, #tpu.memory_space<vmem>>
        %dma_wait3A_191 = arith.constant 0 : i32
        %dma_wait3A_192 = arith.constant 0 : i32
        %dma_wait3A_193 = tpu.memref_slice %arg2[%dma_wait3A_191, %dma_wait3A_192] : memref<10000x128xf32, #tpu.memory_space<hbm>> -> memref<72x128xf32, #tpu.memory_space<hbm>>
        tpu.wait_dma2 semaphore(%arg13 : memref<!tpu.dma_semaphore, #tpu.memory_space<semaphore_mem>>) src(%dma_wait3A_193 : memref<72x128xf32, #tpu.memory_space<hbm>>) dst(%dma_wait3A_190 : memref<72x128xf32, #tpu.memory_space<vmem>>)
        %ge3A = arith.constant 2 : i32
        %ge3A_194 = arith.cmpi sge, %scan3A_94, %ge3A : i32
        %convert_element_type3A_195 = arith.extui %ge3A_194 : i1 to i32
        %cond3A_196 = arith.constant 0 : i32
        %cond3A_197 = arith.cmpi ne, %convert_element_type3A_195, %cond3A_196 : i32
        scf.if %cond3A_197 {
          %dma_wait3A_212 = arith.constant 0 : i32
          %dma_wait3A_213 = tpu.memref_slice %arg6[%mul3A_2, %dma_wait3A_212] : memref<64000x128xf32, #tpu.memory_space<hbm>> -> memref<200x128xf32, #tpu.memory_space<hbm>>
          %dma_wait3A_214 = arith.constant 0 : i32
          %dma_wait3A_215 = tpu.memref_slice %arg6[%mul3A_2, %dma_wait3A_214] : memref<64000x128xf32, #tpu.memory_space<hbm>> -> memref<200x128xf32, #tpu.memory_space<hbm>>
          tpu.wait_dma2 semaphore(%arg19 : memref<!tpu.dma_semaphore, #tpu.memory_space<semaphore_mem>>) src(%arg11 : memref<200x128xf32, #tpu.memory_space<vmem>>) dst(%dma_wait3A_215 : memref<200x128xf32, #tpu.memory_space<hbm>>)
        } else {
        }
        %add3A_198 = arith.constant 2 : i32
        %add3A_199 = arith.addi %scan3A_94, %add3A_198 : i32
        %lt3A_200 = arith.constant 10 : i32
        %lt3A_201 = arith.cmpi slt, %add3A_199, %lt3A_200 : i32
        %convert_element_type3A_202 = arith.extui %lt3A_201 : i1 to i32
        %cond3A_203 = arith.constant 0 : i32
        %cond3A_204 = arith.cmpi ne, %convert_element_type3A_202, %cond3A_203 : i32
        scf.if %cond3A_204 {
          %add3A_212 = arith.constant 2 : i32
          %add3A_213 = arith.addi %scan3A_94, %add3A_212 : i32
          %mul3A_214 = arith.constant 200 : i32
          %mul3A_215 = arith.muli %add3A_213, %mul3A_214 : i32
          %add3A_216 = arith.constant 0 : i32
          %add3A_217 = arith.addi %mul3A_215, %add3A_216 : i32
          %dma_start3A_218 = arith.constant 0 : i32
          %dma_start3A_219 = arith.constant 0 : i32
          %dma_start3A_220 = tpu.memref_slice %arg11[%dma_start3A_218, %dma_start3A_219] : memref<200x128xf32, #tpu.memory_space<vmem>> -> memref<128x128xf32, #tpu.memory_space<vmem>>
          %dma_start3A_221 = tpu.memref_slice %arg8[%add3A_217] : memref<2000xi32, #tpu.memory_space<vmem>> -> memref<128xi32, #tpu.memory_space<vmem>>
          %dma_start3A_222 = arith.constant 0 : i32
          %dma_start3A_223 = arith.constant 0 : i32
          %dma_start3A_224 = tpu.memref_slice %arg2[%dma_start3A_222, %dma_start3A_223] : memref<10000x128xf32, #tpu.memory_space<hbm>> -> memref<10000x128xf32, #tpu.memory_space<hbm>>
          tpu.enqueue_indirect_dma source(%dma_start3A_224 : memref<10000x128xf32, #tpu.memory_space<hbm>>) target(%dma_start3A_220 : memref<128x128xf32, #tpu.memory_space<vmem>>) offsets(%dma_start3A_221 : memref<128xi32, #tpu.memory_space<vmem>>) semaphore(%arg15 : memref<!tpu.dma_semaphore, #tpu.memory_space<semaphore_mem>>)
          %mul3A_225 = arith.constant 200 : i32
          %mul3A_226 = arith.muli %add3A_213, %mul3A_225 : i32
          %add3A_227 = arith.constant 128 : i32
          %add3A_228 = arith.addi %mul3A_226, %add3A_227 : i32
          %dma_start3A_229 = arith.constant 128 : i32
          %dma_start3A_230 = arith.constant 0 : i32
          %dma_start3A_231 = tpu.memref_slice %arg11[%dma_start3A_229, %dma_start3A_230] : memref<200x128xf32, #tpu.memory_space<vmem>> -> memref<72x128xf32, #tpu.memory_space<vmem>>
          %dma_start3A_232 = tpu.memref_slice %arg8[%add3A_228] : memref<2000xi32, #tpu.memory_space<vmem>> -> memref<72xi32, #tpu.memory_space<vmem>>
          %dma_start3A_233 = arith.constant 0 : i32
          %dma_start3A_234 = arith.constant 0 : i32
          %dma_start3A_235 = tpu.memref_slice %arg2[%dma_start3A_233, %dma_start3A_234] : memref<10000x128xf32, #tpu.memory_space<hbm>> -> memref<10000x128xf32, #tpu.memory_space<hbm>>
          tpu.enqueue_indirect_dma source(%dma_start3A_235 : memref<10000x128xf32, #tpu.memory_space<hbm>>) target(%dma_start3A_231 : memref<72x128xf32, #tpu.memory_space<vmem>>) offsets(%dma_start3A_232 : memref<72xi32, #tpu.memory_space<vmem>>) semaphore(%arg15 : memref<!tpu.dma_semaphore, #tpu.memory_space<semaphore_mem>>)
        } else {
        }
        %mul3A_205 = arith.constant 200 : i32
        %mul3A_206 = arith.muli %scan3A_94, %mul3A_205 : i32
        %add3A_207 = arith.addi %mul3A_2, %mul3A_206 : i32
        %dma_start3A_208 = arith.constant 0 : i32
        %dma_start3A_209 = tpu.memref_slice %arg6[%add3A_207, %dma_start3A_208] : memref<64000x128xf32, #tpu.memory_space<hbm>> -> memref<200x128xf32, #tpu.memory_space<hbm>>
        %dma_start3A_210 = arith.constant 0 : i32
        %dma_start3A_211 = tpu.memref_slice %arg6[%add3A_207, %dma_start3A_210] : memref<64000x128xf32, #tpu.memory_space<hbm>> -> memref<200x128xf32, #tpu.memory_space<hbm>>
        tpu.enqueue_dma source(%arg9 : memref<200x128xf32, #tpu.memory_space<vmem>>) target(%dma_start3A_211 : memref<200x128xf32, #tpu.memory_space<hbm>>) target_semaphore(%arg17 : memref<!tpu.dma_semaphore, #tpu.memory_space<semaphore_mem>>)
      } else {
      }
      %jit3A_107 = arith.constant 4 : i32
      %eq3A_108 = arith.constant 0 : i32
      %eq3A_109 = arith.cmpi eq, %jit3A_107, %eq3A_108 : i32
      %jit3A_110 = arith.constant 1 : i32
      %select_n3A_111 = arith.select %eq3A_109, %jit3A_110, %jit3A_107 : i32
      %rem3A_112 = arith.remsi %scan3A_94, %select_n3A_111 : i32
      %ne3A_113 = arith.constant 0 : i32
      %ne3A_114 = arith.cmpi ne, %rem3A_112, %ne3A_113 : i32
      %lt3A_115 = arith.constant 0 : i32
      %lt3A_116 = arith.cmpi slt, %rem3A_112, %lt3A_115 : i32
      %lt3A_117 = arith.constant 0 : i32
      %lt3A_118 = arith.cmpi slt, %select_n3A_111, %lt3A_117 : i32
      %ne3A_119 = arith.xori %lt3A_116, %lt3A_118 : i1
      %and3A_120 = arith.andi %ne3A_119, %ne3A_114 : i1
      %add3A_121 = arith.addi %rem3A_112, %select_n3A_111 : i32
      %select_n3A_122 = arith.select %and3A_120, %add3A_121, %rem3A_112 : i32
      %eq3A_123 = arith.constant 1 : i32
      %eq3A_124 = arith.cmpi eq, %select_n3A_122, %eq3A_123 : i32
      %convert_element_type3A_125 = arith.extui %eq3A_124 : i1 to i32
      %cond3A_126 = arith.constant 0 : i32
      %cond3A_127 = arith.cmpi ne, %convert_element_type3A_125, %cond3A_126 : i32
      scf.if %cond3A_127 {
        %dma_wait3A_170 = arith.constant 0 : i32
        %dma_wait3A_171 = arith.constant 0 : i32
        %dma_wait3A_172 = tpu.memref_slice %arg10[%dma_wait3A_170, %dma_wait3A_171] : memref<200x128xf32, #tpu.memory_space<vmem>> -> memref<128x128xf32, #tpu.memory_space<vmem>>
        %dma_wait3A_173 = arith.constant 0 : i32
        %dma_wait3A_174 = arith.constant 0 : i32
        %dma_wait3A_175 = tpu.memref_slice %arg2[%dma_wait3A_173, %dma_wait3A_174] : memref<10000x128xf32, #tpu.memory_space<hbm>> -> memref<128x128xf32, #tpu.memory_space<hbm>>
        %dma_wait3A_176 = arith.constant 0 : i32
        %dma_wait3A_177 = arith.constant 0 : i32
        %dma_wait3A_178 = tpu.memref_slice %arg10[%dma_wait3A_176, %dma_wait3A_177] : memref<200x128xf32, #tpu.memory_space<vmem>> -> memref<128x128xf32, #tpu.memory_space<vmem>>
        %dma_wait3A_179 = arith.constant 0 : i32
        %dma_wait3A_180 = arith.constant 0 : i32
        %dma_wait3A_181 = tpu.memref_slice %arg2[%dma_wait3A_179, %dma_wait3A_180] : memref<10000x128xf32, #tpu.memory_space<hbm>> -> memref<128x128xf32, #tpu.memory_space<hbm>>
        tpu.wait_dma2 semaphore(%arg14 : memref<!tpu.dma_semaphore, #tpu.memory_space<semaphore_mem>>) src(%dma_wait3A_181 : memref<128x128xf32, #tpu.memory_space<hbm>>) dst(%dma_wait3A_178 : memref<128x128xf32, #tpu.memory_space<vmem>>)
        %dma_wait3A_182 = arith.constant 128 : i32
        %dma_wait3A_183 = arith.constant 0 : i32
        %dma_wait3A_184 = tpu.memref_slice %arg10[%dma_wait3A_182, %dma_wait3A_183] : memref<200x128xf32, #tpu.memory_space<vmem>> -> memref<72x128xf32, #tpu.memory_space<vmem>>
        %dma_wait3A_185 = arith.constant 0 : i32
        %dma_wait3A_186 = arith.constant 0 : i32
        %dma_wait3A_187 = tpu.memref_slice %arg2[%dma_wait3A_185, %dma_wait3A_186] : memref<10000x128xf32, #tpu.memory_space<hbm>> -> memref<72x128xf32, #tpu.memory_space<hbm>>
        %dma_wait3A_188 = arith.constant 128 : i32
        %dma_wait3A_189 = arith.constant 0 : i32
        %dma_wait3A_190 = tpu.memref_slice %arg10[%dma_wait3A_188, %dma_wait3A_189] : memref<200x128xf32, #tpu.memory_space<vmem>> -> memref<72x128xf32, #tpu.memory_space<vmem>>
        %dma_wait3A_191 = arith.constant 0 : i32
        %dma_wait3A_192 = arith.constant 0 : i32
        %dma_wait3A_193 = tpu.memref_slice %arg2[%dma_wait3A_191, %dma_wait3A_192] : memref<10000x128xf32, #tpu.memory_space<hbm>> -> memref<72x128xf32, #tpu.memory_space<hbm>>
        tpu.wait_dma2 semaphore(%arg14 : memref<!tpu.dma_semaphore, #tpu.memory_space<semaphore_mem>>) src(%dma_wait3A_193 : memref<72x128xf32, #tpu.memory_space<hbm>>) dst(%dma_wait3A_190 : memref<72x128xf32, #tpu.memory_space<vmem>>)
        %ge3A = arith.constant 2 : i32
        %ge3A_194 = arith.cmpi sge, %scan3A_94, %ge3A : i32
        %convert_element_type3A_195 = arith.extui %ge3A_194 : i1 to i32
        %cond3A_196 = arith.constant 0 : i32
        %cond3A_197 = arith.cmpi ne, %convert_element_type3A_195, %cond3A_196 : i32
        scf.if %cond3A_197 {
          %dma_wait3A_212 = arith.constant 0 : i32
          %dma_wait3A_213 = tpu.memref_slice %arg6[%mul3A_2, %dma_wait3A_212] : memref<64000x128xf32, #tpu.memory_space<hbm>> -> memref<200x128xf32, #tpu.memory_space<hbm>>
          %dma_wait3A_214 = arith.constant 0 : i32
          %dma_wait3A_215 = tpu.memref_slice %arg6[%mul3A_2, %dma_wait3A_214] : memref<64000x128xf32, #tpu.memory_space<hbm>> -> memref<200x128xf32, #tpu.memory_space<hbm>>
          tpu.wait_dma2 semaphore(%arg20 : memref<!tpu.dma_semaphore, #tpu.memory_space<semaphore_mem>>) src(%arg12 : memref<200x128xf32, #tpu.memory_space<vmem>>) dst(%dma_wait3A_215 : memref<200x128xf32, #tpu.memory_space<hbm>>)
        } else {
        }
        %add3A_198 = arith.constant 2 : i32
        %add3A_199 = arith.addi %scan3A_94, %add3A_198 : i32
        %lt3A_200 = arith.constant 10 : i32
        %lt3A_201 = arith.cmpi slt, %add3A_199, %lt3A_200 : i32
        %convert_element_type3A_202 = arith.extui %lt3A_201 : i1 to i32
        %cond3A_203 = arith.constant 0 : i32
        %cond3A_204 = arith.cmpi ne, %convert_element_type3A_202, %cond3A_203 : i32
        scf.if %cond3A_204 {
          %add3A_212 = arith.constant 2 : i32
          %add3A_213 = arith.addi %scan3A_94, %add3A_212 : i32
          %mul3A_214 = arith.constant 200 : i32
          %mul3A_215 = arith.muli %add3A_213, %mul3A_214 : i32
          %add3A_216 = arith.constant 0 : i32
          %add3A_217 = arith.addi %mul3A_215, %add3A_216 : i32
          %dma_start3A_218 = arith.constant 0 : i32
          %dma_start3A_219 = arith.constant 0 : i32
          %dma_start3A_220 = tpu.memref_slice %arg12[%dma_start3A_218, %dma_start3A_219] : memref<200x128xf32, #tpu.memory_space<vmem>> -> memref<128x128xf32, #tpu.memory_space<vmem>>
          %dma_start3A_221 = tpu.memref_slice %arg8[%add3A_217] : memref<2000xi32, #tpu.memory_space<vmem>> -> memref<128xi32, #tpu.memory_space<vmem>>
          %dma_start3A_222 = arith.constant 0 : i32
          %dma_start3A_223 = arith.constant 0 : i32
          %dma_start3A_224 = tpu.memref_slice %arg2[%dma_start3A_222, %dma_start3A_223] : memref<10000x128xf32, #tpu.memory_space<hbm>> -> memref<10000x128xf32, #tpu.memory_space<hbm>>
          tpu.enqueue_indirect_dma source(%dma_start3A_224 : memref<10000x128xf32, #tpu.memory_space<hbm>>) target(%dma_start3A_220 : memref<128x128xf32, #tpu.memory_space<vmem>>) offsets(%dma_start3A_221 : memref<128xi32, #tpu.memory_space<vmem>>) semaphore(%arg16 : memref<!tpu.dma_semaphore, #tpu.memory_space<semaphore_mem>>)
          %mul3A_225 = arith.constant 200 : i32
          %mul3A_226 = arith.muli %add3A_213, %mul3A_225 : i32
          %add3A_227 = arith.constant 128 : i32
          %add3A_228 = arith.addi %mul3A_226, %add3A_227 : i32
          %dma_start3A_229 = arith.constant 128 : i32
          %dma_start3A_230 = arith.constant 0 : i32
          %dma_start3A_231 = tpu.memref_slice %arg12[%dma_start3A_229, %dma_start3A_230] : memref<200x128xf32, #tpu.memory_space<vmem>> -> memref<72x128xf32, #tpu.memory_space<vmem>>
          %dma_start3A_232 = tpu.memref_slice %arg8[%add3A_228] : memref<2000xi32, #tpu.memory_space<vmem>> -> memref<72xi32, #tpu.memory_space<vmem>>
          %dma_start3A_233 = arith.constant 0 : i32
          %dma_start3A_234 = arith.constant 0 : i32
          %dma_start3A_235 = tpu.memref_slice %arg2[%dma_start3A_233, %dma_start3A_234] : memref<10000x128xf32, #tpu.memory_space<hbm>> -> memref<10000x128xf32, #tpu.memory_space<hbm>>
          tpu.enqueue_indirect_dma source(%dma_start3A_235 : memref<10000x128xf32, #tpu.memory_space<hbm>>) target(%dma_start3A_231 : memref<72x128xf32, #tpu.memory_space<vmem>>) offsets(%dma_start3A_232 : memref<72xi32, #tpu.memory_space<vmem>>) semaphore(%arg16 : memref<!tpu.dma_semaphore, #tpu.memory_space<semaphore_mem>>)
        } else {
        }
        %mul3A_205 = arith.constant 200 : i32
        %mul3A_206 = arith.muli %scan3A_94, %mul3A_205 : i32
        %add3A_207 = arith.addi %mul3A_2, %mul3A_206 : i32
        %dma_start3A_208 = arith.constant 0 : i32
        %dma_start3A_209 = tpu.memref_slice %arg6[%add3A_207, %dma_start3A_208] : memref<64000x128xf32, #tpu.memory_space<hbm>> -> memref<200x128xf32, #tpu.memory_space<hbm>>
        %dma_start3A_210 = arith.constant 0 : i32
        %dma_start3A_211 = tpu.memref_slice %arg6[%add3A_207, %dma_start3A_210] : memref<64000x128xf32, #tpu.memory_space<hbm>> -> memref<200x128xf32, #tpu.memory_space<hbm>>
        tpu.enqueue_dma source(%arg10 : memref<200x128xf32, #tpu.memory_space<vmem>>) target(%dma_start3A_211 : memref<200x128xf32, #tpu.memory_space<hbm>>) target_semaphore(%arg18 : memref<!tpu.dma_semaphore, #tpu.memory_space<semaphore_mem>>)
      } else {
      }
      %jit3A_128 = arith.constant 4 : i32
      %eq3A_129 = arith.constant 0 : i32
      %eq3A_130 = arith.cmpi eq, %jit3A_128, %eq3A_129 : i32
      %jit3A_131 = arith.constant 1 : i32
      %select_n3A_132 = arith.select %eq3A_130, %jit3A_131, %jit3A_128 : i32
      %rem3A_133 = arith.remsi %scan3A_94, %select_n3A_132 : i32
      %ne3A_134 = arith.constant 0 : i32
      %ne3A_135 = arith.cmpi ne, %rem3A_133, %ne3A_134 : i32
      %lt3A_136 = arith.constant 0 : i32
      %lt3A_137 = arith.cmpi slt, %rem3A_133, %lt3A_136 : i32
      %lt3A_138 = arith.constant 0 : i32
      %lt3A_139 = arith.cmpi slt, %select_n3A_132, %lt3A_138 : i32
      %ne3A_140 = arith.xori %lt3A_137, %lt3A_139 : i1
      %and3A_141 = arith.andi %ne3A_140, %ne3A_135 : i1
      %add3A_142 = arith.addi %rem3A_133, %select_n3A_132 : i32
      %select_n3A_143 = arith.select %and3A_141, %add3A_142, %rem3A_133 : i32
      %eq3A_144 = arith.constant 2 : i32
      %eq3A_145 = arith.cmpi eq, %select_n3A_143, %eq3A_144 : i32
      %convert_element_type3A_146 = arith.extui %eq3A_145 : i1 to i32
      %cond3A_147 = arith.constant 0 : i32
      %cond3A_148 = arith.cmpi ne, %convert_element_type3A_146, %cond3A_147 : i32
      scf.if %cond3A_148 {
        %dma_wait3A_170 = arith.constant 0 : i32
        %dma_wait3A_171 = arith.constant 0 : i32
        %dma_wait3A_172 = tpu.memref_slice %arg11[%dma_wait3A_170, %dma_wait3A_171] : memref<200x128xf32, #tpu.memory_space<vmem>> -> memref<128x128xf32, #tpu.memory_space<vmem>>
        %dma_wait3A_173 = arith.constant 0 : i32
        %dma_wait3A_174 = arith.constant 0 : i32
        %dma_wait3A_175 = tpu.memref_slice %arg2[%dma_wait3A_173, %dma_wait3A_174] : memref<10000x128xf32, #tpu.memory_space<hbm>> -> memref<128x128xf32, #tpu.memory_space<hbm>>
        %dma_wait3A_176 = arith.constant 0 : i32
        %dma_wait3A_177 = arith.constant 0 : i32
        %dma_wait3A_178 = tpu.memref_slice %arg11[%dma_wait3A_176, %dma_wait3A_177] : memref<200x128xf32, #tpu.memory_space<vmem>> -> memref<128x128xf32, #tpu.memory_space<vmem>>
        %dma_wait3A_179 = arith.constant 0 : i32
        %dma_wait3A_180 = arith.constant 0 : i32
        %dma_wait3A_181 = tpu.memref_slice %arg2[%dma_wait3A_179, %dma_wait3A_180] : memref<10000x128xf32, #tpu.memory_space<hbm>> -> memref<128x128xf32, #tpu.memory_space<hbm>>
        tpu.wait_dma2 semaphore(%arg15 : memref<!tpu.dma_semaphore, #tpu.memory_space<semaphore_mem>>) src(%dma_wait3A_181 : memref<128x128xf32, #tpu.memory_space<hbm>>) dst(%dma_wait3A_178 : memref<128x128xf32, #tpu.memory_space<vmem>>)
        %dma_wait3A_182 = arith.constant 128 : i32
        %dma_wait3A_183 = arith.constant 0 : i32
        %dma_wait3A_184 = tpu.memref_slice %arg11[%dma_wait3A_182, %dma_wait3A_183] : memref<200x128xf32, #tpu.memory_space<vmem>> -> memref<72x128xf32, #tpu.memory_space<vmem>>
        %dma_wait3A_185 = arith.constant 0 : i32
        %dma_wait3A_186 = arith.constant 0 : i32
        %dma_wait3A_187 = tpu.memref_slice %arg2[%dma_wait3A_185, %dma_wait3A_186] : memref<10000x128xf32, #tpu.memory_space<hbm>> -> memref<72x128xf32, #tpu.memory_space<hbm>>
        %dma_wait3A_188 = arith.constant 128 : i32
        %dma_wait3A_189 = arith.constant 0 : i32
        %dma_wait3A_190 = tpu.memref_slice %arg11[%dma_wait3A_188, %dma_wait3A_189] : memref<200x128xf32, #tpu.memory_space<vmem>> -> memref<72x128xf32, #tpu.memory_space<vmem>>
        %dma_wait3A_191 = arith.constant 0 : i32
        %dma_wait3A_192 = arith.constant 0 : i32
        %dma_wait3A_193 = tpu.memref_slice %arg2[%dma_wait3A_191, %dma_wait3A_192] : memref<10000x128xf32, #tpu.memory_space<hbm>> -> memref<72x128xf32, #tpu.memory_space<hbm>>
        tpu.wait_dma2 semaphore(%arg15 : memref<!tpu.dma_semaphore, #tpu.memory_space<semaphore_mem>>) src(%dma_wait3A_193 : memref<72x128xf32, #tpu.memory_space<hbm>>) dst(%dma_wait3A_190 : memref<72x128xf32, #tpu.memory_space<vmem>>)
        %ge3A = arith.constant 2 : i32
        %ge3A_194 = arith.cmpi sge, %scan3A_94, %ge3A : i32
        %convert_element_type3A_195 = arith.extui %ge3A_194 : i1 to i32
        %cond3A_196 = arith.constant 0 : i32
        %cond3A_197 = arith.cmpi ne, %convert_element_type3A_195, %cond3A_196 : i32
        scf.if %cond3A_197 {
          %dma_wait3A_212 = arith.constant 0 : i32
          %dma_wait3A_213 = tpu.memref_slice %arg6[%mul3A_2, %dma_wait3A_212] : memref<64000x128xf32, #tpu.memory_space<hbm>> -> memref<200x128xf32, #tpu.memory_space<hbm>>
          %dma_wait3A_214 = arith.constant 0 : i32
          %dma_wait3A_215 = tpu.memref_slice %arg6[%mul3A_2, %dma_wait3A_214] : memref<64000x128xf32, #tpu.memory_space<hbm>> -> memref<200x128xf32, #tpu.memory_space<hbm>>
          tpu.wait_dma2 semaphore(%arg17 : memref<!tpu.dma_semaphore, #tpu.memory_space<semaphore_mem>>) src(%arg9 : memref<200x128xf32, #tpu.memory_space<vmem>>) dst(%dma_wait3A_215 : memref<200x128xf32, #tpu.memory_space<hbm>>)
        } else {
        }
        %add3A_198 = arith.constant 2 : i32
        %add3A_199 = arith.addi %scan3A_94, %add3A_198 : i32
        %lt3A_200 = arith.constant 10 : i32
        %lt3A_201 = arith.cmpi slt, %add3A_199, %lt3A_200 : i32
        %convert_element_type3A_202 = arith.extui %lt3A_201 : i1 to i32
        %cond3A_203 = arith.constant 0 : i32
        %cond3A_204 = arith.cmpi ne, %convert_element_type3A_202, %cond3A_203 : i32
        scf.if %cond3A_204 {
          %add3A_212 = arith.constant 2 : i32
          %add3A_213 = arith.addi %scan3A_94, %add3A_212 : i32
          %mul3A_214 = arith.constant 200 : i32
          %mul3A_215 = arith.muli %add3A_213, %mul3A_214 : i32
          %add3A_216 = arith.constant 0 : i32
          %add3A_217 = arith.addi %mul3A_215, %add3A_216 : i32
          %dma_start3A_218 = arith.constant 0 : i32
          %dma_start3A_219 = arith.constant 0 : i32
          %dma_start3A_220 = tpu.memref_slice %arg9[%dma_start3A_218, %dma_start3A_219] : memref<200x128xf32, #tpu.memory_space<vmem>> -> memref<128x128xf32, #tpu.memory_space<vmem>>
          %dma_start3A_221 = tpu.memref_slice %arg8[%add3A_217] : memref<2000xi32, #tpu.memory_space<vmem>> -> memref<128xi32, #tpu.memory_space<vmem>>
          %dma_start3A_222 = arith.constant 0 : i32
          %dma_start3A_223 = arith.constant 0 : i32
          %dma_start3A_224 = tpu.memref_slice %arg2[%dma_start3A_222, %dma_start3A_223] : memref<10000x128xf32, #tpu.memory_space<hbm>> -> memref<10000x128xf32, #tpu.memory_space<hbm>>
          tpu.enqueue_indirect_dma source(%dma_start3A_224 : memref<10000x128xf32, #tpu.memory_space<hbm>>) target(%dma_start3A_220 : memref<128x128xf32, #tpu.memory_space<vmem>>) offsets(%dma_start3A_221 : memref<128xi32, #tpu.memory_space<vmem>>) semaphore(%arg13 : memref<!tpu.dma_semaphore, #tpu.memory_space<semaphore_mem>>)
          %mul3A_225 = arith.constant 200 : i32
          %mul3A_226 = arith.muli %add3A_213, %mul3A_225 : i32
          %add3A_227 = arith.constant 128 : i32
          %add3A_228 = arith.addi %mul3A_226, %add3A_227 : i32
          %dma_start3A_229 = arith.constant 128 : i32
          %dma_start3A_230 = arith.constant 0 : i32
          %dma_start3A_231 = tpu.memref_slice %arg9[%dma_start3A_229, %dma_start3A_230] : memref<200x128xf32, #tpu.memory_space<vmem>> -> memref<72x128xf32, #tpu.memory_space<vmem>>
          %dma_start3A_232 = tpu.memref_slice %arg8[%add3A_228] : memref<2000xi32, #tpu.memory_space<vmem>> -> memref<72xi32, #tpu.memory_space<vmem>>
          %dma_start3A_233 = arith.constant 0 : i32
          %dma_start3A_234 = arith.constant 0 : i32
          %dma_start3A_235 = tpu.memref_slice %arg2[%dma_start3A_233, %dma_start3A_234] : memref<10000x128xf32, #tpu.memory_space<hbm>> -> memref<10000x128xf32, #tpu.memory_space<hbm>>
          tpu.enqueue_indirect_dma source(%dma_start3A_235 : memref<10000x128xf32, #tpu.memory_space<hbm>>) target(%dma_start3A_231 : memref<72x128xf32, #tpu.memory_space<vmem>>) offsets(%dma_start3A_232 : memref<72xi32, #tpu.memory_space<vmem>>) semaphore(%arg13 : memref<!tpu.dma_semaphore, #tpu.memory_space<semaphore_mem>>)
        } else {
        }
        %mul3A_205 = arith.constant 200 : i32
        %mul3A_206 = arith.muli %scan3A_94, %mul3A_205 : i32
        %add3A_207 = arith.addi %mul3A_2, %mul3A_206 : i32
        %dma_start3A_208 = arith.constant 0 : i32
        %dma_start3A_209 = tpu.memref_slice %arg6[%add3A_207, %dma_start3A_208] : memref<64000x128xf32, #tpu.memory_space<hbm>> -> memref<200x128xf32, #tpu.memory_space<hbm>>
        %dma_start3A_210 = arith.constant 0 : i32
        %dma_start3A_211 = tpu.memref_slice %arg6[%add3A_207, %dma_start3A_210] : memref<64000x128xf32, #tpu.memory_space<hbm>> -> memref<200x128xf32, #tpu.memory_space<hbm>>
        tpu.enqueue_dma source(%arg11 : memref<200x128xf32, #tpu.memory_space<vmem>>) target(%dma_start3A_211 : memref<200x128xf32, #tpu.memory_space<hbm>>) target_semaphore(%arg19 : memref<!tpu.dma_semaphore, #tpu.memory_space<semaphore_mem>>)
      } else {
      }
      %jit3A_149 = arith.constant 4 : i32
      %eq3A_150 = arith.constant 0 : i32
      %eq3A_151 = arith.cmpi eq, %jit3A_149, %eq3A_150 : i32
      %jit3A_152 = arith.constant 1 : i32
      %select_n3A_153 = arith.select %eq3A_151, %jit3A_152, %jit3A_149 : i32
      %rem3A_154 = arith.remsi %scan3A_94, %select_n3A_153 : i32
      %ne3A_155 = arith.constant 0 : i32
      %ne3A_156 = arith.cmpi ne, %rem3A_154, %ne3A_155 : i32
      %lt3A_157 = arith.constant 0 : i32
      %lt3A_158 = arith.cmpi slt, %rem3A_154, %lt3A_157 : i32
      %lt3A_159 = arith.constant 0 : i32
      %lt3A_160 = arith.cmpi slt, %select_n3A_153, %lt3A_159 : i32
      %ne3A_161 = arith.xori %lt3A_158, %lt3A_160 : i1
      %and3A_162 = arith.andi %ne3A_161, %ne3A_156 : i1
      %add3A_163 = arith.addi %rem3A_154, %select_n3A_153 : i32
      %select_n3A_164 = arith.select %and3A_162, %add3A_163, %rem3A_154 : i32
      %eq3A_165 = arith.constant 3 : i32
      %eq3A_166 = arith.cmpi eq, %select_n3A_164, %eq3A_165 : i32
      %convert_element_type3A_167 = arith.extui %eq3A_166 : i1 to i32
      %cond3A_168 = arith.constant 0 : i32
      %cond3A_169 = arith.cmpi ne, %convert_element_type3A_167, %cond3A_168 : i32
      scf.if %cond3A_169 {
        %dma_wait3A_170 = arith.constant 0 : i32
        %dma_wait3A_171 = arith.constant 0 : i32
        %dma_wait3A_172 = tpu.memref_slice %arg12[%dma_wait3A_170, %dma_wait3A_171] : memref<200x128xf32, #tpu.memory_space<vmem>> -> memref<128x128xf32, #tpu.memory_space<vmem>>
        %dma_wait3A_173 = arith.constant 0 : i32
        %dma_wait3A_174 = arith.constant 0 : i32
        %dma_wait3A_175 = tpu.memref_slice %arg2[%dma_wait3A_173, %dma_wait3A_174] : memref<10000x128xf32, #tpu.memory_space<hbm>> -> memref<128x128xf32, #tpu.memory_space<hbm>>
        %dma_wait3A_176 = arith.constant 0 : i32
        %dma_wait3A_177 = arith.constant 0 : i32
        %dma_wait3A_178 = tpu.memref_slice %arg12[%dma_wait3A_176, %dma_wait3A_177] : memref<200x128xf32, #tpu.memory_space<vmem>> -> memref<128x128xf32, #tpu.memory_space<vmem>>
        %dma_wait3A_179 = arith.constant 0 : i32
        %dma_wait3A_180 = arith.constant 0 : i32
        %dma_wait3A_181 = tpu.memref_slice %arg2[%dma_wait3A_179, %dma_wait3A_180] : memref<10000x128xf32, #tpu.memory_space<hbm>> -> memref<128x128xf32, #tpu.memory_space<hbm>>
        tpu.wait_dma2 semaphore(%arg16 : memref<!tpu.dma_semaphore, #tpu.memory_space<semaphore_mem>>) src(%dma_wait3A_181 : memref<128x128xf32, #tpu.memory_space<hbm>>) dst(%dma_wait3A_178 : memref<128x128xf32, #tpu.memory_space<vmem>>)
        %dma_wait3A_182 = arith.constant 128 : i32
        %dma_wait3A_183 = arith.constant 0 : i32
        %dma_wait3A_184 = tpu.memref_slice %arg12[%dma_wait3A_182, %dma_wait3A_183] : memref<200x128xf32, #tpu.memory_space<vmem>> -> memref<72x128xf32, #tpu.memory_space<vmem>>
        %dma_wait3A_185 = arith.constant 0 : i32
        %dma_wait3A_186 = arith.constant 0 : i32
        %dma_wait3A_187 = tpu.memref_slice %arg2[%dma_wait3A_185, %dma_wait3A_186] : memref<10000x128xf32, #tpu.memory_space<hbm>> -> memref<72x128xf32, #tpu.memory_space<hbm>>
        %dma_wait3A_188 = arith.constant 128 : i32
        %dma_wait3A_189 = arith.constant 0 : i32
        %dma_wait3A_190 = tpu.memref_slice %arg12[%dma_wait3A_188, %dma_wait3A_189] : memref<200x128xf32, #tpu.memory_space<vmem>> -> memref<72x128xf32, #tpu.memory_space<vmem>>
        %dma_wait3A_191 = arith.constant 0 : i32
        %dma_wait3A_192 = arith.constant 0 : i32
        %dma_wait3A_193 = tpu.memref_slice %arg2[%dma_wait3A_191, %dma_wait3A_192] : memref<10000x128xf32, #tpu.memory_space<hbm>> -> memref<72x128xf32, #tpu.memory_space<hbm>>
        tpu.wait_dma2 semaphore(%arg16 : memref<!tpu.dma_semaphore, #tpu.memory_space<semaphore_mem>>) src(%dma_wait3A_193 : memref<72x128xf32, #tpu.memory_space<hbm>>) dst(%dma_wait3A_190 : memref<72x128xf32, #tpu.memory_space<vmem>>)
        %ge3A = arith.constant 2 : i32
        %ge3A_194 = arith.cmpi sge, %scan3A_94, %ge3A : i32
        %convert_element_type3A_195 = arith.extui %ge3A_194 : i1 to i32
        %cond3A_196 = arith.constant 0 : i32
        %cond3A_197 = arith.cmpi ne, %convert_element_type3A_195, %cond3A_196 : i32
        scf.if %cond3A_197 {
          %dma_wait3A_212 = arith.constant 0 : i32
          %dma_wait3A_213 = tpu.memref_slice %arg6[%mul3A_2, %dma_wait3A_212] : memref<64000x128xf32, #tpu.memory_space<hbm>> -> memref<200x128xf32, #tpu.memory_space<hbm>>
          %dma_wait3A_214 = arith.constant 0 : i32
          %dma_wait3A_215 = tpu.memref_slice %arg6[%mul3A_2, %dma_wait3A_214] : memref<64000x128xf32, #tpu.memory_space<hbm>> -> memref<200x128xf32, #tpu.memory_space<hbm>>
          tpu.wait_dma2 semaphore(%arg18 : memref<!tpu.dma_semaphore, #tpu.memory_space<semaphore_mem>>) src(%arg10 : memref<200x128xf32, #tpu.memory_space<vmem>>) dst(%dma_wait3A_215 : memref<200x128xf32, #tpu.memory_space<hbm>>)
        } else {
        }
        %add3A_198 = arith.constant 2 : i32
        %add3A_199 = arith.addi %scan3A_94, %add3A_198 : i32
        %lt3A_200 = arith.constant 10 : i32
        %lt3A_201 = arith.cmpi slt, %add3A_199, %lt3A_200 : i32
        %convert_element_type3A_202 = arith.extui %lt3A_201 : i1 to i32
        %cond3A_203 = arith.constant 0 : i32
        %cond3A_204 = arith.cmpi ne, %convert_element_type3A_202, %cond3A_203 : i32
        scf.if %cond3A_204 {
          %add3A_212 = arith.constant 2 : i32
          %add3A_213 = arith.addi %scan3A_94, %add3A_212 : i32
          %mul3A_214 = arith.constant 200 : i32
          %mul3A_215 = arith.muli %add3A_213, %mul3A_214 : i32
          %add3A_216 = arith.constant 0 : i32
          %add3A_217 = arith.addi %mul3A_215, %add3A_216 : i32
          %dma_start3A_218 = arith.constant 0 : i32
          %dma_start3A_219 = arith.constant 0 : i32
          %dma_start3A_220 = tpu.memref_slice %arg10[%dma_start3A_218, %dma_start3A_219] : memref<200x128xf32, #tpu.memory_space<vmem>> -> memref<128x128xf32, #tpu.memory_space<vmem>>
          %dma_start3A_221 = tpu.memref_slice %arg8[%add3A_217] : memref<2000xi32, #tpu.memory_space<vmem>> -> memref<128xi32, #tpu.memory_space<vmem>>
          %dma_start3A_222 = arith.constant 0 : i32
          %dma_start3A_223 = arith.constant 0 : i32
          %dma_start3A_224 = tpu.memref_slice %arg2[%dma_start3A_222, %dma_start3A_223] : memref<10000x128xf32, #tpu.memory_space<hbm>> -> memref<10000x128xf32, #tpu.memory_space<hbm>>
          tpu.enqueue_indirect_dma source(%dma_start3A_224 : memref<10000x128xf32, #tpu.memory_space<hbm>>) target(%dma_start3A_220 : memref<128x128xf32, #tpu.memory_space<vmem>>) offsets(%dma_start3A_221 : memref<128xi32, #tpu.memory_space<vmem>>) semaphore(%arg14 : memref<!tpu.dma_semaphore, #tpu.memory_space<semaphore_mem>>)
          %mul3A_225 = arith.constant 200 : i32
          %mul3A_226 = arith.muli %add3A_213, %mul3A_225 : i32
          %add3A_227 = arith.constant 128 : i32
          %add3A_228 = arith.addi %mul3A_226, %add3A_227 : i32
          %dma_start3A_229 = arith.constant 128 : i32
          %dma_start3A_230 = arith.constant 0 : i32
          %dma_start3A_231 = tpu.memref_slice %arg10[%dma_start3A_229, %dma_start3A_230] : memref<200x128xf32, #tpu.memory_space<vmem>> -> memref<72x128xf32, #tpu.memory_space<vmem>>
          %dma_start3A_232 = tpu.memref_slice %arg8[%add3A_228] : memref<2000xi32, #tpu.memory_space<vmem>> -> memref<72xi32, #tpu.memory_space<vmem>>
          %dma_start3A_233 = arith.constant 0 : i32
          %dma_start3A_234 = arith.constant 0 : i32
          %dma_start3A_235 = tpu.memref_slice %arg2[%dma_start3A_233, %dma_start3A_234] : memref<10000x128xf32, #tpu.memory_space<hbm>> -> memref<10000x128xf32, #tpu.memory_space<hbm>>
          tpu.enqueue_indirect_dma source(%dma_start3A_235 : memref<10000x128xf32, #tpu.memory_space<hbm>>) target(%dma_start3A_231 : memref<72x128xf32, #tpu.memory_space<vmem>>) offsets(%dma_start3A_232 : memref<72xi32, #tpu.memory_space<vmem>>) semaphore(%arg14 : memref<!tpu.dma_semaphore, #tpu.memory_space<semaphore_mem>>)
        } else {
        }
        %mul3A_205 = arith.constant 200 : i32
        %mul3A_206 = arith.muli %scan3A_94, %mul3A_205 : i32
        %add3A_207 = arith.addi %mul3A_2, %mul3A_206 : i32
        %dma_start3A_208 = arith.constant 0 : i32
        %dma_start3A_209 = tpu.memref_slice %arg6[%add3A_207, %dma_start3A_208] : memref<64000x128xf32, #tpu.memory_space<hbm>> -> memref<200x128xf32, #tpu.memory_space<hbm>>
        %dma_start3A_210 = arith.constant 0 : i32
        %dma_start3A_211 = tpu.memref_slice %arg6[%add3A_207, %dma_start3A_210] : memref<64000x128xf32, #tpu.memory_space<hbm>> -> memref<200x128xf32, #tpu.memory_space<hbm>>
        tpu.enqueue_dma source(%arg12 : memref<200x128xf32, #tpu.memory_space<vmem>>) target(%dma_start3A_211 : memref<200x128xf32, #tpu.memory_space<hbm>>) target_semaphore(%arg20 : memref<!tpu.dma_semaphore, #tpu.memory_space<semaphore_mem>>)
      } else {
      }
    }
    %scan3A_38 = arith.constant 10 : i32
    %dma_wait3A = arith.constant 0 : i32
    %dma_wait3A_39 = tpu.memref_slice %arg6[%mul3A_2, %dma_wait3A] : memref<64000x128xf32, #tpu.memory_space<hbm>> -> memref<200x128xf32, #tpu.memory_space<hbm>>
    %dma_wait3A_40 = arith.constant 0 : i32
    %dma_wait3A_41 = tpu.memref_slice %arg6[%mul3A_2, %dma_wait3A_40] : memref<64000x128xf32, #tpu.memory_space<hbm>> -> memref<200x128xf32, #tpu.memory_space<hbm>>
    tpu.wait_dma2 semaphore(%arg18 : memref<!tpu.dma_semaphore, #tpu.memory_space<semaphore_mem>>) src(%arg10 : memref<200x128xf32, #tpu.memory_space<vmem>>) dst(%dma_wait3A_41 : memref<200x128xf32, #tpu.memory_space<hbm>>)
    %dma_wait3A_42 = arith.constant 0 : i32
    %dma_wait3A_43 = tpu.memref_slice %arg6[%mul3A_2, %dma_wait3A_42] : memref<64000x128xf32, #tpu.memory_space<hbm>> -> memref<200x128xf32, #tpu.memory_space<hbm>>
    %dma_wait3A_44 = arith.constant 0 : i32
    %dma_wait3A_45 = tpu.memref_slice %arg6[%mul3A_2, %dma_wait3A_44] : memref<64000x128xf32, #tpu.memory_space<hbm>> -> memref<200x128xf32, #tpu.memory_space<hbm>>
    tpu.wait_dma2 semaphore(%arg17 : memref<!tpu.dma_semaphore, #tpu.memory_space<semaphore_mem>>) src(%arg9 : memref<200x128xf32, #tpu.memory_space<vmem>>) dst(%dma_wait3A_45 : memref<200x128xf32, #tpu.memory_space<hbm>>)
    %mul3A_46 = arith.constant 2000 : i32
    %mul3A_47 = arith.muli %add3A, %mul3A_46 : i32
    "tpu.region"() ({
      %run_scoped3A = tpu.sem_alloc : memref<!tpu.dma_semaphore, #tpu.memory_space<semaphore_mem>>
      %dma_start3A_94 = arith.constant 0 : i32
      %dma_start3A_95 = tpu.memref_slice %arg8[%dma_start3A_94] : memref<2000xi32, #tpu.memory_space<vmem>> -> memref<2000xi32, #tpu.memory_space<vmem>>
      %dma_start3A_96 = tpu.memref_slice %arg5[%mul3A_47] : memref<64000xi32, #tpu.memory_space<hbm>> -> memref<2000xi32, #tpu.memory_space<hbm>>
      %dma_start3A_97 = arith.constant 0 : i32
      %dma_start3A_98 = tpu.memref_slice %arg8[%dma_start3A_97] : memref<2000xi32, #tpu.memory_space<vmem>> -> memref<2000xi32, #tpu.memory_space<vmem>>
      %dma_start3A_99 = tpu.memref_slice %arg5[%mul3A_47] : memref<64000xi32, #tpu.memory_space<hbm>> -> memref<2000xi32, #tpu.memory_space<hbm>>
      tpu.enqueue_dma source(%dma_start3A_99 : memref<2000xi32, #tpu.memory_space<hbm>>) target(%dma_start3A_98 : memref<2000xi32, #tpu.memory_space<vmem>>) target_semaphore(%run_scoped3A : memref<!tpu.dma_semaphore, #tpu.memory_space<semaphore_mem>>)
      %dma_wait3A_100 = arith.constant 0 : i32
      %dma_wait3A_101 = tpu.memref_slice %arg8[%dma_wait3A_100] : memref<2000xi32, #tpu.memory_space<vmem>> -> memref<2000xi32, #tpu.memory_space<vmem>>
      %dma_wait3A_102 = tpu.memref_slice %arg5[%mul3A_47] : memref<64000xi32, #tpu.memory_space<hbm>> -> memref<2000xi32, #tpu.memory_space<hbm>>
      %dma_wait3A_103 = arith.constant 0 : i32
      %dma_wait3A_104 = tpu.memref_slice %arg8[%dma_wait3A_103] : memref<2000xi32, #tpu.memory_space<vmem>> -> memref<2000xi32, #tpu.memory_space<vmem>>
      %dma_wait3A_105 = tpu.memref_slice %arg5[%mul3A_47] : memref<64000xi32, #tpu.memory_space<hbm>> -> memref<2000xi32, #tpu.memory_space<hbm>>
      tpu.wait_dma2 semaphore(%run_scoped3A : memref<!tpu.dma_semaphore, #tpu.memory_space<semaphore_mem>>) src(%dma_wait3A_105 : memref<2000xi32, #tpu.memory_space<hbm>>) dst(%dma_wait3A_104 : memref<2000xi32, #tpu.memory_space<vmem>>)
      tpu.yield
    }) : () -> ()
    %dma_start3A_48 = arith.constant 0 : i32
    %dma_start3A_49 = arith.constant 0 : i32
    %dma_start3A_50 = tpu.memref_slice %arg9[%dma_start3A_48, %dma_start3A_49] : memref<200x128xf32, #tpu.memory_space<vmem>> -> memref<128x128xf32, #tpu.memory_space<vmem>>
    %dma_start3A_51 = arith.constant 0 : i32
    %dma_start3A_52 = tpu.memref_slice %arg8[%dma_start3A_51] : memref<2000xi32, #tpu.memory_space<vmem>> -> memref<128xi32, #tpu.memory_space<vmem>>
    %dma_start3A_53 = arith.constant 0 : i32
    %dma_start3A_54 = arith.constant 0 : i32
    %dma_start3A_55 = tpu.memref_slice %arg3[%dma_start3A_53, %dma_start3A_54] : memref<10000x128xf32, #tpu.memory_space<hbm>> -> memref<10000x128xf32, #tpu.memory_space<hbm>>
    tpu.enqueue_indirect_dma source(%dma_start3A_55 : memref<10000x128xf32, #tpu.memory_space<hbm>>) target(%dma_start3A_50 : memref<128x128xf32, #tpu.memory_space<vmem>>) offsets(%dma_start3A_52 : memref<128xi32, #tpu.memory_space<vmem>>) semaphore(%arg13 : memref<!tpu.dma_semaphore, #tpu.memory_space<semaphore_mem>>)
    %dma_start3A_56 = arith.constant 128 : i32
    %dma_start3A_57 = arith.constant 0 : i32
    %dma_start3A_58 = tpu.memref_slice %arg9[%dma_start3A_56, %dma_start3A_57] : memref<200x128xf32, #tpu.memory_space<vmem>> -> memref<72x128xf32, #tpu.memory_space<vmem>>
    %dma_start3A_59 = arith.constant 128 : i32
    %dma_start3A_60 = tpu.memref_slice %arg8[%dma_start3A_59] : memref<2000xi32, #tpu.memory_space<vmem>> -> memref<72xi32, #tpu.memory_space<vmem>>
    %dma_start3A_61 = arith.constant 0 : i32
    %dma_start3A_62 = arith.constant 0 : i32
    %dma_start3A_63 = tpu.memref_slice %arg3[%dma_start3A_61, %dma_start3A_62] : memref<10000x128xf32, #tpu.memory_space<hbm>> -> memref<10000x128xf32, #tpu.memory_space<hbm>>
    tpu.enqueue_indirect_dma source(%dma_start3A_63 : memref<10000x128xf32, #tpu.memory_space<hbm>>) target(%dma_start3A_58 : memref<72x128xf32, #tpu.memory_space<vmem>>) offsets(%dma_start3A_60 : memref<72xi32, #tpu.memory_space<vmem>>) semaphore(%arg13 : memref<!tpu.dma_semaphore, #tpu.memory_space<semaphore_mem>>)
    %dma_start3A_64 = arith.constant 0 : i32
    %dma_start3A_65 = arith.constant 0 : i32
    %dma_start3A_66 = tpu.memref_slice %arg10[%dma_start3A_64, %dma_start3A_65] : memref<200x128xf32, #tpu.memory_space<vmem>> -> memref<128x128xf32, #tpu.memory_space<vmem>>
    %dma_start3A_67 = arith.constant 200 : i32
    %dma_start3A_68 = tpu.memref_slice %arg8[%dma_start3A_67] : memref<2000xi32, #tpu.memory_space<vmem>> -> memref<128xi32, #tpu.memory_space<vmem>>
    %dma_start3A_69 = arith.constant 0 : i32
    %dma_start3A_70 = arith.constant 0 : i32
    %dma_start3A_71 = tpu.memref_slice %arg3[%dma_start3A_69, %dma_start3A_70] : memref<10000x128xf32, #tpu.memory_space<hbm>> -> memref<10000x128xf32, #tpu.memory_space<hbm>>
    tpu.enqueue_indirect_dma source(%dma_start3A_71 : memref<10000x128xf32, #tpu.memory_space<hbm>>) target(%dma_start3A_66 : memref<128x128xf32, #tpu.memory_space<vmem>>) offsets(%dma_start3A_68 : memref<128xi32, #tpu.memory_space<vmem>>) semaphore(%arg14 : memref<!tpu.dma_semaphore, #tpu.memory_space<semaphore_mem>>)
    %dma_start3A_72 = arith.constant 128 : i32
    %dma_start3A_73 = arith.constant 0 : i32
    %dma_start3A_74 = tpu.memref_slice %arg10[%dma_start3A_72, %dma_start3A_73] : memref<200x128xf32, #tpu.memory_space<vmem>> -> memref<72x128xf32, #tpu.memory_space<vmem>>
    %dma_start3A_75 = arith.constant 328 : i32
    %dma_start3A_76 = tpu.memref_slice %arg8[%dma_start3A_75] : memref<2000xi32, #tpu.memory_space<vmem>> -> memref<72xi32, #tpu.memory_space<vmem>>
    %dma_start3A_77 = arith.constant 0 : i32
    %dma_start3A_78 = arith.constant 0 : i32
    %dma_start3A_79 = tpu.memref_slice %arg3[%dma_start3A_77, %dma_start3A_78] : memref<10000x128xf32, #tpu.memory_space<hbm>> -> memref<10000x128xf32, #tpu.memory_space<hbm>>
    tpu.enqueue_indirect_dma source(%dma_start3A_79 : memref<10000x128xf32, #tpu.memory_space<hbm>>) target(%dma_start3A_74 : memref<72x128xf32, #tpu.memory_space<vmem>>) offsets(%dma_start3A_76 : memref<72xi32, #tpu.memory_space<vmem>>) semaphore(%arg14 : memref<!tpu.dma_semaphore, #tpu.memory_space<semaphore_mem>>)
    %scan3A_80 = arith.constant 0 : i32
    %scan3A_81 = arith.constant 0 : i32
    %scan3A_82 = arith.constant 10 : i32
    %scan3A_83 = arith.addi %scan3A_81, %scan3A_82 : i32
    %scan3A_84 = arith.constant 1 : i32
    scf.for %scan3A_94 = %scan3A_81 to %scan3A_83 step %scan3A_84  : i32 {
      %jit3A = arith.constant 4 : i32
      %eq3A = arith.constant 0 : i32
      %eq3A_95 = arith.cmpi eq, %jit3A, %eq3A : i32
      %jit3A_96 = arith.constant 1 : i32
      %select_n3A = arith.select %eq3A_95, %jit3A_96, %jit3A : i32
      %rem3A = arith.remsi %scan3A_94, %select_n3A : i32
      %ne3A = arith.constant 0 : i32
      %ne3A_97 = arith.cmpi ne, %rem3A, %ne3A : i32
      %lt3A = arith.constant 0 : i32
      %lt3A_98 = arith.cmpi slt, %rem3A, %lt3A : i32
      %lt3A_99 = arith.constant 0 : i32
      %lt3A_100 = arith.cmpi slt, %select_n3A, %lt3A_99 : i32
      %ne3A_101 = arith.xori %lt3A_98, %lt3A_100 : i1
      %and3A = arith.andi %ne3A_101, %ne3A_97 : i1
      %add3A_102 = arith.addi %rem3A, %select_n3A : i32
      %select_n3A_103 = arith.select %and3A, %add3A_102, %rem3A : i32
      %eq3A_104 = arith.constant 0 : i32
      %eq3A_105 = arith.cmpi eq, %select_n3A_103, %eq3A_104 : i32
      %convert_element_type3A = arith.extui %eq3A_105 : i1 to i32
      %cond3A = arith.constant 0 : i32
      %cond3A_106 = arith.cmpi ne, %convert_element_type3A, %cond3A : i32
      scf.if %cond3A_106 {
        %dma_wait3A_170 = arith.constant 0 : i32
        %dma_wait3A_171 = arith.constant 0 : i32
        %dma_wait3A_172 = tpu.memref_slice %arg9[%dma_wait3A_170, %dma_wait3A_171] : memref<200x128xf32, #tpu.memory_space<vmem>> -> memref<128x128xf32, #tpu.memory_space<vmem>>
        %dma_wait3A_173 = arith.constant 0 : i32
        %dma_wait3A_174 = arith.constant 0 : i32
        %dma_wait3A_175 = tpu.memref_slice %arg3[%dma_wait3A_173, %dma_wait3A_174] : memref<10000x128xf32, #tpu.memory_space<hbm>> -> memref<128x128xf32, #tpu.memory_space<hbm>>
        %dma_wait3A_176 = arith.constant 0 : i32
        %dma_wait3A_177 = arith.constant 0 : i32
        %dma_wait3A_178 = tpu.memref_slice %arg9[%dma_wait3A_176, %dma_wait3A_177] : memref<200x128xf32, #tpu.memory_space<vmem>> -> memref<128x128xf32, #tpu.memory_space<vmem>>
        %dma_wait3A_179 = arith.constant 0 : i32
        %dma_wait3A_180 = arith.constant 0 : i32
        %dma_wait3A_181 = tpu.memref_slice %arg3[%dma_wait3A_179, %dma_wait3A_180] : memref<10000x128xf32, #tpu.memory_space<hbm>> -> memref<128x128xf32, #tpu.memory_space<hbm>>
        tpu.wait_dma2 semaphore(%arg13 : memref<!tpu.dma_semaphore, #tpu.memory_space<semaphore_mem>>) src(%dma_wait3A_181 : memref<128x128xf32, #tpu.memory_space<hbm>>) dst(%dma_wait3A_178 : memref<128x128xf32, #tpu.memory_space<vmem>>)
        %dma_wait3A_182 = arith.constant 128 : i32
        %dma_wait3A_183 = arith.constant 0 : i32
        %dma_wait3A_184 = tpu.memref_slice %arg9[%dma_wait3A_182, %dma_wait3A_183] : memref<200x128xf32, #tpu.memory_space<vmem>> -> memref<72x128xf32, #tpu.memory_space<vmem>>
        %dma_wait3A_185 = arith.constant 0 : i32
        %dma_wait3A_186 = arith.constant 0 : i32
        %dma_wait3A_187 = tpu.memref_slice %arg3[%dma_wait3A_185, %dma_wait3A_186] : memref<10000x128xf32, #tpu.memory_space<hbm>> -> memref<72x128xf32, #tpu.memory_space<hbm>>
        %dma_wait3A_188 = arith.constant 128 : i32
        %dma_wait3A_189 = arith.constant 0 : i32
        %dma_wait3A_190 = tpu.memref_slice %arg9[%dma_wait3A_188, %dma_wait3A_189] : memref<200x128xf32, #tpu.memory_space<vmem>> -> memref<72x128xf32, #tpu.memory_space<vmem>>
        %dma_wait3A_191 = arith.constant 0 : i32
        %dma_wait3A_192 = arith.constant 0 : i32
        %dma_wait3A_193 = tpu.memref_slice %arg3[%dma_wait3A_191, %dma_wait3A_192] : memref<10000x128xf32, #tpu.memory_space<hbm>> -> memref<72x128xf32, #tpu.memory_space<hbm>>
        tpu.wait_dma2 semaphore(%arg13 : memref<!tpu.dma_semaphore, #tpu.memory_space<semaphore_mem>>) src(%dma_wait3A_193 : memref<72x128xf32, #tpu.memory_space<hbm>>) dst(%dma_wait3A_190 : memref<72x128xf32, #tpu.memory_space<vmem>>)
        %ge3A = arith.constant 2 : i32
        %ge3A_194 = arith.cmpi sge, %scan3A_94, %ge3A : i32
        %convert_element_type3A_195 = arith.extui %ge3A_194 : i1 to i32
        %cond3A_196 = arith.constant 0 : i32
        %cond3A_197 = arith.cmpi ne, %convert_element_type3A_195, %cond3A_196 : i32
        scf.if %cond3A_197 {
          %dma_wait3A_212 = arith.constant 0 : i32
          %dma_wait3A_213 = tpu.memref_slice %arg7[%mul3A_47, %dma_wait3A_212] : memref<64000x128xf32, #tpu.memory_space<hbm>> -> memref<200x128xf32, #tpu.memory_space<hbm>>
          %dma_wait3A_214 = arith.constant 0 : i32
          %dma_wait3A_215 = tpu.memref_slice %arg7[%mul3A_47, %dma_wait3A_214] : memref<64000x128xf32, #tpu.memory_space<hbm>> -> memref<200x128xf32, #tpu.memory_space<hbm>>
          tpu.wait_dma2 semaphore(%arg19 : memref<!tpu.dma_semaphore, #tpu.memory_space<semaphore_mem>>) src(%arg11 : memref<200x128xf32, #tpu.memory_space<vmem>>) dst(%dma_wait3A_215 : memref<200x128xf32, #tpu.memory_space<hbm>>)
        } else {
        }
        %add3A_198 = arith.constant 2 : i32
        %add3A_199 = arith.addi %scan3A_94, %add3A_198 : i32
        %lt3A_200 = arith.constant 10 : i32
        %lt3A_201 = arith.cmpi slt, %add3A_199, %lt3A_200 : i32
        %convert_element_type3A_202 = arith.extui %lt3A_201 : i1 to i32
        %cond3A_203 = arith.constant 0 : i32
        %cond3A_204 = arith.cmpi ne, %convert_element_type3A_202, %cond3A_203 : i32
        scf.if %cond3A_204 {
          %add3A_212 = arith.constant 2 : i32
          %add3A_213 = arith.addi %scan3A_94, %add3A_212 : i32
          %mul3A_214 = arith.constant 200 : i32
          %mul3A_215 = arith.muli %add3A_213, %mul3A_214 : i32
          %add3A_216 = arith.constant 0 : i32
          %add3A_217 = arith.addi %mul3A_215, %add3A_216 : i32
          %dma_start3A_218 = arith.constant 0 : i32
          %dma_start3A_219 = arith.constant 0 : i32
          %dma_start3A_220 = tpu.memref_slice %arg11[%dma_start3A_218, %dma_start3A_219] : memref<200x128xf32, #tpu.memory_space<vmem>> -> memref<128x128xf32, #tpu.memory_space<vmem>>
          %dma_start3A_221 = tpu.memref_slice %arg8[%add3A_217] : memref<2000xi32, #tpu.memory_space<vmem>> -> memref<128xi32, #tpu.memory_space<vmem>>
          %dma_start3A_222 = arith.constant 0 : i32
          %dma_start3A_223 = arith.constant 0 : i32
          %dma_start3A_224 = tpu.memref_slice %arg3[%dma_start3A_222, %dma_start3A_223] : memref<10000x128xf32, #tpu.memory_space<hbm>> -> memref<10000x128xf32, #tpu.memory_space<hbm>>
          tpu.enqueue_indirect_dma source(%dma_start3A_224 : memref<10000x128xf32, #tpu.memory_space<hbm>>) target(%dma_start3A_220 : memref<128x128xf32, #tpu.memory_space<vmem>>) offsets(%dma_start3A_221 : memref<128xi32, #tpu.memory_space<vmem>>) semaphore(%arg15 : memref<!tpu.dma_semaphore, #tpu.memory_space<semaphore_mem>>)
          %mul3A_225 = arith.constant 200 : i32
          %mul3A_226 = arith.muli %add3A_213, %mul3A_225 : i32
          %add3A_227 = arith.constant 128 : i32
          %add3A_228 = arith.addi %mul3A_226, %add3A_227 : i32
          %dma_start3A_229 = arith.constant 128 : i32
          %dma_start3A_230 = arith.constant 0 : i32
          %dma_start3A_231 = tpu.memref_slice %arg11[%dma_start3A_229, %dma_start3A_230] : memref<200x128xf32, #tpu.memory_space<vmem>> -> memref<72x128xf32, #tpu.memory_space<vmem>>
          %dma_start3A_232 = tpu.memref_slice %arg8[%add3A_228] : memref<2000xi32, #tpu.memory_space<vmem>> -> memref<72xi32, #tpu.memory_space<vmem>>
          %dma_start3A_233 = arith.constant 0 : i32
          %dma_start3A_234 = arith.constant 0 : i32
          %dma_start3A_235 = tpu.memref_slice %arg3[%dma_start3A_233, %dma_start3A_234] : memref<10000x128xf32, #tpu.memory_space<hbm>> -> memref<10000x128xf32, #tpu.memory_space<hbm>>
          tpu.enqueue_indirect_dma source(%dma_start3A_235 : memref<10000x128xf32, #tpu.memory_space<hbm>>) target(%dma_start3A_231 : memref<72x128xf32, #tpu.memory_space<vmem>>) offsets(%dma_start3A_232 : memref<72xi32, #tpu.memory_space<vmem>>) semaphore(%arg15 : memref<!tpu.dma_semaphore, #tpu.memory_space<semaphore_mem>>)
        } else {
        }
        %mul3A_205 = arith.constant 200 : i32
        %mul3A_206 = arith.muli %scan3A_94, %mul3A_205 : i32
        %add3A_207 = arith.addi %mul3A_47, %mul3A_206 : i32
        %dma_start3A_208 = arith.constant 0 : i32
        %dma_start3A_209 = tpu.memref_slice %arg7[%add3A_207, %dma_start3A_208] : memref<64000x128xf32, #tpu.memory_space<hbm>> -> memref<200x128xf32, #tpu.memory_space<hbm>>
        %dma_start3A_210 = arith.constant 0 : i32
        %dma_start3A_211 = tpu.memref_slice %arg7[%add3A_207, %dma_start3A_210] : memref<64000x128xf32, #tpu.memory_space<hbm>> -> memref<200x128xf32, #tpu.memory_space<hbm>>
        tpu.enqueue_dma source(%arg9 : memref<200x128xf32, #tpu.memory_space<vmem>>) target(%dma_start3A_211 : memref<200x128xf32, #tpu.memory_space<hbm>>) target_semaphore(%arg17 : memref<!tpu.dma_semaphore, #tpu.memory_space<semaphore_mem>>)
      } else {
      }
      %jit3A_107 = arith.constant 4 : i32
      %eq3A_108 = arith.constant 0 : i32
      %eq3A_109 = arith.cmpi eq, %jit3A_107, %eq3A_108 : i32
      %jit3A_110 = arith.constant 1 : i32
      %select_n3A_111 = arith.select %eq3A_109, %jit3A_110, %jit3A_107 : i32
      %rem3A_112 = arith.remsi %scan3A_94, %select_n3A_111 : i32
      %ne3A_113 = arith.constant 0 : i32
      %ne3A_114 = arith.cmpi ne, %rem3A_112, %ne3A_113 : i32
      %lt3A_115 = arith.constant 0 : i32
      %lt3A_116 = arith.cmpi slt, %rem3A_112, %lt3A_115 : i32
      %lt3A_117 = arith.constant 0 : i32
      %lt3A_118 = arith.cmpi slt, %select_n3A_111, %lt3A_117 : i32
      %ne3A_119 = arith.xori %lt3A_116, %lt3A_118 : i1
      %and3A_120 = arith.andi %ne3A_119, %ne3A_114 : i1
      %add3A_121 = arith.addi %rem3A_112, %select_n3A_111 : i32
      %select_n3A_122 = arith.select %and3A_120, %add3A_121, %rem3A_112 : i32
      %eq3A_123 = arith.constant 1 : i32
      %eq3A_124 = arith.cmpi eq, %select_n3A_122, %eq3A_123 : i32
      %convert_element_type3A_125 = arith.extui %eq3A_124 : i1 to i32
      %cond3A_126 = arith.constant 0 : i32
      %cond3A_127 = arith.cmpi ne, %convert_element_type3A_125, %cond3A_126 : i32
      scf.if %cond3A_127 {
        %dma_wait3A_170 = arith.constant 0 : i32
        %dma_wait3A_171 = arith.constant 0 : i32
        %dma_wait3A_172 = tpu.memref_slice %arg10[%dma_wait3A_170, %dma_wait3A_171] : memref<200x128xf32, #tpu.memory_space<vmem>> -> memref<128x128xf32, #tpu.memory_space<vmem>>
        %dma_wait3A_173 = arith.constant 0 : i32
        %dma_wait3A_174 = arith.constant 0 : i32
        %dma_wait3A_175 = tpu.memref_slice %arg3[%dma_wait3A_173, %dma_wait3A_174] : memref<10000x128xf32, #tpu.memory_space<hbm>> -> memref<128x128xf32, #tpu.memory_space<hbm>>
        %dma_wait3A_176 = arith.constant 0 : i32
        %dma_wait3A_177 = arith.constant 0 : i32
        %dma_wait3A_178 = tpu.memref_slice %arg10[%dma_wait3A_176, %dma_wait3A_177] : memref<200x128xf32, #tpu.memory_space<vmem>> -> memref<128x128xf32, #tpu.memory_space<vmem>>
        %dma_wait3A_179 = arith.constant 0 : i32
        %dma_wait3A_180 = arith.constant 0 : i32
        %dma_wait3A_181 = tpu.memref_slice %arg3[%dma_wait3A_179, %dma_wait3A_180] : memref<10000x128xf32, #tpu.memory_space<hbm>> -> memref<128x128xf32, #tpu.memory_space<hbm>>
        tpu.wait_dma2 semaphore(%arg14 : memref<!tpu.dma_semaphore, #tpu.memory_space<semaphore_mem>>) src(%dma_wait3A_181 : memref<128x128xf32, #tpu.memory_space<hbm>>) dst(%dma_wait3A_178 : memref<128x128xf32, #tpu.memory_space<vmem>>)
        %dma_wait3A_182 = arith.constant 128 : i32
        %dma_wait3A_183 = arith.constant 0 : i32
        %dma_wait3A_184 = tpu.memref_slice %arg10[%dma_wait3A_182, %dma_wait3A_183] : memref<200x128xf32, #tpu.memory_space<vmem>> -> memref<72x128xf32, #tpu.memory_space<vmem>>
        %dma_wait3A_185 = arith.constant 0 : i32
        %dma_wait3A_186 = arith.constant 0 : i32
        %dma_wait3A_187 = tpu.memref_slice %arg3[%dma_wait3A_185, %dma_wait3A_186] : memref<10000x128xf32, #tpu.memory_space<hbm>> -> memref<72x128xf32, #tpu.memory_space<hbm>>
        %dma_wait3A_188 = arith.constant 128 : i32
        %dma_wait3A_189 = arith.constant 0 : i32
        %dma_wait3A_190 = tpu.memref_slice %arg10[%dma_wait3A_188, %dma_wait3A_189] : memref<200x128xf32, #tpu.memory_space<vmem>> -> memref<72x128xf32, #tpu.memory_space<vmem>>
        %dma_wait3A_191 = arith.constant 0 : i32
        %dma_wait3A_192 = arith.constant 0 : i32
        %dma_wait3A_193 = tpu.memref_slice %arg3[%dma_wait3A_191, %dma_wait3A_192] : memref<10000x128xf32, #tpu.memory_space<hbm>> -> memref<72x128xf32, #tpu.memory_space<hbm>>
        tpu.wait_dma2 semaphore(%arg14 : memref<!tpu.dma_semaphore, #tpu.memory_space<semaphore_mem>>) src(%dma_wait3A_193 : memref<72x128xf32, #tpu.memory_space<hbm>>) dst(%dma_wait3A_190 : memref<72x128xf32, #tpu.memory_space<vmem>>)
        %ge3A = arith.constant 2 : i32
        %ge3A_194 = arith.cmpi sge, %scan3A_94, %ge3A : i32
        %convert_element_type3A_195 = arith.extui %ge3A_194 : i1 to i32
        %cond3A_196 = arith.constant 0 : i32
        %cond3A_197 = arith.cmpi ne, %convert_element_type3A_195, %cond3A_196 : i32
        scf.if %cond3A_197 {
          %dma_wait3A_212 = arith.constant 0 : i32
          %dma_wait3A_213 = tpu.memref_slice %arg7[%mul3A_47, %dma_wait3A_212] : memref<64000x128xf32, #tpu.memory_space<hbm>> -> memref<200x128xf32, #tpu.memory_space<hbm>>
          %dma_wait3A_214 = arith.constant 0 : i32
          %dma_wait3A_215 = tpu.memref_slice %arg7[%mul3A_47, %dma_wait3A_214] : memref<64000x128xf32, #tpu.memory_space<hbm>> -> memref<200x128xf32, #tpu.memory_space<hbm>>
          tpu.wait_dma2 semaphore(%arg20 : memref<!tpu.dma_semaphore, #tpu.memory_space<semaphore_mem>>) src(%arg12 : memref<200x128xf32, #tpu.memory_space<vmem>>) dst(%dma_wait3A_215 : memref<200x128xf32, #tpu.memory_space<hbm>>)
        } else {
        }
        %add3A_198 = arith.constant 2 : i32
        %add3A_199 = arith.addi %scan3A_94, %add3A_198 : i32
        %lt3A_200 = arith.constant 10 : i32
        %lt3A_201 = arith.cmpi slt, %add3A_199, %lt3A_200 : i32
        %convert_element_type3A_202 = arith.extui %lt3A_201 : i1 to i32
        %cond3A_203 = arith.constant 0 : i32
        %cond3A_204 = arith.cmpi ne, %convert_element_type3A_202, %cond3A_203 : i32
        scf.if %cond3A_204 {
          %add3A_212 = arith.constant 2 : i32
          %add3A_213 = arith.addi %scan3A_94, %add3A_212 : i32
          %mul3A_214 = arith.constant 200 : i32
          %mul3A_215 = arith.muli %add3A_213, %mul3A_214 : i32
          %add3A_216 = arith.constant 0 : i32
          %add3A_217 = arith.addi %mul3A_215, %add3A_216 : i32
          %dma_start3A_218 = arith.constant 0 : i32
          %dma_start3A_219 = arith.constant 0 : i32
          %dma_start3A_220 = tpu.memref_slice %arg12[%dma_start3A_218, %dma_start3A_219] : memref<200x128xf32, #tpu.memory_space<vmem>> -> memref<128x128xf32, #tpu.memory_space<vmem>>
          %dma_start3A_221 = tpu.memref_slice %arg8[%add3A_217] : memref<2000xi32, #tpu.memory_space<vmem>> -> memref<128xi32, #tpu.memory_space<vmem>>
          %dma_start3A_222 = arith.constant 0 : i32
          %dma_start3A_223 = arith.constant 0 : i32
          %dma_start3A_224 = tpu.memref_slice %arg3[%dma_start3A_222, %dma_start3A_223] : memref<10000x128xf32, #tpu.memory_space<hbm>> -> memref<10000x128xf32, #tpu.memory_space<hbm>>
          tpu.enqueue_indirect_dma source(%dma_start3A_224 : memref<10000x128xf32, #tpu.memory_space<hbm>>) target(%dma_start3A_220 : memref<128x128xf32, #tpu.memory_space<vmem>>) offsets(%dma_start3A_221 : memref<128xi32, #tpu.memory_space<vmem>>) semaphore(%arg16 : memref<!tpu.dma_semaphore, #tpu.memory_space<semaphore_mem>>)
          %mul3A_225 = arith.constant 200 : i32
          %mul3A_226 = arith.muli %add3A_213, %mul3A_225 : i32
          %add3A_227 = arith.constant 128 : i32
          %add3A_228 = arith.addi %mul3A_226, %add3A_227 : i32
          %dma_start3A_229 = arith.constant 128 : i32
          %dma_start3A_230 = arith.constant 0 : i32
          %dma_start3A_231 = tpu.memref_slice %arg12[%dma_start3A_229, %dma_start3A_230] : memref<200x128xf32, #tpu.memory_space<vmem>> -> memref<72x128xf32, #tpu.memory_space<vmem>>
          %dma_start3A_232 = tpu.memref_slice %arg8[%add3A_228] : memref<2000xi32, #tpu.memory_space<vmem>> -> memref<72xi32, #tpu.memory_space<vmem>>
          %dma_start3A_233 = arith.constant 0 : i32
          %dma_start3A_234 = arith.constant 0 : i32
          %dma_start3A_235 = tpu.memref_slice %arg3[%dma_start3A_233, %dma_start3A_234] : memref<10000x128xf32, #tpu.memory_space<hbm>> -> memref<10000x128xf32, #tpu.memory_space<hbm>>
          tpu.enqueue_indirect_dma source(%dma_start3A_235 : memref<10000x128xf32, #tpu.memory_space<hbm>>) target(%dma_start3A_231 : memref<72x128xf32, #tpu.memory_space<vmem>>) offsets(%dma_start3A_232 : memref<72xi32, #tpu.memory_space<vmem>>) semaphore(%arg16 : memref<!tpu.dma_semaphore, #tpu.memory_space<semaphore_mem>>)
        } else {
        }
        %mul3A_205 = arith.constant 200 : i32
        %mul3A_206 = arith.muli %scan3A_94, %mul3A_205 : i32
        %add3A_207 = arith.addi %mul3A_47, %mul3A_206 : i32
        %dma_start3A_208 = arith.constant 0 : i32
        %dma_start3A_209 = tpu.memref_slice %arg7[%add3A_207, %dma_start3A_208] : memref<64000x128xf32, #tpu.memory_space<hbm>> -> memref<200x128xf32, #tpu.memory_space<hbm>>
        %dma_start3A_210 = arith.constant 0 : i32
        %dma_start3A_211 = tpu.memref_slice %arg7[%add3A_207, %dma_start3A_210] : memref<64000x128xf32, #tpu.memory_space<hbm>> -> memref<200x128xf32, #tpu.memory_space<hbm>>
        tpu.enqueue_dma source(%arg10 : memref<200x128xf32, #tpu.memory_space<vmem>>) target(%dma_start3A_211 : memref<200x128xf32, #tpu.memory_space<hbm>>) target_semaphore(%arg18 : memref<!tpu.dma_semaphore, #tpu.memory_space<semaphore_mem>>)
      } else {
      }
      %jit3A_128 = arith.constant 4 : i32
      %eq3A_129 = arith.constant 0 : i32
      %eq3A_130 = arith.cmpi eq, %jit3A_128, %eq3A_129 : i32
      %jit3A_131 = arith.constant 1 : i32
      %select_n3A_132 = arith.select %eq3A_130, %jit3A_131, %jit3A_128 : i32
      %rem3A_133 = arith.remsi %scan3A_94, %select_n3A_132 : i32
      %ne3A_134 = arith.constant 0 : i32
      %ne3A_135 = arith.cmpi ne, %rem3A_133, %ne3A_134 : i32
      %lt3A_136 = arith.constant 0 : i32
      %lt3A_137 = arith.cmpi slt, %rem3A_133, %lt3A_136 : i32
      %lt3A_138 = arith.constant 0 : i32
      %lt3A_139 = arith.cmpi slt, %select_n3A_132, %lt3A_138 : i32
      %ne3A_140 = arith.xori %lt3A_137, %lt3A_139 : i1
      %and3A_141 = arith.andi %ne3A_140, %ne3A_135 : i1
      %add3A_142 = arith.addi %rem3A_133, %select_n3A_132 : i32
      %select_n3A_143 = arith.select %and3A_141, %add3A_142, %rem3A_133 : i32
      %eq3A_144 = arith.constant 2 : i32
      %eq3A_145 = arith.cmpi eq, %select_n3A_143, %eq3A_144 : i32
      %convert_element_type3A_146 = arith.extui %eq3A_145 : i1 to i32
      %cond3A_147 = arith.constant 0 : i32
      %cond3A_148 = arith.cmpi ne, %convert_element_type3A_146, %cond3A_147 : i32
      scf.if %cond3A_148 {
        %dma_wait3A_170 = arith.constant 0 : i32
        %dma_wait3A_171 = arith.constant 0 : i32
        %dma_wait3A_172 = tpu.memref_slice %arg11[%dma_wait3A_170, %dma_wait3A_171] : memref<200x128xf32, #tpu.memory_space<vmem>> -> memref<128x128xf32, #tpu.memory_space<vmem>>
        %dma_wait3A_173 = arith.constant 0 : i32
        %dma_wait3A_174 = arith.constant 0 : i32
        %dma_wait3A_175 = tpu.memref_slice %arg3[%dma_wait3A_173, %dma_wait3A_174] : memref<10000x128xf32, #tpu.memory_space<hbm>> -> memref<128x128xf32, #tpu.memory_space<hbm>>
        %dma_wait3A_176 = arith.constant 0 : i32
        %dma_wait3A_177 = arith.constant 0 : i32
        %dma_wait3A_178 = tpu.memref_slice %arg11[%dma_wait3A_176, %dma_wait3A_177] : memref<200x128xf32, #tpu.memory_space<vmem>> -> memref<128x128xf32, #tpu.memory_space<vmem>>
        %dma_wait3A_179 = arith.constant 0 : i32
        %dma_wait3A_180 = arith.constant 0 : i32
        %dma_wait3A_181 = tpu.memref_slice %arg3[%dma_wait3A_179, %dma_wait3A_180] : memref<10000x128xf32, #tpu.memory_space<hbm>> -> memref<128x128xf32, #tpu.memory_space<hbm>>
        tpu.wait_dma2 semaphore(%arg15 : memref<!tpu.dma_semaphore, #tpu.memory_space<semaphore_mem>>) src(%dma_wait3A_181 : memref<128x128xf32, #tpu.memory_space<hbm>>) dst(%dma_wait3A_178 : memref<128x128xf32, #tpu.memory_space<vmem>>)
        %dma_wait3A_182 = arith.constant 128 : i32
        %dma_wait3A_183 = arith.constant 0 : i32
        %dma_wait3A_184 = tpu.memref_slice %arg11[%dma_wait3A_182, %dma_wait3A_183] : memref<200x128xf32, #tpu.memory_space<vmem>> -> memref<72x128xf32, #tpu.memory_space<vmem>>
        %dma_wait3A_185 = arith.constant 0 : i32
        %dma_wait3A_186 = arith.constant 0 : i32
        %dma_wait3A_187 = tpu.memref_slice %arg3[%dma_wait3A_185, %dma_wait3A_186] : memref<10000x128xf32, #tpu.memory_space<hbm>> -> memref<72x128xf32, #tpu.memory_space<hbm>>
        %dma_wait3A_188 = arith.constant 128 : i32
        %dma_wait3A_189 = arith.constant 0 : i32
        %dma_wait3A_190 = tpu.memref_slice %arg11[%dma_wait3A_188, %dma_wait3A_189] : memref<200x128xf32, #tpu.memory_space<vmem>> -> memref<72x128xf32, #tpu.memory_space<vmem>>
        %dma_wait3A_191 = arith.constant 0 : i32
        %dma_wait3A_192 = arith.constant 0 : i32
        %dma_wait3A_193 = tpu.memref_slice %arg3[%dma_wait3A_191, %dma_wait3A_192] : memref<10000x128xf32, #tpu.memory_space<hbm>> -> memref<72x128xf32, #tpu.memory_space<hbm>>
        tpu.wait_dma2 semaphore(%arg15 : memref<!tpu.dma_semaphore, #tpu.memory_space<semaphore_mem>>) src(%dma_wait3A_193 : memref<72x128xf32, #tpu.memory_space<hbm>>) dst(%dma_wait3A_190 : memref<72x128xf32, #tpu.memory_space<vmem>>)
        %ge3A = arith.constant 2 : i32
        %ge3A_194 = arith.cmpi sge, %scan3A_94, %ge3A : i32
        %convert_element_type3A_195 = arith.extui %ge3A_194 : i1 to i32
        %cond3A_196 = arith.constant 0 : i32
        %cond3A_197 = arith.cmpi ne, %convert_element_type3A_195, %cond3A_196 : i32
        scf.if %cond3A_197 {
          %dma_wait3A_212 = arith.constant 0 : i32
          %dma_wait3A_213 = tpu.memref_slice %arg7[%mul3A_47, %dma_wait3A_212] : memref<64000x128xf32, #tpu.memory_space<hbm>> -> memref<200x128xf32, #tpu.memory_space<hbm>>
          %dma_wait3A_214 = arith.constant 0 : i32
          %dma_wait3A_215 = tpu.memref_slice %arg7[%mul3A_47, %dma_wait3A_214] : memref<64000x128xf32, #tpu.memory_space<hbm>> -> memref<200x128xf32, #tpu.memory_space<hbm>>
          tpu.wait_dma2 semaphore(%arg17 : memref<!tpu.dma_semaphore, #tpu.memory_space<semaphore_mem>>) src(%arg9 : memref<200x128xf32, #tpu.memory_space<vmem>>) dst(%dma_wait3A_215 : memref<200x128xf32, #tpu.memory_space<hbm>>)
        } else {
        }
        %add3A_198 = arith.constant 2 : i32
        %add3A_199 = arith.addi %scan3A_94, %add3A_198 : i32
        %lt3A_200 = arith.constant 10 : i32
        %lt3A_201 = arith.cmpi slt, %add3A_199, %lt3A_200 : i32
        %convert_element_type3A_202 = arith.extui %lt3A_201 : i1 to i32
        %cond3A_203 = arith.constant 0 : i32
        %cond3A_204 = arith.cmpi ne, %convert_element_type3A_202, %cond3A_203 : i32
        scf.if %cond3A_204 {
          %add3A_212 = arith.constant 2 : i32
          %add3A_213 = arith.addi %scan3A_94, %add3A_212 : i32
          %mul3A_214 = arith.constant 200 : i32
          %mul3A_215 = arith.muli %add3A_213, %mul3A_214 : i32
          %add3A_216 = arith.constant 0 : i32
          %add3A_217 = arith.addi %mul3A_215, %add3A_216 : i32
          %dma_start3A_218 = arith.constant 0 : i32
          %dma_start3A_219 = arith.constant 0 : i32
          %dma_start3A_220 = tpu.memref_slice %arg9[%dma_start3A_218, %dma_start3A_219] : memref<200x128xf32, #tpu.memory_space<vmem>> -> memref<128x128xf32, #tpu.memory_space<vmem>>
          %dma_start3A_221 = tpu.memref_slice %arg8[%add3A_217] : memref<2000xi32, #tpu.memory_space<vmem>> -> memref<128xi32, #tpu.memory_space<vmem>>
          %dma_start3A_222 = arith.constant 0 : i32
          %dma_start3A_223 = arith.constant 0 : i32
          %dma_start3A_224 = tpu.memref_slice %arg3[%dma_start3A_222, %dma_start3A_223] : memref<10000x128xf32, #tpu.memory_space<hbm>> -> memref<10000x128xf32, #tpu.memory_space<hbm>>
          tpu.enqueue_indirect_dma source(%dma_start3A_224 : memref<10000x128xf32, #tpu.memory_space<hbm>>) target(%dma_start3A_220 : memref<128x128xf32, #tpu.memory_space<vmem>>) offsets(%dma_start3A_221 : memref<128xi32, #tpu.memory_space<vmem>>) semaphore(%arg13 : memref<!tpu.dma_semaphore, #tpu.memory_space<semaphore_mem>>)
          %mul3A_225 = arith.constant 200 : i32
          %mul3A_226 = arith.muli %add3A_213, %mul3A_225 : i32
          %add3A_227 = arith.constant 128 : i32
          %add3A_228 = arith.addi %mul3A_226, %add3A_227 : i32
          %dma_start3A_229 = arith.constant 128 : i32
          %dma_start3A_230 = arith.constant 0 : i32
          %dma_start3A_231 = tpu.memref_slice %arg9[%dma_start3A_229, %dma_start3A_230] : memref<200x128xf32, #tpu.memory_space<vmem>> -> memref<72x128xf32, #tpu.memory_space<vmem>>
          %dma_start3A_232 = tpu.memref_slice %arg8[%add3A_228] : memref<2000xi32, #tpu.memory_space<vmem>> -> memref<72xi32, #tpu.memory_space<vmem>>
          %dma_start3A_233 = arith.constant 0 : i32
          %dma_start3A_234 = arith.constant 0 : i32
          %dma_start3A_235 = tpu.memref_slice %arg3[%dma_start3A_233, %dma_start3A_234] : memref<10000x128xf32, #tpu.memory_space<hbm>> -> memref<10000x128xf32, #tpu.memory_space<hbm>>
          tpu.enqueue_indirect_dma source(%dma_start3A_235 : memref<10000x128xf32, #tpu.memory_space<hbm>>) target(%dma_start3A_231 : memref<72x128xf32, #tpu.memory_space<vmem>>) offsets(%dma_start3A_232 : memref<72xi32, #tpu.memory_space<vmem>>) semaphore(%arg13 : memref<!tpu.dma_semaphore, #tpu.memory_space<semaphore_mem>>)
        } else {
        }
        %mul3A_205 = arith.constant 200 : i32
        %mul3A_206 = arith.muli %scan3A_94, %mul3A_205 : i32
        %add3A_207 = arith.addi %mul3A_47, %mul3A_206 : i32
        %dma_start3A_208 = arith.constant 0 : i32
        %dma_start3A_209 = tpu.memref_slice %arg7[%add3A_207, %dma_start3A_208] : memref<64000x128xf32, #tpu.memory_space<hbm>> -> memref<200x128xf32, #tpu.memory_space<hbm>>
        %dma_start3A_210 = arith.constant 0 : i32
        %dma_start3A_211 = tpu.memref_slice %arg7[%add3A_207, %dma_start3A_210] : memref<64000x128xf32, #tpu.memory_space<hbm>> -> memref<200x128xf32, #tpu.memory_space<hbm>>
        tpu.enqueue_dma source(%arg11 : memref<200x128xf32, #tpu.memory_space<vmem>>) target(%dma_start3A_211 : memref<200x128xf32, #tpu.memory_space<hbm>>) target_semaphore(%arg19 : memref<!tpu.dma_semaphore, #tpu.memory_space<semaphore_mem>>)
      } else {
      }
      %jit3A_149 = arith.constant 4 : i32
      %eq3A_150 = arith.constant 0 : i32
      %eq3A_151 = arith.cmpi eq, %jit3A_149, %eq3A_150 : i32
      %jit3A_152 = arith.constant 1 : i32
      %select_n3A_153 = arith.select %eq3A_151, %jit3A_152, %jit3A_149 : i32
      %rem3A_154 = arith.remsi %scan3A_94, %select_n3A_153 : i32
      %ne3A_155 = arith.constant 0 : i32
      %ne3A_156 = arith.cmpi ne, %rem3A_154, %ne3A_155 : i32
      %lt3A_157 = arith.constant 0 : i32
      %lt3A_158 = arith.cmpi slt, %rem3A_154, %lt3A_157 : i32
      %lt3A_159 = arith.constant 0 : i32
      %lt3A_160 = arith.cmpi slt, %select_n3A_153, %lt3A_159 : i32
      %ne3A_161 = arith.xori %lt3A_158, %lt3A_160 : i1
      %and3A_162 = arith.andi %ne3A_161, %ne3A_156 : i1
      %add3A_163 = arith.addi %rem3A_154, %select_n3A_153 : i32
      %select_n3A_164 = arith.select %and3A_162, %add3A_163, %rem3A_154 : i32
      %eq3A_165 = arith.constant 3 : i32
      %eq3A_166 = arith.cmpi eq, %select_n3A_164, %eq3A_165 : i32
      %convert_element_type3A_167 = arith.extui %eq3A_166 : i1 to i32
      %cond3A_168 = arith.constant 0 : i32
      %cond3A_169 = arith.cmpi ne, %convert_element_type3A_167, %cond3A_168 : i32
      scf.if %cond3A_169 {
        %dma_wait3A_170 = arith.constant 0 : i32
        %dma_wait3A_171 = arith.constant 0 : i32
        %dma_wait3A_172 = tpu.memref_slice %arg12[%dma_wait3A_170, %dma_wait3A_171] : memref<200x128xf32, #tpu.memory_space<vmem>> -> memref<128x128xf32, #tpu.memory_space<vmem>>
        %dma_wait3A_173 = arith.constant 0 : i32
        %dma_wait3A_174 = arith.constant 0 : i32
        %dma_wait3A_175 = tpu.memref_slice %arg3[%dma_wait3A_173, %dma_wait3A_174] : memref<10000x128xf32, #tpu.memory_space<hbm>> -> memref<128x128xf32, #tpu.memory_space<hbm>>
        %dma_wait3A_176 = arith.constant 0 : i32
        %dma_wait3A_177 = arith.constant 0 : i32
        %dma_wait3A_178 = tpu.memref_slice %arg12[%dma_wait3A_176, %dma_wait3A_177] : memref<200x128xf32, #tpu.memory_space<vmem>> -> memref<128x128xf32, #tpu.memory_space<vmem>>
        %dma_wait3A_179 = arith.constant 0 : i32
        %dma_wait3A_180 = arith.constant 0 : i32
        %dma_wait3A_181 = tpu.memref_slice %arg3[%dma_wait3A_179, %dma_wait3A_180] : memref<10000x128xf32, #tpu.memory_space<hbm>> -> memref<128x128xf32, #tpu.memory_space<hbm>>
        tpu.wait_dma2 semaphore(%arg16 : memref<!tpu.dma_semaphore, #tpu.memory_space<semaphore_mem>>) src(%dma_wait3A_181 : memref<128x128xf32, #tpu.memory_space<hbm>>) dst(%dma_wait3A_178 : memref<128x128xf32, #tpu.memory_space<vmem>>)
        %dma_wait3A_182 = arith.constant 128 : i32
        %dma_wait3A_183 = arith.constant 0 : i32
        %dma_wait3A_184 = tpu.memref_slice %arg12[%dma_wait3A_182, %dma_wait3A_183] : memref<200x128xf32, #tpu.memory_space<vmem>> -> memref<72x128xf32, #tpu.memory_space<vmem>>
        %dma_wait3A_185 = arith.constant 0 : i32
        %dma_wait3A_186 = arith.constant 0 : i32
        %dma_wait3A_187 = tpu.memref_slice %arg3[%dma_wait3A_185, %dma_wait3A_186] : memref<10000x128xf32, #tpu.memory_space<hbm>> -> memref<72x128xf32, #tpu.memory_space<hbm>>
        %dma_wait3A_188 = arith.constant 128 : i32
        %dma_wait3A_189 = arith.constant 0 : i32
        %dma_wait3A_190 = tpu.memref_slice %arg12[%dma_wait3A_188, %dma_wait3A_189] : memref<200x128xf32, #tpu.memory_space<vmem>> -> memref<72x128xf32, #tpu.memory_space<vmem>>
        %dma_wait3A_191 = arith.constant 0 : i32
        %dma_wait3A_192 = arith.constant 0 : i32
        %dma_wait3A_193 = tpu.memref_slice %arg3[%dma_wait3A_191, %dma_wait3A_192] : memref<10000x128xf32, #tpu.memory_space<hbm>> -> memref<72x128xf32, #tpu.memory_space<hbm>>
        tpu.wait_dma2 semaphore(%arg16 : memref<!tpu.dma_semaphore, #tpu.memory_space<semaphore_mem>>) src(%dma_wait3A_193 : memref<72x128xf32, #tpu.memory_space<hbm>>) dst(%dma_wait3A_190 : memref<72x128xf32, #tpu.memory_space<vmem>>)
        %ge3A = arith.constant 2 : i32
        %ge3A_194 = arith.cmpi sge, %scan3A_94, %ge3A : i32
        %convert_element_type3A_195 = arith.extui %ge3A_194 : i1 to i32
        %cond3A_196 = arith.constant 0 : i32
        %cond3A_197 = arith.cmpi ne, %convert_element_type3A_195, %cond3A_196 : i32
        scf.if %cond3A_197 {
          %dma_wait3A_212 = arith.constant 0 : i32
          %dma_wait3A_213 = tpu.memref_slice %arg7[%mul3A_47, %dma_wait3A_212] : memref<64000x128xf32, #tpu.memory_space<hbm>> -> memref<200x128xf32, #tpu.memory_space<hbm>>
          %dma_wait3A_214 = arith.constant 0 : i32
          %dma_wait3A_215 = tpu.memref_slice %arg7[%mul3A_47, %dma_wait3A_214] : memref<64000x128xf32, #tpu.memory_space<hbm>> -> memref<200x128xf32, #tpu.memory_space<hbm>>
          tpu.wait_dma2 semaphore(%arg18 : memref<!tpu.dma_semaphore, #tpu.memory_space<semaphore_mem>>) src(%arg10 : memref<200x128xf32, #tpu.memory_space<vmem>>) dst(%dma_wait3A_215 : memref<200x128xf32, #tpu.memory_space<hbm>>)
        } else {
        }
        %add3A_198 = arith.constant 2 : i32
        %add3A_199 = arith.addi %scan3A_94, %add3A_198 : i32
        %lt3A_200 = arith.constant 10 : i32
        %lt3A_201 = arith.cmpi slt, %add3A_199, %lt3A_200 : i32
        %convert_element_type3A_202 = arith.extui %lt3A_201 : i1 to i32
        %cond3A_203 = arith.constant 0 : i32
        %cond3A_204 = arith.cmpi ne, %convert_element_type3A_202, %cond3A_203 : i32
        scf.if %cond3A_204 {
          %add3A_212 = arith.constant 2 : i32
          %add3A_213 = arith.addi %scan3A_94, %add3A_212 : i32
          %mul3A_214 = arith.constant 200 : i32
          %mul3A_215 = arith.muli %add3A_213, %mul3A_214 : i32
          %add3A_216 = arith.constant 0 : i32
          %add3A_217 = arith.addi %mul3A_215, %add3A_216 : i32
          %dma_start3A_218 = arith.constant 0 : i32
          %dma_start3A_219 = arith.constant 0 : i32
          %dma_start3A_220 = tpu.memref_slice %arg10[%dma_start3A_218, %dma_start3A_219] : memref<200x128xf32, #tpu.memory_space<vmem>> -> memref<128x128xf32, #tpu.memory_space<vmem>>
          %dma_start3A_221 = tpu.memref_slice %arg8[%add3A_217] : memref<2000xi32, #tpu.memory_space<vmem>> -> memref<128xi32, #tpu.memory_space<vmem>>
          %dma_start3A_222 = arith.constant 0 : i32
          %dma_start3A_223 = arith.constant 0 : i32
          %dma_start3A_224 = tpu.memref_slice %arg3[%dma_start3A_222, %dma_start3A_223] : memref<10000x128xf32, #tpu.memory_space<hbm>> -> memref<10000x128xf32, #tpu.memory_space<hbm>>
          tpu.enqueue_indirect_dma source(%dma_start3A_224 : memref<10000x128xf32, #tpu.memory_space<hbm>>) target(%dma_start3A_220 : memref<128x128xf32, #tpu.memory_space<vmem>>) offsets(%dma_start3A_221 : memref<128xi32, #tpu.memory_space<vmem>>) semaphore(%arg14 : memref<!tpu.dma_semaphore, #tpu.memory_space<semaphore_mem>>)
          %mul3A_225 = arith.constant 200 : i32
          %mul3A_226 = arith.muli %add3A_213, %mul3A_225 : i32
          %add3A_227 = arith.constant 128 : i32
          %add3A_228 = arith.addi %mul3A_226, %add3A_227 : i32
          %dma_start3A_229 = arith.constant 128 : i32
          %dma_start3A_230 = arith.constant 0 : i32
          %dma_start3A_231 = tpu.memref_slice %arg10[%dma_start3A_229, %dma_start3A_230] : memref<200x128xf32, #tpu.memory_space<vmem>> -> memref<72x128xf32, #tpu.memory_space<vmem>>
          %dma_start3A_232 = tpu.memref_slice %arg8[%add3A_228] : memref<2000xi32, #tpu.memory_space<vmem>> -> memref<72xi32, #tpu.memory_space<vmem>>
          %dma_start3A_233 = arith.constant 0 : i32
          %dma_start3A_234 = arith.constant 0 : i32
          %dma_start3A_235 = tpu.memref_slice %arg3[%dma_start3A_233, %dma_start3A_234] : memref<10000x128xf32, #tpu.memory_space<hbm>> -> memref<10000x128xf32, #tpu.memory_space<hbm>>
          tpu.enqueue_indirect_dma source(%dma_start3A_235 : memref<10000x128xf32, #tpu.memory_space<hbm>>) target(%dma_start3A_231 : memref<72x128xf32, #tpu.memory_space<vmem>>) offsets(%dma_start3A_232 : memref<72xi32, #tpu.memory_space<vmem>>) semaphore(%arg14 : memref<!tpu.dma_semaphore, #tpu.memory_space<semaphore_mem>>)
        } else {
        }
        %mul3A_205 = arith.constant 200 : i32
        %mul3A_206 = arith.muli %scan3A_94, %mul3A_205 : i32
        %add3A_207 = arith.addi %mul3A_47, %mul3A_206 : i32
        %dma_start3A_208 = arith.constant 0 : i32
        %dma_start3A_209 = tpu.memref_slice %arg7[%add3A_207, %dma_start3A_208] : memref<64000x128xf32, #tpu.memory_space<hbm>> -> memref<200x128xf32, #tpu.memory_space<hbm>>
        %dma_start3A_210 = arith.constant 0 : i32
        %dma_start3A_211 = tpu.memref_slice %arg7[%add3A_207, %dma_start3A_210] : memref<64000x128xf32, #tpu.memory_space<hbm>> -> memref<200x128xf32, #tpu.memory_space<hbm>>
        tpu.enqueue_dma source(%arg12 : memref<200x128xf32, #tpu.memory_space<vmem>>) target(%dma_start3A_211 : memref<200x128xf32, #tpu.memory_space<hbm>>) target_semaphore(%arg20 : memref<!tpu.dma_semaphore, #tpu.memory_space<semaphore_mem>>)
      } else {
      }
    }
    %scan3A_85 = arith.constant 10 : i32
    %dma_wait3A_86 = arith.constant 0 : i32
    %dma_wait3A_87 = tpu.memref_slice %arg7[%mul3A_47, %dma_wait3A_86] : memref<64000x128xf32, #tpu.memory_space<hbm>> -> memref<200x128xf32, #tpu.memory_space<hbm>>
    %dma_wait3A_88 = arith.constant 0 : i32
    %dma_wait3A_89 = tpu.memref_slice %arg7[%mul3A_47, %dma_wait3A_88] : memref<64000x128xf32, #tpu.memory_space<hbm>> -> memref<200x128xf32, #tpu.memory_space<hbm>>
    tpu.wait_dma2 semaphore(%arg18 : memref<!tpu.dma_semaphore, #tpu.memory_space<semaphore_mem>>) src(%arg10 : memref<200x128xf32, #tpu.memory_space<vmem>>) dst(%dma_wait3A_89 : memref<200x128xf32, #tpu.memory_space<hbm>>)
    %dma_wait3A_90 = arith.constant 0 : i32
    %dma_wait3A_91 = tpu.memref_slice %arg7[%mul3A_47, %dma_wait3A_90] : memref<64000x128xf32, #tpu.memory_space<hbm>> -> memref<200x128xf32, #tpu.memory_space<hbm>>
    %dma_wait3A_92 = arith.constant 0 : i32
    %dma_wait3A_93 = tpu.memref_slice %arg7[%mul3A_47, %dma_wait3A_92] : memref<64000x128xf32, #tpu.memory_space<hbm>> -> memref<200x128xf32, #tpu.memory_space<hbm>>
    tpu.wait_dma2 semaphore(%arg17 : memref<!tpu.dma_semaphore, #tpu.memory_space<semaphore_mem>>) src(%arg9 : memref<200x128xf32, #tpu.memory_space<vmem>>) dst(%dma_wait3A_93 : memref<200x128xf32, #tpu.memory_space<hbm>>)
    return
  }
}

#map = affine_map<(d0, d1) -> (0, 0)>
#map1 = affine_map<(d0, d1) -> (0)>
module attributes {stable_mosaic.version = 14 : i64} {
  func.func @_sc_body(%arg0: i32, %arg1: i32, %arg2: memref<10000x128xf32, #tpu.memory_space<hbm>>, %arg3: memref<10000x128xf32, #tpu.memory_space<hbm>>, %arg4: memref<320000xi32, #tpu.memory_space<hbm>>, %arg5: memref<320000xi32, #tpu.memory_space<hbm>>, %arg6: memref<320000x128xf32, #tpu.memory_space<hbm>>, %arg7: memref<320000x128xf32, #tpu.memory_space<hbm>>, %arg8: memref<10000xi32, #tpu.memory_space<vmem>>, %arg9: memref<200x128xf32, #tpu.memory_space<vmem>>, %arg10: memref<200x128xf32, #tpu.memory_space<vmem>>, %arg11: memref<200x128xf32, #tpu.memory_space<vmem>>, %arg12: memref<200x128xf32, #tpu.memory_space<vmem>>, %arg13: memref<!tpu.dma_semaphore, #tpu.memory_space<semaphore_mem>>, %arg14: memref<!tpu.dma_semaphore, #tpu.memory_space<semaphore_mem>>, %arg15: memref<!tpu.dma_semaphore, #tpu.memory_space<semaphore_mem>>, %arg16: memref<!tpu.dma_semaphore, #tpu.memory_space<semaphore_mem>>, %arg17: memref<!tpu.dma_semaphore, #tpu.memory_space<semaphore_mem>>, %arg18: memref<!tpu.dma_semaphore, #tpu.memory_space<semaphore_mem>>, %arg19: memref<!tpu.dma_semaphore, #tpu.memory_space<semaphore_mem>>, %arg20: memref<!tpu.dma_semaphore, #tpu.memory_space<semaphore_mem>>) attributes {dimension_semantics = [#tpu.dimension_semantics<core_parallel>, #tpu.dimension_semantics<subcore_parallel>], iteration_bounds = array<i64: 2, 16>, scalar_prefetch = 0 : i64, scratch_operands = 13 : i64, tpu.core_type = #tpu.core_type<sc_vector_subcore>, window_params = [{transform_indices = #map}, {transform_indices = #map}, {transform_indices = #map1}, {transform_indices = #map1}, {transform_indices = #map}, {transform_indices = #map}]} {
    %mul3A = arith.constant 2 : i32
    %mul3A_0 = arith.muli %arg1, %mul3A : i32
    %add3A = arith.addi %mul3A_0, %arg0 : i32
    %mul3A_1 = arith.constant 10000 : i32
    %mul3A_2 = arith.muli %add3A, %mul3A_1 : i32
    "tpu.region"() ({
      %run_scoped3A = tpu.sem_alloc : memref<!tpu.dma_semaphore, #tpu.memory_space<semaphore_mem>>
      %dma_start3A_94 = arith.constant 0 : i32
      %dma_start3A_95 = tpu.memref_slice %arg8[%dma_start3A_94] : memref<10000xi32, #tpu.memory_space<vmem>> -> memref<10000xi32, #tpu.memory_space<vmem>>
      %dma_start3A_96 = tpu.memref_slice %arg4[%mul3A_2] : memref<320000xi32, #tpu.memory_space<hbm>> -> memref<10000xi32, #tpu.memory_space<hbm>>
      %dma_start3A_97 = arith.constant 0 : i32
      %dma_start3A_98 = tpu.memref_slice %arg8[%dma_start3A_97] : memref<10000xi32, #tpu.memory_space<vmem>> -> memref<10000xi32, #tpu.memory_space<vmem>>
      %dma_start3A_99 = tpu.memref_slice %arg4[%mul3A_2] : memref<320000xi32, #tpu.memory_space<hbm>> -> memref<10000xi32, #tpu.memory_space<hbm>>
      tpu.enqueue_dma source(%dma_start3A_99 : memref<10000xi32, #tpu.memory_space<hbm>>) target(%dma_start3A_98 : memref<10000xi32, #tpu.memory_space<vmem>>) target_semaphore(%run_scoped3A : memref<!tpu.dma_semaphore, #tpu.memory_space<semaphore_mem>>)
      %dma_wait3A_100 = arith.constant 0 : i32
      %dma_wait3A_101 = tpu.memref_slice %arg8[%dma_wait3A_100] : memref<10000xi32, #tpu.memory_space<vmem>> -> memref<10000xi32, #tpu.memory_space<vmem>>
      %dma_wait3A_102 = tpu.memref_slice %arg4[%mul3A_2] : memref<320000xi32, #tpu.memory_space<hbm>> -> memref<10000xi32, #tpu.memory_space<hbm>>
      %dma_wait3A_103 = arith.constant 0 : i32
      %dma_wait3A_104 = tpu.memref_slice %arg8[%dma_wait3A_103] : memref<10000xi32, #tpu.memory_space<vmem>> -> memref<10000xi32, #tpu.memory_space<vmem>>
      %dma_wait3A_105 = tpu.memref_slice %arg4[%mul3A_2] : memref<320000xi32, #tpu.memory_space<hbm>> -> memref<10000xi32, #tpu.memory_space<hbm>>
      tpu.wait_dma2 semaphore(%run_scoped3A : memref<!tpu.dma_semaphore, #tpu.memory_space<semaphore_mem>>) src(%dma_wait3A_105 : memref<10000xi32, #tpu.memory_space<hbm>>) dst(%dma_wait3A_104 : memref<10000xi32, #tpu.memory_space<vmem>>)
      tpu.yield
    }) : () -> ()
    %dma_start3A = arith.constant 0 : i32
    %dma_start3A_3 = arith.constant 0 : i32
    %dma_start3A_4 = tpu.memref_slice %arg9[%dma_start3A, %dma_start3A_3] : memref<200x128xf32, #tpu.memory_space<vmem>> -> memref<128x128xf32, #tpu.memory_space<vmem>>
    %dma_start3A_5 = arith.constant 0 : i32
    %dma_start3A_6 = tpu.memref_slice %arg8[%dma_start3A_5] : memref<10000xi32, #tpu.memory_space<vmem>> -> memref<128xi32, #tpu.memory_space<vmem>>
    %dma_start3A_7 = arith.constant 0 : i32
    %dma_start3A_8 = arith.constant 0 : i32
    %dma_start3A_9 = tpu.memref_slice %arg2[%dma_start3A_7, %dma_start3A_8] : memref<10000x128xf32, #tpu.memory_space<hbm>> -> memref<10000x128xf32, #tpu.memory_space<hbm>>
    tpu.enqueue_indirect_dma source(%dma_start3A_9 : memref<10000x128xf32, #tpu.memory_space<hbm>>) target(%dma_start3A_4 : memref<128x128xf32, #tpu.memory_space<vmem>>) offsets(%dma_start3A_6 : memref<128xi32, #tpu.memory_space<vmem>>) semaphore(%arg13 : memref<!tpu.dma_semaphore, #tpu.memory_space<semaphore_mem>>)
    %dma_start3A_10 = arith.constant 128 : i32
    %dma_start3A_11 = arith.constant 0 : i32
    %dma_start3A_12 = tpu.memref_slice %arg9[%dma_start3A_10, %dma_start3A_11] : memref<200x128xf32, #tpu.memory_space<vmem>> -> memref<72x128xf32, #tpu.memory_space<vmem>>
    %dma_start3A_13 = arith.constant 128 : i32
    %dma_start3A_14 = tpu.memref_slice %arg8[%dma_start3A_13] : memref<10000xi32, #tpu.memory_space<vmem>> -> memref<72xi32, #tpu.memory_space<vmem>>
    %dma_start3A_15 = arith.constant 0 : i32
    %dma_start3A_16 = arith.constant 0 : i32
    %dma_start3A_17 = tpu.memref_slice %arg2[%dma_start3A_15, %dma_start3A_16] : memref<10000x128xf32, #tpu.memory_space<hbm>> -> memref<10000x128xf32, #tpu.memory_space<hbm>>
    tpu.enqueue_indirect_dma source(%dma_start3A_17 : memref<10000x128xf32, #tpu.memory_space<hbm>>) target(%dma_start3A_12 : memref<72x128xf32, #tpu.memory_space<vmem>>) offsets(%dma_start3A_14 : memref<72xi32, #tpu.memory_space<vmem>>) semaphore(%arg13 : memref<!tpu.dma_semaphore, #tpu.memory_space<semaphore_mem>>)
    %dma_start3A_18 = arith.constant 0 : i32
    %dma_start3A_19 = arith.constant 0 : i32
    %dma_start3A_20 = tpu.memref_slice %arg10[%dma_start3A_18, %dma_start3A_19] : memref<200x128xf32, #tpu.memory_space<vmem>> -> memref<128x128xf32, #tpu.memory_space<vmem>>
    %dma_start3A_21 = arith.constant 200 : i32
    %dma_start3A_22 = tpu.memref_slice %arg8[%dma_start3A_21] : memref<10000xi32, #tpu.memory_space<vmem>> -> memref<128xi32, #tpu.memory_space<vmem>>
    %dma_start3A_23 = arith.constant 0 : i32
    %dma_start3A_24 = arith.constant 0 : i32
    %dma_start3A_25 = tpu.memref_slice %arg2[%dma_start3A_23, %dma_start3A_24] : memref<10000x128xf32, #tpu.memory_space<hbm>> -> memref<10000x128xf32, #tpu.memory_space<hbm>>
    tpu.enqueue_indirect_dma source(%dma_start3A_25 : memref<10000x128xf32, #tpu.memory_space<hbm>>) target(%dma_start3A_20 : memref<128x128xf32, #tpu.memory_space<vmem>>) offsets(%dma_start3A_22 : memref<128xi32, #tpu.memory_space<vmem>>) semaphore(%arg14 : memref<!tpu.dma_semaphore, #tpu.memory_space<semaphore_mem>>)
    %dma_start3A_26 = arith.constant 128 : i32
    %dma_start3A_27 = arith.constant 0 : i32
    %dma_start3A_28 = tpu.memref_slice %arg10[%dma_start3A_26, %dma_start3A_27] : memref<200x128xf32, #tpu.memory_space<vmem>> -> memref<72x128xf32, #tpu.memory_space<vmem>>
    %dma_start3A_29 = arith.constant 328 : i32
    %dma_start3A_30 = tpu.memref_slice %arg8[%dma_start3A_29] : memref<10000xi32, #tpu.memory_space<vmem>> -> memref<72xi32, #tpu.memory_space<vmem>>
    %dma_start3A_31 = arith.constant 0 : i32
    %dma_start3A_32 = arith.constant 0 : i32
    %dma_start3A_33 = tpu.memref_slice %arg2[%dma_start3A_31, %dma_start3A_32] : memref<10000x128xf32, #tpu.memory_space<hbm>> -> memref<10000x128xf32, #tpu.memory_space<hbm>>
    tpu.enqueue_indirect_dma source(%dma_start3A_33 : memref<10000x128xf32, #tpu.memory_space<hbm>>) target(%dma_start3A_28 : memref<72x128xf32, #tpu.memory_space<vmem>>) offsets(%dma_start3A_30 : memref<72xi32, #tpu.memory_space<vmem>>) semaphore(%arg14 : memref<!tpu.dma_semaphore, #tpu.memory_space<semaphore_mem>>)
    %scan3A = arith.constant 0 : i32
    %scan3A_34 = arith.constant 0 : i32
    %scan3A_35 = arith.constant 50 : i32
    %scan3A_36 = arith.addi %scan3A_34, %scan3A_35 : i32
    %scan3A_37 = arith.constant 1 : i32
    scf.for %scan3A_94 = %scan3A_34 to %scan3A_36 step %scan3A_37  : i32 {
      %jit3A = arith.constant 4 : i32
      %eq3A = arith.constant 0 : i32
      %eq3A_95 = arith.cmpi eq, %jit3A, %eq3A : i32
      %jit3A_96 = arith.constant 1 : i32
      %select_n3A = arith.select %eq3A_95, %jit3A_96, %jit3A : i32
      %rem3A = arith.remsi %scan3A_94, %select_n3A : i32
      %ne3A = arith.constant 0 : i32
      %ne3A_97 = arith.cmpi ne, %rem3A, %ne3A : i32
      %lt3A = arith.constant 0 : i32
      %lt3A_98 = arith.cmpi slt, %rem3A, %lt3A : i32
      %lt3A_99 = arith.constant 0 : i32
      %lt3A_100 = arith.cmpi slt, %select_n3A, %lt3A_99 : i32
      %ne3A_101 = arith.xori %lt3A_98, %lt3A_100 : i1
      %and3A = arith.andi %ne3A_101, %ne3A_97 : i1
      %add3A_102 = arith.addi %rem3A, %select_n3A : i32
      %select_n3A_103 = arith.select %and3A, %add3A_102, %rem3A : i32
      %eq3A_104 = arith.constant 0 : i32
      %eq3A_105 = arith.cmpi eq, %select_n3A_103, %eq3A_104 : i32
      %convert_element_type3A = arith.extui %eq3A_105 : i1 to i32
      %cond3A = arith.constant 0 : i32
      %cond3A_106 = arith.cmpi ne, %convert_element_type3A, %cond3A : i32
      scf.if %cond3A_106 {
        %dma_wait3A_170 = arith.constant 0 : i32
        %dma_wait3A_171 = arith.constant 0 : i32
        %dma_wait3A_172 = tpu.memref_slice %arg9[%dma_wait3A_170, %dma_wait3A_171] : memref<200x128xf32, #tpu.memory_space<vmem>> -> memref<128x128xf32, #tpu.memory_space<vmem>>
        %dma_wait3A_173 = arith.constant 0 : i32
        %dma_wait3A_174 = arith.constant 0 : i32
        %dma_wait3A_175 = tpu.memref_slice %arg2[%dma_wait3A_173, %dma_wait3A_174] : memref<10000x128xf32, #tpu.memory_space<hbm>> -> memref<128x128xf32, #tpu.memory_space<hbm>>
        %dma_wait3A_176 = arith.constant 0 : i32
        %dma_wait3A_177 = arith.constant 0 : i32
        %dma_wait3A_178 = tpu.memref_slice %arg9[%dma_wait3A_176, %dma_wait3A_177] : memref<200x128xf32, #tpu.memory_space<vmem>> -> memref<128x128xf32, #tpu.memory_space<vmem>>
        %dma_wait3A_179 = arith.constant 0 : i32
        %dma_wait3A_180 = arith.constant 0 : i32
        %dma_wait3A_181 = tpu.memref_slice %arg2[%dma_wait3A_179, %dma_wait3A_180] : memref<10000x128xf32, #tpu.memory_space<hbm>> -> memref<128x128xf32, #tpu.memory_space<hbm>>
        tpu.wait_dma2 semaphore(%arg13 : memref<!tpu.dma_semaphore, #tpu.memory_space<semaphore_mem>>) src(%dma_wait3A_181 : memref<128x128xf32, #tpu.memory_space<hbm>>) dst(%dma_wait3A_178 : memref<128x128xf32, #tpu.memory_space<vmem>>)
        %dma_wait3A_182 = arith.constant 128 : i32
        %dma_wait3A_183 = arith.constant 0 : i32
        %dma_wait3A_184 = tpu.memref_slice %arg9[%dma_wait3A_182, %dma_wait3A_183] : memref<200x128xf32, #tpu.memory_space<vmem>> -> memref<72x128xf32, #tpu.memory_space<vmem>>
        %dma_wait3A_185 = arith.constant 0 : i32
        %dma_wait3A_186 = arith.constant 0 : i32
        %dma_wait3A_187 = tpu.memref_slice %arg2[%dma_wait3A_185, %dma_wait3A_186] : memref<10000x128xf32, #tpu.memory_space<hbm>> -> memref<72x128xf32, #tpu.memory_space<hbm>>
        %dma_wait3A_188 = arith.constant 128 : i32
        %dma_wait3A_189 = arith.constant 0 : i32
        %dma_wait3A_190 = tpu.memref_slice %arg9[%dma_wait3A_188, %dma_wait3A_189] : memref<200x128xf32, #tpu.memory_space<vmem>> -> memref<72x128xf32, #tpu.memory_space<vmem>>
        %dma_wait3A_191 = arith.constant 0 : i32
        %dma_wait3A_192 = arith.constant 0 : i32
        %dma_wait3A_193 = tpu.memref_slice %arg2[%dma_wait3A_191, %dma_wait3A_192] : memref<10000x128xf32, #tpu.memory_space<hbm>> -> memref<72x128xf32, #tpu.memory_space<hbm>>
        tpu.wait_dma2 semaphore(%arg13 : memref<!tpu.dma_semaphore, #tpu.memory_space<semaphore_mem>>) src(%dma_wait3A_193 : memref<72x128xf32, #tpu.memory_space<hbm>>) dst(%dma_wait3A_190 : memref<72x128xf32, #tpu.memory_space<vmem>>)
        %ge3A = arith.constant 2 : i32
        %ge3A_194 = arith.cmpi sge, %scan3A_94, %ge3A : i32
        %convert_element_type3A_195 = arith.extui %ge3A_194 : i1 to i32
        %cond3A_196 = arith.constant 0 : i32
        %cond3A_197 = arith.cmpi ne, %convert_element_type3A_195, %cond3A_196 : i32
        scf.if %cond3A_197 {
          %dma_wait3A_212 = arith.constant 0 : i32
          %dma_wait3A_213 = tpu.memref_slice %arg6[%mul3A_2, %dma_wait3A_212] : memref<320000x128xf32, #tpu.memory_space<hbm>> -> memref<200x128xf32, #tpu.memory_space<hbm>>
          %dma_wait3A_214 = arith.constant 0 : i32
          %dma_wait3A_215 = tpu.memref_slice %arg6[%mul3A_2, %dma_wait3A_214] : memref<320000x128xf32, #tpu.memory_space<hbm>> -> memref<200x128xf32, #tpu.memory_space<hbm>>
          tpu.wait_dma2 semaphore(%arg19 : memref<!tpu.dma_semaphore, #tpu.memory_space<semaphore_mem>>) src(%arg11 : memref<200x128xf32, #tpu.memory_space<vmem>>) dst(%dma_wait3A_215 : memref<200x128xf32, #tpu.memory_space<hbm>>)
        } else {
        }
        %add3A_198 = arith.constant 2 : i32
        %add3A_199 = arith.addi %scan3A_94, %add3A_198 : i32
        %lt3A_200 = arith.constant 50 : i32
        %lt3A_201 = arith.cmpi slt, %add3A_199, %lt3A_200 : i32
        %convert_element_type3A_202 = arith.extui %lt3A_201 : i1 to i32
        %cond3A_203 = arith.constant 0 : i32
        %cond3A_204 = arith.cmpi ne, %convert_element_type3A_202, %cond3A_203 : i32
        scf.if %cond3A_204 {
          %add3A_212 = arith.constant 2 : i32
          %add3A_213 = arith.addi %scan3A_94, %add3A_212 : i32
          %mul3A_214 = arith.constant 200 : i32
          %mul3A_215 = arith.muli %add3A_213, %mul3A_214 : i32
          %add3A_216 = arith.constant 0 : i32
          %add3A_217 = arith.addi %mul3A_215, %add3A_216 : i32
          %dma_start3A_218 = arith.constant 0 : i32
          %dma_start3A_219 = arith.constant 0 : i32
          %dma_start3A_220 = tpu.memref_slice %arg11[%dma_start3A_218, %dma_start3A_219] : memref<200x128xf32, #tpu.memory_space<vmem>> -> memref<128x128xf32, #tpu.memory_space<vmem>>
          %dma_start3A_221 = tpu.memref_slice %arg8[%add3A_217] : memref<10000xi32, #tpu.memory_space<vmem>> -> memref<128xi32, #tpu.memory_space<vmem>>
          %dma_start3A_222 = arith.constant 0 : i32
          %dma_start3A_223 = arith.constant 0 : i32
          %dma_start3A_224 = tpu.memref_slice %arg2[%dma_start3A_222, %dma_start3A_223] : memref<10000x128xf32, #tpu.memory_space<hbm>> -> memref<10000x128xf32, #tpu.memory_space<hbm>>
          tpu.enqueue_indirect_dma source(%dma_start3A_224 : memref<10000x128xf32, #tpu.memory_space<hbm>>) target(%dma_start3A_220 : memref<128x128xf32, #tpu.memory_space<vmem>>) offsets(%dma_start3A_221 : memref<128xi32, #tpu.memory_space<vmem>>) semaphore(%arg15 : memref<!tpu.dma_semaphore, #tpu.memory_space<semaphore_mem>>)
          %mul3A_225 = arith.constant 200 : i32
          %mul3A_226 = arith.muli %add3A_213, %mul3A_225 : i32
          %add3A_227 = arith.constant 128 : i32
          %add3A_228 = arith.addi %mul3A_226, %add3A_227 : i32
          %dma_start3A_229 = arith.constant 128 : i32
          %dma_start3A_230 = arith.constant 0 : i32
          %dma_start3A_231 = tpu.memref_slice %arg11[%dma_start3A_229, %dma_start3A_230] : memref<200x128xf32, #tpu.memory_space<vmem>> -> memref<72x128xf32, #tpu.memory_space<vmem>>
          %dma_start3A_232 = tpu.memref_slice %arg8[%add3A_228] : memref<10000xi32, #tpu.memory_space<vmem>> -> memref<72xi32, #tpu.memory_space<vmem>>
          %dma_start3A_233 = arith.constant 0 : i32
          %dma_start3A_234 = arith.constant 0 : i32
          %dma_start3A_235 = tpu.memref_slice %arg2[%dma_start3A_233, %dma_start3A_234] : memref<10000x128xf32, #tpu.memory_space<hbm>> -> memref<10000x128xf32, #tpu.memory_space<hbm>>
          tpu.enqueue_indirect_dma source(%dma_start3A_235 : memref<10000x128xf32, #tpu.memory_space<hbm>>) target(%dma_start3A_231 : memref<72x128xf32, #tpu.memory_space<vmem>>) offsets(%dma_start3A_232 : memref<72xi32, #tpu.memory_space<vmem>>) semaphore(%arg15 : memref<!tpu.dma_semaphore, #tpu.memory_space<semaphore_mem>>)
        } else {
        }
        %mul3A_205 = arith.constant 200 : i32
        %mul3A_206 = arith.muli %scan3A_94, %mul3A_205 : i32
        %add3A_207 = arith.addi %mul3A_2, %mul3A_206 : i32
        %dma_start3A_208 = arith.constant 0 : i32
        %dma_start3A_209 = tpu.memref_slice %arg6[%add3A_207, %dma_start3A_208] : memref<320000x128xf32, #tpu.memory_space<hbm>> -> memref<200x128xf32, #tpu.memory_space<hbm>>
        %dma_start3A_210 = arith.constant 0 : i32
        %dma_start3A_211 = tpu.memref_slice %arg6[%add3A_207, %dma_start3A_210] : memref<320000x128xf32, #tpu.memory_space<hbm>> -> memref<200x128xf32, #tpu.memory_space<hbm>>
        tpu.enqueue_dma source(%arg9 : memref<200x128xf32, #tpu.memory_space<vmem>>) target(%dma_start3A_211 : memref<200x128xf32, #tpu.memory_space<hbm>>) target_semaphore(%arg17 : memref<!tpu.dma_semaphore, #tpu.memory_space<semaphore_mem>>)
      } else {
      }
      %jit3A_107 = arith.constant 4 : i32
      %eq3A_108 = arith.constant 0 : i32
      %eq3A_109 = arith.cmpi eq, %jit3A_107, %eq3A_108 : i32
      %jit3A_110 = arith.constant 1 : i32
      %select_n3A_111 = arith.select %eq3A_109, %jit3A_110, %jit3A_107 : i32
      %rem3A_112 = arith.remsi %scan3A_94, %select_n3A_111 : i32
      %ne3A_113 = arith.constant 0 : i32
      %ne3A_114 = arith.cmpi ne, %rem3A_112, %ne3A_113 : i32
      %lt3A_115 = arith.constant 0 : i32
      %lt3A_116 = arith.cmpi slt, %rem3A_112, %lt3A_115 : i32
      %lt3A_117 = arith.constant 0 : i32
      %lt3A_118 = arith.cmpi slt, %select_n3A_111, %lt3A_117 : i32
      %ne3A_119 = arith.xori %lt3A_116, %lt3A_118 : i1
      %and3A_120 = arith.andi %ne3A_119, %ne3A_114 : i1
      %add3A_121 = arith.addi %rem3A_112, %select_n3A_111 : i32
      %select_n3A_122 = arith.select %and3A_120, %add3A_121, %rem3A_112 : i32
      %eq3A_123 = arith.constant 1 : i32
      %eq3A_124 = arith.cmpi eq, %select_n3A_122, %eq3A_123 : i32
      %convert_element_type3A_125 = arith.extui %eq3A_124 : i1 to i32
      %cond3A_126 = arith.constant 0 : i32
      %cond3A_127 = arith.cmpi ne, %convert_element_type3A_125, %cond3A_126 : i32
      scf.if %cond3A_127 {
        %dma_wait3A_170 = arith.constant 0 : i32
        %dma_wait3A_171 = arith.constant 0 : i32
        %dma_wait3A_172 = tpu.memref_slice %arg10[%dma_wait3A_170, %dma_wait3A_171] : memref<200x128xf32, #tpu.memory_space<vmem>> -> memref<128x128xf32, #tpu.memory_space<vmem>>
        %dma_wait3A_173 = arith.constant 0 : i32
        %dma_wait3A_174 = arith.constant 0 : i32
        %dma_wait3A_175 = tpu.memref_slice %arg2[%dma_wait3A_173, %dma_wait3A_174] : memref<10000x128xf32, #tpu.memory_space<hbm>> -> memref<128x128xf32, #tpu.memory_space<hbm>>
        %dma_wait3A_176 = arith.constant 0 : i32
        %dma_wait3A_177 = arith.constant 0 : i32
        %dma_wait3A_178 = tpu.memref_slice %arg10[%dma_wait3A_176, %dma_wait3A_177] : memref<200x128xf32, #tpu.memory_space<vmem>> -> memref<128x128xf32, #tpu.memory_space<vmem>>
        %dma_wait3A_179 = arith.constant 0 : i32
        %dma_wait3A_180 = arith.constant 0 : i32
        %dma_wait3A_181 = tpu.memref_slice %arg2[%dma_wait3A_179, %dma_wait3A_180] : memref<10000x128xf32, #tpu.memory_space<hbm>> -> memref<128x128xf32, #tpu.memory_space<hbm>>
        tpu.wait_dma2 semaphore(%arg14 : memref<!tpu.dma_semaphore, #tpu.memory_space<semaphore_mem>>) src(%dma_wait3A_181 : memref<128x128xf32, #tpu.memory_space<hbm>>) dst(%dma_wait3A_178 : memref<128x128xf32, #tpu.memory_space<vmem>>)
        %dma_wait3A_182 = arith.constant 128 : i32
        %dma_wait3A_183 = arith.constant 0 : i32
        %dma_wait3A_184 = tpu.memref_slice %arg10[%dma_wait3A_182, %dma_wait3A_183] : memref<200x128xf32, #tpu.memory_space<vmem>> -> memref<72x128xf32, #tpu.memory_space<vmem>>
        %dma_wait3A_185 = arith.constant 0 : i32
        %dma_wait3A_186 = arith.constant 0 : i32
        %dma_wait3A_187 = tpu.memref_slice %arg2[%dma_wait3A_185, %dma_wait3A_186] : memref<10000x128xf32, #tpu.memory_space<hbm>> -> memref<72x128xf32, #tpu.memory_space<hbm>>
        %dma_wait3A_188 = arith.constant 128 : i32
        %dma_wait3A_189 = arith.constant 0 : i32
        %dma_wait3A_190 = tpu.memref_slice %arg10[%dma_wait3A_188, %dma_wait3A_189] : memref<200x128xf32, #tpu.memory_space<vmem>> -> memref<72x128xf32, #tpu.memory_space<vmem>>
        %dma_wait3A_191 = arith.constant 0 : i32
        %dma_wait3A_192 = arith.constant 0 : i32
        %dma_wait3A_193 = tpu.memref_slice %arg2[%dma_wait3A_191, %dma_wait3A_192] : memref<10000x128xf32, #tpu.memory_space<hbm>> -> memref<72x128xf32, #tpu.memory_space<hbm>>
        tpu.wait_dma2 semaphore(%arg14 : memref<!tpu.dma_semaphore, #tpu.memory_space<semaphore_mem>>) src(%dma_wait3A_193 : memref<72x128xf32, #tpu.memory_space<hbm>>) dst(%dma_wait3A_190 : memref<72x128xf32, #tpu.memory_space<vmem>>)
        %ge3A = arith.constant 2 : i32
        %ge3A_194 = arith.cmpi sge, %scan3A_94, %ge3A : i32
        %convert_element_type3A_195 = arith.extui %ge3A_194 : i1 to i32
        %cond3A_196 = arith.constant 0 : i32
        %cond3A_197 = arith.cmpi ne, %convert_element_type3A_195, %cond3A_196 : i32
        scf.if %cond3A_197 {
          %dma_wait3A_212 = arith.constant 0 : i32
          %dma_wait3A_213 = tpu.memref_slice %arg6[%mul3A_2, %dma_wait3A_212] : memref<320000x128xf32, #tpu.memory_space<hbm>> -> memref<200x128xf32, #tpu.memory_space<hbm>>
          %dma_wait3A_214 = arith.constant 0 : i32
          %dma_wait3A_215 = tpu.memref_slice %arg6[%mul3A_2, %dma_wait3A_214] : memref<320000x128xf32, #tpu.memory_space<hbm>> -> memref<200x128xf32, #tpu.memory_space<hbm>>
          tpu.wait_dma2 semaphore(%arg20 : memref<!tpu.dma_semaphore, #tpu.memory_space<semaphore_mem>>) src(%arg12 : memref<200x128xf32, #tpu.memory_space<vmem>>) dst(%dma_wait3A_215 : memref<200x128xf32, #tpu.memory_space<hbm>>)
        } else {
        }
        %add3A_198 = arith.constant 2 : i32
        %add3A_199 = arith.addi %scan3A_94, %add3A_198 : i32
        %lt3A_200 = arith.constant 50 : i32
        %lt3A_201 = arith.cmpi slt, %add3A_199, %lt3A_200 : i32
        %convert_element_type3A_202 = arith.extui %lt3A_201 : i1 to i32
        %cond3A_203 = arith.constant 0 : i32
        %cond3A_204 = arith.cmpi ne, %convert_element_type3A_202, %cond3A_203 : i32
        scf.if %cond3A_204 {
          %add3A_212 = arith.constant 2 : i32
          %add3A_213 = arith.addi %scan3A_94, %add3A_212 : i32
          %mul3A_214 = arith.constant 200 : i32
          %mul3A_215 = arith.muli %add3A_213, %mul3A_214 : i32
          %add3A_216 = arith.constant 0 : i32
          %add3A_217 = arith.addi %mul3A_215, %add3A_216 : i32
          %dma_start3A_218 = arith.constant 0 : i32
          %dma_start3A_219 = arith.constant 0 : i32
          %dma_start3A_220 = tpu.memref_slice %arg12[%dma_start3A_218, %dma_start3A_219] : memref<200x128xf32, #tpu.memory_space<vmem>> -> memref<128x128xf32, #tpu.memory_space<vmem>>
          %dma_start3A_221 = tpu.memref_slice %arg8[%add3A_217] : memref<10000xi32, #tpu.memory_space<vmem>> -> memref<128xi32, #tpu.memory_space<vmem>>
          %dma_start3A_222 = arith.constant 0 : i32
          %dma_start3A_223 = arith.constant 0 : i32
          %dma_start3A_224 = tpu.memref_slice %arg2[%dma_start3A_222, %dma_start3A_223] : memref<10000x128xf32, #tpu.memory_space<hbm>> -> memref<10000x128xf32, #tpu.memory_space<hbm>>
          tpu.enqueue_indirect_dma source(%dma_start3A_224 : memref<10000x128xf32, #tpu.memory_space<hbm>>) target(%dma_start3A_220 : memref<128x128xf32, #tpu.memory_space<vmem>>) offsets(%dma_start3A_221 : memref<128xi32, #tpu.memory_space<vmem>>) semaphore(%arg16 : memref<!tpu.dma_semaphore, #tpu.memory_space<semaphore_mem>>)
          %mul3A_225 = arith.constant 200 : i32
          %mul3A_226 = arith.muli %add3A_213, %mul3A_225 : i32
          %add3A_227 = arith.constant 128 : i32
          %add3A_228 = arith.addi %mul3A_226, %add3A_227 : i32
          %dma_start3A_229 = arith.constant 128 : i32
          %dma_start3A_230 = arith.constant 0 : i32
          %dma_start3A_231 = tpu.memref_slice %arg12[%dma_start3A_229, %dma_start3A_230] : memref<200x128xf32, #tpu.memory_space<vmem>> -> memref<72x128xf32, #tpu.memory_space<vmem>>
          %dma_start3A_232 = tpu.memref_slice %arg8[%add3A_228] : memref<10000xi32, #tpu.memory_space<vmem>> -> memref<72xi32, #tpu.memory_space<vmem>>
          %dma_start3A_233 = arith.constant 0 : i32
          %dma_start3A_234 = arith.constant 0 : i32
          %dma_start3A_235 = tpu.memref_slice %arg2[%dma_start3A_233, %dma_start3A_234] : memref<10000x128xf32, #tpu.memory_space<hbm>> -> memref<10000x128xf32, #tpu.memory_space<hbm>>
          tpu.enqueue_indirect_dma source(%dma_start3A_235 : memref<10000x128xf32, #tpu.memory_space<hbm>>) target(%dma_start3A_231 : memref<72x128xf32, #tpu.memory_space<vmem>>) offsets(%dma_start3A_232 : memref<72xi32, #tpu.memory_space<vmem>>) semaphore(%arg16 : memref<!tpu.dma_semaphore, #tpu.memory_space<semaphore_mem>>)
        } else {
        }
        %mul3A_205 = arith.constant 200 : i32
        %mul3A_206 = arith.muli %scan3A_94, %mul3A_205 : i32
        %add3A_207 = arith.addi %mul3A_2, %mul3A_206 : i32
        %dma_start3A_208 = arith.constant 0 : i32
        %dma_start3A_209 = tpu.memref_slice %arg6[%add3A_207, %dma_start3A_208] : memref<320000x128xf32, #tpu.memory_space<hbm>> -> memref<200x128xf32, #tpu.memory_space<hbm>>
        %dma_start3A_210 = arith.constant 0 : i32
        %dma_start3A_211 = tpu.memref_slice %arg6[%add3A_207, %dma_start3A_210] : memref<320000x128xf32, #tpu.memory_space<hbm>> -> memref<200x128xf32, #tpu.memory_space<hbm>>
        tpu.enqueue_dma source(%arg10 : memref<200x128xf32, #tpu.memory_space<vmem>>) target(%dma_start3A_211 : memref<200x128xf32, #tpu.memory_space<hbm>>) target_semaphore(%arg18 : memref<!tpu.dma_semaphore, #tpu.memory_space<semaphore_mem>>)
      } else {
      }
      %jit3A_128 = arith.constant 4 : i32
      %eq3A_129 = arith.constant 0 : i32
      %eq3A_130 = arith.cmpi eq, %jit3A_128, %eq3A_129 : i32
      %jit3A_131 = arith.constant 1 : i32
      %select_n3A_132 = arith.select %eq3A_130, %jit3A_131, %jit3A_128 : i32
      %rem3A_133 = arith.remsi %scan3A_94, %select_n3A_132 : i32
      %ne3A_134 = arith.constant 0 : i32
      %ne3A_135 = arith.cmpi ne, %rem3A_133, %ne3A_134 : i32
      %lt3A_136 = arith.constant 0 : i32
      %lt3A_137 = arith.cmpi slt, %rem3A_133, %lt3A_136 : i32
      %lt3A_138 = arith.constant 0 : i32
      %lt3A_139 = arith.cmpi slt, %select_n3A_132, %lt3A_138 : i32
      %ne3A_140 = arith.xori %lt3A_137, %lt3A_139 : i1
      %and3A_141 = arith.andi %ne3A_140, %ne3A_135 : i1
      %add3A_142 = arith.addi %rem3A_133, %select_n3A_132 : i32
      %select_n3A_143 = arith.select %and3A_141, %add3A_142, %rem3A_133 : i32
      %eq3A_144 = arith.constant 2 : i32
      %eq3A_145 = arith.cmpi eq, %select_n3A_143, %eq3A_144 : i32
      %convert_element_type3A_146 = arith.extui %eq3A_145 : i1 to i32
      %cond3A_147 = arith.constant 0 : i32
      %cond3A_148 = arith.cmpi ne, %convert_element_type3A_146, %cond3A_147 : i32
      scf.if %cond3A_148 {
        %dma_wait3A_170 = arith.constant 0 : i32
        %dma_wait3A_171 = arith.constant 0 : i32
        %dma_wait3A_172 = tpu.memref_slice %arg11[%dma_wait3A_170, %dma_wait3A_171] : memref<200x128xf32, #tpu.memory_space<vmem>> -> memref<128x128xf32, #tpu.memory_space<vmem>>
        %dma_wait3A_173 = arith.constant 0 : i32
        %dma_wait3A_174 = arith.constant 0 : i32
        %dma_wait3A_175 = tpu.memref_slice %arg2[%dma_wait3A_173, %dma_wait3A_174] : memref<10000x128xf32, #tpu.memory_space<hbm>> -> memref<128x128xf32, #tpu.memory_space<hbm>>
        %dma_wait3A_176 = arith.constant 0 : i32
        %dma_wait3A_177 = arith.constant 0 : i32
        %dma_wait3A_178 = tpu.memref_slice %arg11[%dma_wait3A_176, %dma_wait3A_177] : memref<200x128xf32, #tpu.memory_space<vmem>> -> memref<128x128xf32, #tpu.memory_space<vmem>>
        %dma_wait3A_179 = arith.constant 0 : i32
        %dma_wait3A_180 = arith.constant 0 : i32
        %dma_wait3A_181 = tpu.memref_slice %arg2[%dma_wait3A_179, %dma_wait3A_180] : memref<10000x128xf32, #tpu.memory_space<hbm>> -> memref<128x128xf32, #tpu.memory_space<hbm>>
        tpu.wait_dma2 semaphore(%arg15 : memref<!tpu.dma_semaphore, #tpu.memory_space<semaphore_mem>>) src(%dma_wait3A_181 : memref<128x128xf32, #tpu.memory_space<hbm>>) dst(%dma_wait3A_178 : memref<128x128xf32, #tpu.memory_space<vmem>>)
        %dma_wait3A_182 = arith.constant 128 : i32
        %dma_wait3A_183 = arith.constant 0 : i32
        %dma_wait3A_184 = tpu.memref_slice %arg11[%dma_wait3A_182, %dma_wait3A_183] : memref<200x128xf32, #tpu.memory_space<vmem>> -> memref<72x128xf32, #tpu.memory_space<vmem>>
        %dma_wait3A_185 = arith.constant 0 : i32
        %dma_wait3A_186 = arith.constant 0 : i32
        %dma_wait3A_187 = tpu.memref_slice %arg2[%dma_wait3A_185, %dma_wait3A_186] : memref<10000x128xf32, #tpu.memory_space<hbm>> -> memref<72x128xf32, #tpu.memory_space<hbm>>
        %dma_wait3A_188 = arith.constant 128 : i32
        %dma_wait3A_189 = arith.constant 0 : i32
        %dma_wait3A_190 = tpu.memref_slice %arg11[%dma_wait3A_188, %dma_wait3A_189] : memref<200x128xf32, #tpu.memory_space<vmem>> -> memref<72x128xf32, #tpu.memory_space<vmem>>
        %dma_wait3A_191 = arith.constant 0 : i32
        %dma_wait3A_192 = arith.constant 0 : i32
        %dma_wait3A_193 = tpu.memref_slice %arg2[%dma_wait3A_191, %dma_wait3A_192] : memref<10000x128xf32, #tpu.memory_space<hbm>> -> memref<72x128xf32, #tpu.memory_space<hbm>>
        tpu.wait_dma2 semaphore(%arg15 : memref<!tpu.dma_semaphore, #tpu.memory_space<semaphore_mem>>) src(%dma_wait3A_193 : memref<72x128xf32, #tpu.memory_space<hbm>>) dst(%dma_wait3A_190 : memref<72x128xf32, #tpu.memory_space<vmem>>)
        %ge3A = arith.constant 2 : i32
        %ge3A_194 = arith.cmpi sge, %scan3A_94, %ge3A : i32
        %convert_element_type3A_195 = arith.extui %ge3A_194 : i1 to i32
        %cond3A_196 = arith.constant 0 : i32
        %cond3A_197 = arith.cmpi ne, %convert_element_type3A_195, %cond3A_196 : i32
        scf.if %cond3A_197 {
          %dma_wait3A_212 = arith.constant 0 : i32
          %dma_wait3A_213 = tpu.memref_slice %arg6[%mul3A_2, %dma_wait3A_212] : memref<320000x128xf32, #tpu.memory_space<hbm>> -> memref<200x128xf32, #tpu.memory_space<hbm>>
          %dma_wait3A_214 = arith.constant 0 : i32
          %dma_wait3A_215 = tpu.memref_slice %arg6[%mul3A_2, %dma_wait3A_214] : memref<320000x128xf32, #tpu.memory_space<hbm>> -> memref<200x128xf32, #tpu.memory_space<hbm>>
          tpu.wait_dma2 semaphore(%arg17 : memref<!tpu.dma_semaphore, #tpu.memory_space<semaphore_mem>>) src(%arg9 : memref<200x128xf32, #tpu.memory_space<vmem>>) dst(%dma_wait3A_215 : memref<200x128xf32, #tpu.memory_space<hbm>>)
        } else {
        }
        %add3A_198 = arith.constant 2 : i32
        %add3A_199 = arith.addi %scan3A_94, %add3A_198 : i32
        %lt3A_200 = arith.constant 50 : i32
        %lt3A_201 = arith.cmpi slt, %add3A_199, %lt3A_200 : i32
        %convert_element_type3A_202 = arith.extui %lt3A_201 : i1 to i32
        %cond3A_203 = arith.constant 0 : i32
        %cond3A_204 = arith.cmpi ne, %convert_element_type3A_202, %cond3A_203 : i32
        scf.if %cond3A_204 {
          %add3A_212 = arith.constant 2 : i32
          %add3A_213 = arith.addi %scan3A_94, %add3A_212 : i32
          %mul3A_214 = arith.constant 200 : i32
          %mul3A_215 = arith.muli %add3A_213, %mul3A_214 : i32
          %add3A_216 = arith.constant 0 : i32
          %add3A_217 = arith.addi %mul3A_215, %add3A_216 : i32
          %dma_start3A_218 = arith.constant 0 : i32
          %dma_start3A_219 = arith.constant 0 : i32
          %dma_start3A_220 = tpu.memref_slice %arg9[%dma_start3A_218, %dma_start3A_219] : memref<200x128xf32, #tpu.memory_space<vmem>> -> memref<128x128xf32, #tpu.memory_space<vmem>>
          %dma_start3A_221 = tpu.memref_slice %arg8[%add3A_217] : memref<10000xi32, #tpu.memory_space<vmem>> -> memref<128xi32, #tpu.memory_space<vmem>>
          %dma_start3A_222 = arith.constant 0 : i32
          %dma_start3A_223 = arith.constant 0 : i32
          %dma_start3A_224 = tpu.memref_slice %arg2[%dma_start3A_222, %dma_start3A_223] : memref<10000x128xf32, #tpu.memory_space<hbm>> -> memref<10000x128xf32, #tpu.memory_space<hbm>>
          tpu.enqueue_indirect_dma source(%dma_start3A_224 : memref<10000x128xf32, #tpu.memory_space<hbm>>) target(%dma_start3A_220 : memref<128x128xf32, #tpu.memory_space<vmem>>) offsets(%dma_start3A_221 : memref<128xi32, #tpu.memory_space<vmem>>) semaphore(%arg13 : memref<!tpu.dma_semaphore, #tpu.memory_space<semaphore_mem>>)
          %mul3A_225 = arith.constant 200 : i32
          %mul3A_226 = arith.muli %add3A_213, %mul3A_225 : i32
          %add3A_227 = arith.constant 128 : i32
          %add3A_228 = arith.addi %mul3A_226, %add3A_227 : i32
          %dma_start3A_229 = arith.constant 128 : i32
          %dma_start3A_230 = arith.constant 0 : i32
          %dma_start3A_231 = tpu.memref_slice %arg9[%dma_start3A_229, %dma_start3A_230] : memref<200x128xf32, #tpu.memory_space<vmem>> -> memref<72x128xf32, #tpu.memory_space<vmem>>
          %dma_start3A_232 = tpu.memref_slice %arg8[%add3A_228] : memref<10000xi32, #tpu.memory_space<vmem>> -> memref<72xi32, #tpu.memory_space<vmem>>
          %dma_start3A_233 = arith.constant 0 : i32
          %dma_start3A_234 = arith.constant 0 : i32
          %dma_start3A_235 = tpu.memref_slice %arg2[%dma_start3A_233, %dma_start3A_234] : memref<10000x128xf32, #tpu.memory_space<hbm>> -> memref<10000x128xf32, #tpu.memory_space<hbm>>
          tpu.enqueue_indirect_dma source(%dma_start3A_235 : memref<10000x128xf32, #tpu.memory_space<hbm>>) target(%dma_start3A_231 : memref<72x128xf32, #tpu.memory_space<vmem>>) offsets(%dma_start3A_232 : memref<72xi32, #tpu.memory_space<vmem>>) semaphore(%arg13 : memref<!tpu.dma_semaphore, #tpu.memory_space<semaphore_mem>>)
        } else {
        }
        %mul3A_205 = arith.constant 200 : i32
        %mul3A_206 = arith.muli %scan3A_94, %mul3A_205 : i32
        %add3A_207 = arith.addi %mul3A_2, %mul3A_206 : i32
        %dma_start3A_208 = arith.constant 0 : i32
        %dma_start3A_209 = tpu.memref_slice %arg6[%add3A_207, %dma_start3A_208] : memref<320000x128xf32, #tpu.memory_space<hbm>> -> memref<200x128xf32, #tpu.memory_space<hbm>>
        %dma_start3A_210 = arith.constant 0 : i32
        %dma_start3A_211 = tpu.memref_slice %arg6[%add3A_207, %dma_start3A_210] : memref<320000x128xf32, #tpu.memory_space<hbm>> -> memref<200x128xf32, #tpu.memory_space<hbm>>
        tpu.enqueue_dma source(%arg11 : memref<200x128xf32, #tpu.memory_space<vmem>>) target(%dma_start3A_211 : memref<200x128xf32, #tpu.memory_space<hbm>>) target_semaphore(%arg19 : memref<!tpu.dma_semaphore, #tpu.memory_space<semaphore_mem>>)
      } else {
      }
      %jit3A_149 = arith.constant 4 : i32
      %eq3A_150 = arith.constant 0 : i32
      %eq3A_151 = arith.cmpi eq, %jit3A_149, %eq3A_150 : i32
      %jit3A_152 = arith.constant 1 : i32
      %select_n3A_153 = arith.select %eq3A_151, %jit3A_152, %jit3A_149 : i32
      %rem3A_154 = arith.remsi %scan3A_94, %select_n3A_153 : i32
      %ne3A_155 = arith.constant 0 : i32
      %ne3A_156 = arith.cmpi ne, %rem3A_154, %ne3A_155 : i32
      %lt3A_157 = arith.constant 0 : i32
      %lt3A_158 = arith.cmpi slt, %rem3A_154, %lt3A_157 : i32
      %lt3A_159 = arith.constant 0 : i32
      %lt3A_160 = arith.cmpi slt, %select_n3A_153, %lt3A_159 : i32
      %ne3A_161 = arith.xori %lt3A_158, %lt3A_160 : i1
      %and3A_162 = arith.andi %ne3A_161, %ne3A_156 : i1
      %add3A_163 = arith.addi %rem3A_154, %select_n3A_153 : i32
      %select_n3A_164 = arith.select %and3A_162, %add3A_163, %rem3A_154 : i32
      %eq3A_165 = arith.constant 3 : i32
      %eq3A_166 = arith.cmpi eq, %select_n3A_164, %eq3A_165 : i32
      %convert_element_type3A_167 = arith.extui %eq3A_166 : i1 to i32
      %cond3A_168 = arith.constant 0 : i32
      %cond3A_169 = arith.cmpi ne, %convert_element_type3A_167, %cond3A_168 : i32
      scf.if %cond3A_169 {
        %dma_wait3A_170 = arith.constant 0 : i32
        %dma_wait3A_171 = arith.constant 0 : i32
        %dma_wait3A_172 = tpu.memref_slice %arg12[%dma_wait3A_170, %dma_wait3A_171] : memref<200x128xf32, #tpu.memory_space<vmem>> -> memref<128x128xf32, #tpu.memory_space<vmem>>
        %dma_wait3A_173 = arith.constant 0 : i32
        %dma_wait3A_174 = arith.constant 0 : i32
        %dma_wait3A_175 = tpu.memref_slice %arg2[%dma_wait3A_173, %dma_wait3A_174] : memref<10000x128xf32, #tpu.memory_space<hbm>> -> memref<128x128xf32, #tpu.memory_space<hbm>>
        %dma_wait3A_176 = arith.constant 0 : i32
        %dma_wait3A_177 = arith.constant 0 : i32
        %dma_wait3A_178 = tpu.memref_slice %arg12[%dma_wait3A_176, %dma_wait3A_177] : memref<200x128xf32, #tpu.memory_space<vmem>> -> memref<128x128xf32, #tpu.memory_space<vmem>>
        %dma_wait3A_179 = arith.constant 0 : i32
        %dma_wait3A_180 = arith.constant 0 : i32
        %dma_wait3A_181 = tpu.memref_slice %arg2[%dma_wait3A_179, %dma_wait3A_180] : memref<10000x128xf32, #tpu.memory_space<hbm>> -> memref<128x128xf32, #tpu.memory_space<hbm>>
        tpu.wait_dma2 semaphore(%arg16 : memref<!tpu.dma_semaphore, #tpu.memory_space<semaphore_mem>>) src(%dma_wait3A_181 : memref<128x128xf32, #tpu.memory_space<hbm>>) dst(%dma_wait3A_178 : memref<128x128xf32, #tpu.memory_space<vmem>>)
        %dma_wait3A_182 = arith.constant 128 : i32
        %dma_wait3A_183 = arith.constant 0 : i32
        %dma_wait3A_184 = tpu.memref_slice %arg12[%dma_wait3A_182, %dma_wait3A_183] : memref<200x128xf32, #tpu.memory_space<vmem>> -> memref<72x128xf32, #tpu.memory_space<vmem>>
        %dma_wait3A_185 = arith.constant 0 : i32
        %dma_wait3A_186 = arith.constant 0 : i32
        %dma_wait3A_187 = tpu.memref_slice %arg2[%dma_wait3A_185, %dma_wait3A_186] : memref<10000x128xf32, #tpu.memory_space<hbm>> -> memref<72x128xf32, #tpu.memory_space<hbm>>
        %dma_wait3A_188 = arith.constant 128 : i32
        %dma_wait3A_189 = arith.constant 0 : i32
        %dma_wait3A_190 = tpu.memref_slice %arg12[%dma_wait3A_188, %dma_wait3A_189] : memref<200x128xf32, #tpu.memory_space<vmem>> -> memref<72x128xf32, #tpu.memory_space<vmem>>
        %dma_wait3A_191 = arith.constant 0 : i32
        %dma_wait3A_192 = arith.constant 0 : i32
        %dma_wait3A_193 = tpu.memref_slice %arg2[%dma_wait3A_191, %dma_wait3A_192] : memref<10000x128xf32, #tpu.memory_space<hbm>> -> memref<72x128xf32, #tpu.memory_space<hbm>>
        tpu.wait_dma2 semaphore(%arg16 : memref<!tpu.dma_semaphore, #tpu.memory_space<semaphore_mem>>) src(%dma_wait3A_193 : memref<72x128xf32, #tpu.memory_space<hbm>>) dst(%dma_wait3A_190 : memref<72x128xf32, #tpu.memory_space<vmem>>)
        %ge3A = arith.constant 2 : i32
        %ge3A_194 = arith.cmpi sge, %scan3A_94, %ge3A : i32
        %convert_element_type3A_195 = arith.extui %ge3A_194 : i1 to i32
        %cond3A_196 = arith.constant 0 : i32
        %cond3A_197 = arith.cmpi ne, %convert_element_type3A_195, %cond3A_196 : i32
        scf.if %cond3A_197 {
          %dma_wait3A_212 = arith.constant 0 : i32
          %dma_wait3A_213 = tpu.memref_slice %arg6[%mul3A_2, %dma_wait3A_212] : memref<320000x128xf32, #tpu.memory_space<hbm>> -> memref<200x128xf32, #tpu.memory_space<hbm>>
          %dma_wait3A_214 = arith.constant 0 : i32
          %dma_wait3A_215 = tpu.memref_slice %arg6[%mul3A_2, %dma_wait3A_214] : memref<320000x128xf32, #tpu.memory_space<hbm>> -> memref<200x128xf32, #tpu.memory_space<hbm>>
          tpu.wait_dma2 semaphore(%arg18 : memref<!tpu.dma_semaphore, #tpu.memory_space<semaphore_mem>>) src(%arg10 : memref<200x128xf32, #tpu.memory_space<vmem>>) dst(%dma_wait3A_215 : memref<200x128xf32, #tpu.memory_space<hbm>>)
        } else {
        }
        %add3A_198 = arith.constant 2 : i32
        %add3A_199 = arith.addi %scan3A_94, %add3A_198 : i32
        %lt3A_200 = arith.constant 50 : i32
        %lt3A_201 = arith.cmpi slt, %add3A_199, %lt3A_200 : i32
        %convert_element_type3A_202 = arith.extui %lt3A_201 : i1 to i32
        %cond3A_203 = arith.constant 0 : i32
        %cond3A_204 = arith.cmpi ne, %convert_element_type3A_202, %cond3A_203 : i32
        scf.if %cond3A_204 {
          %add3A_212 = arith.constant 2 : i32
          %add3A_213 = arith.addi %scan3A_94, %add3A_212 : i32
          %mul3A_214 = arith.constant 200 : i32
          %mul3A_215 = arith.muli %add3A_213, %mul3A_214 : i32
          %add3A_216 = arith.constant 0 : i32
          %add3A_217 = arith.addi %mul3A_215, %add3A_216 : i32
          %dma_start3A_218 = arith.constant 0 : i32
          %dma_start3A_219 = arith.constant 0 : i32
          %dma_start3A_220 = tpu.memref_slice %arg10[%dma_start3A_218, %dma_start3A_219] : memref<200x128xf32, #tpu.memory_space<vmem>> -> memref<128x128xf32, #tpu.memory_space<vmem>>
          %dma_start3A_221 = tpu.memref_slice %arg8[%add3A_217] : memref<10000xi32, #tpu.memory_space<vmem>> -> memref<128xi32, #tpu.memory_space<vmem>>
          %dma_start3A_222 = arith.constant 0 : i32
          %dma_start3A_223 = arith.constant 0 : i32
          %dma_start3A_224 = tpu.memref_slice %arg2[%dma_start3A_222, %dma_start3A_223] : memref<10000x128xf32, #tpu.memory_space<hbm>> -> memref<10000x128xf32, #tpu.memory_space<hbm>>
          tpu.enqueue_indirect_dma source(%dma_start3A_224 : memref<10000x128xf32, #tpu.memory_space<hbm>>) target(%dma_start3A_220 : memref<128x128xf32, #tpu.memory_space<vmem>>) offsets(%dma_start3A_221 : memref<128xi32, #tpu.memory_space<vmem>>) semaphore(%arg14 : memref<!tpu.dma_semaphore, #tpu.memory_space<semaphore_mem>>)
          %mul3A_225 = arith.constant 200 : i32
          %mul3A_226 = arith.muli %add3A_213, %mul3A_225 : i32
          %add3A_227 = arith.constant 128 : i32
          %add3A_228 = arith.addi %mul3A_226, %add3A_227 : i32
          %dma_start3A_229 = arith.constant 128 : i32
          %dma_start3A_230 = arith.constant 0 : i32
          %dma_start3A_231 = tpu.memref_slice %arg10[%dma_start3A_229, %dma_start3A_230] : memref<200x128xf32, #tpu.memory_space<vmem>> -> memref<72x128xf32, #tpu.memory_space<vmem>>
          %dma_start3A_232 = tpu.memref_slice %arg8[%add3A_228] : memref<10000xi32, #tpu.memory_space<vmem>> -> memref<72xi32, #tpu.memory_space<vmem>>
          %dma_start3A_233 = arith.constant 0 : i32
          %dma_start3A_234 = arith.constant 0 : i32
          %dma_start3A_235 = tpu.memref_slice %arg2[%dma_start3A_233, %dma_start3A_234] : memref<10000x128xf32, #tpu.memory_space<hbm>> -> memref<10000x128xf32, #tpu.memory_space<hbm>>
          tpu.enqueue_indirect_dma source(%dma_start3A_235 : memref<10000x128xf32, #tpu.memory_space<hbm>>) target(%dma_start3A_231 : memref<72x128xf32, #tpu.memory_space<vmem>>) offsets(%dma_start3A_232 : memref<72xi32, #tpu.memory_space<vmem>>) semaphore(%arg14 : memref<!tpu.dma_semaphore, #tpu.memory_space<semaphore_mem>>)
        } else {
        }
        %mul3A_205 = arith.constant 200 : i32
        %mul3A_206 = arith.muli %scan3A_94, %mul3A_205 : i32
        %add3A_207 = arith.addi %mul3A_2, %mul3A_206 : i32
        %dma_start3A_208 = arith.constant 0 : i32
        %dma_start3A_209 = tpu.memref_slice %arg6[%add3A_207, %dma_start3A_208] : memref<320000x128xf32, #tpu.memory_space<hbm>> -> memref<200x128xf32, #tpu.memory_space<hbm>>
        %dma_start3A_210 = arith.constant 0 : i32
        %dma_start3A_211 = tpu.memref_slice %arg6[%add3A_207, %dma_start3A_210] : memref<320000x128xf32, #tpu.memory_space<hbm>> -> memref<200x128xf32, #tpu.memory_space<hbm>>
        tpu.enqueue_dma source(%arg12 : memref<200x128xf32, #tpu.memory_space<vmem>>) target(%dma_start3A_211 : memref<200x128xf32, #tpu.memory_space<hbm>>) target_semaphore(%arg20 : memref<!tpu.dma_semaphore, #tpu.memory_space<semaphore_mem>>)
      } else {
      }
    }
    %scan3A_38 = arith.constant 50 : i32
    %dma_wait3A = arith.constant 0 : i32
    %dma_wait3A_39 = tpu.memref_slice %arg6[%mul3A_2, %dma_wait3A] : memref<320000x128xf32, #tpu.memory_space<hbm>> -> memref<200x128xf32, #tpu.memory_space<hbm>>
    %dma_wait3A_40 = arith.constant 0 : i32
    %dma_wait3A_41 = tpu.memref_slice %arg6[%mul3A_2, %dma_wait3A_40] : memref<320000x128xf32, #tpu.memory_space<hbm>> -> memref<200x128xf32, #tpu.memory_space<hbm>>
    tpu.wait_dma2 semaphore(%arg18 : memref<!tpu.dma_semaphore, #tpu.memory_space<semaphore_mem>>) src(%arg10 : memref<200x128xf32, #tpu.memory_space<vmem>>) dst(%dma_wait3A_41 : memref<200x128xf32, #tpu.memory_space<hbm>>)
    %dma_wait3A_42 = arith.constant 0 : i32
    %dma_wait3A_43 = tpu.memref_slice %arg6[%mul3A_2, %dma_wait3A_42] : memref<320000x128xf32, #tpu.memory_space<hbm>> -> memref<200x128xf32, #tpu.memory_space<hbm>>
    %dma_wait3A_44 = arith.constant 0 : i32
    %dma_wait3A_45 = tpu.memref_slice %arg6[%mul3A_2, %dma_wait3A_44] : memref<320000x128xf32, #tpu.memory_space<hbm>> -> memref<200x128xf32, #tpu.memory_space<hbm>>
    tpu.wait_dma2 semaphore(%arg17 : memref<!tpu.dma_semaphore, #tpu.memory_space<semaphore_mem>>) src(%arg9 : memref<200x128xf32, #tpu.memory_space<vmem>>) dst(%dma_wait3A_45 : memref<200x128xf32, #tpu.memory_space<hbm>>)
    %mul3A_46 = arith.constant 10000 : i32
    %mul3A_47 = arith.muli %add3A, %mul3A_46 : i32
    "tpu.region"() ({
      %run_scoped3A = tpu.sem_alloc : memref<!tpu.dma_semaphore, #tpu.memory_space<semaphore_mem>>
      %dma_start3A_94 = arith.constant 0 : i32
      %dma_start3A_95 = tpu.memref_slice %arg8[%dma_start3A_94] : memref<10000xi32, #tpu.memory_space<vmem>> -> memref<10000xi32, #tpu.memory_space<vmem>>
      %dma_start3A_96 = tpu.memref_slice %arg5[%mul3A_47] : memref<320000xi32, #tpu.memory_space<hbm>> -> memref<10000xi32, #tpu.memory_space<hbm>>
      %dma_start3A_97 = arith.constant 0 : i32
      %dma_start3A_98 = tpu.memref_slice %arg8[%dma_start3A_97] : memref<10000xi32, #tpu.memory_space<vmem>> -> memref<10000xi32, #tpu.memory_space<vmem>>
      %dma_start3A_99 = tpu.memref_slice %arg5[%mul3A_47] : memref<320000xi32, #tpu.memory_space<hbm>> -> memref<10000xi32, #tpu.memory_space<hbm>>
      tpu.enqueue_dma source(%dma_start3A_99 : memref<10000xi32, #tpu.memory_space<hbm>>) target(%dma_start3A_98 : memref<10000xi32, #tpu.memory_space<vmem>>) target_semaphore(%run_scoped3A : memref<!tpu.dma_semaphore, #tpu.memory_space<semaphore_mem>>)
      %dma_wait3A_100 = arith.constant 0 : i32
      %dma_wait3A_101 = tpu.memref_slice %arg8[%dma_wait3A_100] : memref<10000xi32, #tpu.memory_space<vmem>> -> memref<10000xi32, #tpu.memory_space<vmem>>
      %dma_wait3A_102 = tpu.memref_slice %arg5[%mul3A_47] : memref<320000xi32, #tpu.memory_space<hbm>> -> memref<10000xi32, #tpu.memory_space<hbm>>
      %dma_wait3A_103 = arith.constant 0 : i32
      %dma_wait3A_104 = tpu.memref_slice %arg8[%dma_wait3A_103] : memref<10000xi32, #tpu.memory_space<vmem>> -> memref<10000xi32, #tpu.memory_space<vmem>>
      %dma_wait3A_105 = tpu.memref_slice %arg5[%mul3A_47] : memref<320000xi32, #tpu.memory_space<hbm>> -> memref<10000xi32, #tpu.memory_space<hbm>>
      tpu.wait_dma2 semaphore(%run_scoped3A : memref<!tpu.dma_semaphore, #tpu.memory_space<semaphore_mem>>) src(%dma_wait3A_105 : memref<10000xi32, #tpu.memory_space<hbm>>) dst(%dma_wait3A_104 : memref<10000xi32, #tpu.memory_space<vmem>>)
      tpu.yield
    }) : () -> ()
    %dma_start3A_48 = arith.constant 0 : i32
    %dma_start3A_49 = arith.constant 0 : i32
    %dma_start3A_50 = tpu.memref_slice %arg9[%dma_start3A_48, %dma_start3A_49] : memref<200x128xf32, #tpu.memory_space<vmem>> -> memref<128x128xf32, #tpu.memory_space<vmem>>
    %dma_start3A_51 = arith.constant 0 : i32
    %dma_start3A_52 = tpu.memref_slice %arg8[%dma_start3A_51] : memref<10000xi32, #tpu.memory_space<vmem>> -> memref<128xi32, #tpu.memory_space<vmem>>
    %dma_start3A_53 = arith.constant 0 : i32
    %dma_start3A_54 = arith.constant 0 : i32
    %dma_start3A_55 = tpu.memref_slice %arg3[%dma_start3A_53, %dma_start3A_54] : memref<10000x128xf32, #tpu.memory_space<hbm>> -> memref<10000x128xf32, #tpu.memory_space<hbm>>
    tpu.enqueue_indirect_dma source(%dma_start3A_55 : memref<10000x128xf32, #tpu.memory_space<hbm>>) target(%dma_start3A_50 : memref<128x128xf32, #tpu.memory_space<vmem>>) offsets(%dma_start3A_52 : memref<128xi32, #tpu.memory_space<vmem>>) semaphore(%arg13 : memref<!tpu.dma_semaphore, #tpu.memory_space<semaphore_mem>>)
    %dma_start3A_56 = arith.constant 128 : i32
    %dma_start3A_57 = arith.constant 0 : i32
    %dma_start3A_58 = tpu.memref_slice %arg9[%dma_start3A_56, %dma_start3A_57] : memref<200x128xf32, #tpu.memory_space<vmem>> -> memref<72x128xf32, #tpu.memory_space<vmem>>
    %dma_start3A_59 = arith.constant 128 : i32
    %dma_start3A_60 = tpu.memref_slice %arg8[%dma_start3A_59] : memref<10000xi32, #tpu.memory_space<vmem>> -> memref<72xi32, #tpu.memory_space<vmem>>
    %dma_start3A_61 = arith.constant 0 : i32
    %dma_start3A_62 = arith.constant 0 : i32
    %dma_start3A_63 = tpu.memref_slice %arg3[%dma_start3A_61, %dma_start3A_62] : memref<10000x128xf32, #tpu.memory_space<hbm>> -> memref<10000x128xf32, #tpu.memory_space<hbm>>
    tpu.enqueue_indirect_dma source(%dma_start3A_63 : memref<10000x128xf32, #tpu.memory_space<hbm>>) target(%dma_start3A_58 : memref<72x128xf32, #tpu.memory_space<vmem>>) offsets(%dma_start3A_60 : memref<72xi32, #tpu.memory_space<vmem>>) semaphore(%arg13 : memref<!tpu.dma_semaphore, #tpu.memory_space<semaphore_mem>>)
    %dma_start3A_64 = arith.constant 0 : i32
    %dma_start3A_65 = arith.constant 0 : i32
    %dma_start3A_66 = tpu.memref_slice %arg10[%dma_start3A_64, %dma_start3A_65] : memref<200x128xf32, #tpu.memory_space<vmem>> -> memref<128x128xf32, #tpu.memory_space<vmem>>
    %dma_start3A_67 = arith.constant 200 : i32
    %dma_start3A_68 = tpu.memref_slice %arg8[%dma_start3A_67] : memref<10000xi32, #tpu.memory_space<vmem>> -> memref<128xi32, #tpu.memory_space<vmem>>
    %dma_start3A_69 = arith.constant 0 : i32
    %dma_start3A_70 = arith.constant 0 : i32
    %dma_start3A_71 = tpu.memref_slice %arg3[%dma_start3A_69, %dma_start3A_70] : memref<10000x128xf32, #tpu.memory_space<hbm>> -> memref<10000x128xf32, #tpu.memory_space<hbm>>
    tpu.enqueue_indirect_dma source(%dma_start3A_71 : memref<10000x128xf32, #tpu.memory_space<hbm>>) target(%dma_start3A_66 : memref<128x128xf32, #tpu.memory_space<vmem>>) offsets(%dma_start3A_68 : memref<128xi32, #tpu.memory_space<vmem>>) semaphore(%arg14 : memref<!tpu.dma_semaphore, #tpu.memory_space<semaphore_mem>>)
    %dma_start3A_72 = arith.constant 128 : i32
    %dma_start3A_73 = arith.constant 0 : i32
    %dma_start3A_74 = tpu.memref_slice %arg10[%dma_start3A_72, %dma_start3A_73] : memref<200x128xf32, #tpu.memory_space<vmem>> -> memref<72x128xf32, #tpu.memory_space<vmem>>
    %dma_start3A_75 = arith.constant 328 : i32
    %dma_start3A_76 = tpu.memref_slice %arg8[%dma_start3A_75] : memref<10000xi32, #tpu.memory_space<vmem>> -> memref<72xi32, #tpu.memory_space<vmem>>
    %dma_start3A_77 = arith.constant 0 : i32
    %dma_start3A_78 = arith.constant 0 : i32
    %dma_start3A_79 = tpu.memref_slice %arg3[%dma_start3A_77, %dma_start3A_78] : memref<10000x128xf32, #tpu.memory_space<hbm>> -> memref<10000x128xf32, #tpu.memory_space<hbm>>
    tpu.enqueue_indirect_dma source(%dma_start3A_79 : memref<10000x128xf32, #tpu.memory_space<hbm>>) target(%dma_start3A_74 : memref<72x128xf32, #tpu.memory_space<vmem>>) offsets(%dma_start3A_76 : memref<72xi32, #tpu.memory_space<vmem>>) semaphore(%arg14 : memref<!tpu.dma_semaphore, #tpu.memory_space<semaphore_mem>>)
    %scan3A_80 = arith.constant 0 : i32
    %scan3A_81 = arith.constant 0 : i32
    %scan3A_82 = arith.constant 50 : i32
    %scan3A_83 = arith.addi %scan3A_81, %scan3A_82 : i32
    %scan3A_84 = arith.constant 1 : i32
    scf.for %scan3A_94 = %scan3A_81 to %scan3A_83 step %scan3A_84  : i32 {
      %jit3A = arith.constant 4 : i32
      %eq3A = arith.constant 0 : i32
      %eq3A_95 = arith.cmpi eq, %jit3A, %eq3A : i32
      %jit3A_96 = arith.constant 1 : i32
      %select_n3A = arith.select %eq3A_95, %jit3A_96, %jit3A : i32
      %rem3A = arith.remsi %scan3A_94, %select_n3A : i32
      %ne3A = arith.constant 0 : i32
      %ne3A_97 = arith.cmpi ne, %rem3A, %ne3A : i32
      %lt3A = arith.constant 0 : i32
      %lt3A_98 = arith.cmpi slt, %rem3A, %lt3A : i32
      %lt3A_99 = arith.constant 0 : i32
      %lt3A_100 = arith.cmpi slt, %select_n3A, %lt3A_99 : i32
      %ne3A_101 = arith.xori %lt3A_98, %lt3A_100 : i1
      %and3A = arith.andi %ne3A_101, %ne3A_97 : i1
      %add3A_102 = arith.addi %rem3A, %select_n3A : i32
      %select_n3A_103 = arith.select %and3A, %add3A_102, %rem3A : i32
      %eq3A_104 = arith.constant 0 : i32
      %eq3A_105 = arith.cmpi eq, %select_n3A_103, %eq3A_104 : i32
      %convert_element_type3A = arith.extui %eq3A_105 : i1 to i32
      %cond3A = arith.constant 0 : i32
      %cond3A_106 = arith.cmpi ne, %convert_element_type3A, %cond3A : i32
      scf.if %cond3A_106 {
        %dma_wait3A_170 = arith.constant 0 : i32
        %dma_wait3A_171 = arith.constant 0 : i32
        %dma_wait3A_172 = tpu.memref_slice %arg9[%dma_wait3A_170, %dma_wait3A_171] : memref<200x128xf32, #tpu.memory_space<vmem>> -> memref<128x128xf32, #tpu.memory_space<vmem>>
        %dma_wait3A_173 = arith.constant 0 : i32
        %dma_wait3A_174 = arith.constant 0 : i32
        %dma_wait3A_175 = tpu.memref_slice %arg3[%dma_wait3A_173, %dma_wait3A_174] : memref<10000x128xf32, #tpu.memory_space<hbm>> -> memref<128x128xf32, #tpu.memory_space<hbm>>
        %dma_wait3A_176 = arith.constant 0 : i32
        %dma_wait3A_177 = arith.constant 0 : i32
        %dma_wait3A_178 = tpu.memref_slice %arg9[%dma_wait3A_176, %dma_wait3A_177] : memref<200x128xf32, #tpu.memory_space<vmem>> -> memref<128x128xf32, #tpu.memory_space<vmem>>
        %dma_wait3A_179 = arith.constant 0 : i32
        %dma_wait3A_180 = arith.constant 0 : i32
        %dma_wait3A_181 = tpu.memref_slice %arg3[%dma_wait3A_179, %dma_wait3A_180] : memref<10000x128xf32, #tpu.memory_space<hbm>> -> memref<128x128xf32, #tpu.memory_space<hbm>>
        tpu.wait_dma2 semaphore(%arg13 : memref<!tpu.dma_semaphore, #tpu.memory_space<semaphore_mem>>) src(%dma_wait3A_181 : memref<128x128xf32, #tpu.memory_space<hbm>>) dst(%dma_wait3A_178 : memref<128x128xf32, #tpu.memory_space<vmem>>)
        %dma_wait3A_182 = arith.constant 128 : i32
        %dma_wait3A_183 = arith.constant 0 : i32
        %dma_wait3A_184 = tpu.memref_slice %arg9[%dma_wait3A_182, %dma_wait3A_183] : memref<200x128xf32, #tpu.memory_space<vmem>> -> memref<72x128xf32, #tpu.memory_space<vmem>>
        %dma_wait3A_185 = arith.constant 0 : i32
        %dma_wait3A_186 = arith.constant 0 : i32
        %dma_wait3A_187 = tpu.memref_slice %arg3[%dma_wait3A_185, %dma_wait3A_186] : memref<10000x128xf32, #tpu.memory_space<hbm>> -> memref<72x128xf32, #tpu.memory_space<hbm>>
        %dma_wait3A_188 = arith.constant 128 : i32
        %dma_wait3A_189 = arith.constant 0 : i32
        %dma_wait3A_190 = tpu.memref_slice %arg9[%dma_wait3A_188, %dma_wait3A_189] : memref<200x128xf32, #tpu.memory_space<vmem>> -> memref<72x128xf32, #tpu.memory_space<vmem>>
        %dma_wait3A_191 = arith.constant 0 : i32
        %dma_wait3A_192 = arith.constant 0 : i32
        %dma_wait3A_193 = tpu.memref_slice %arg3[%dma_wait3A_191, %dma_wait3A_192] : memref<10000x128xf32, #tpu.memory_space<hbm>> -> memref<72x128xf32, #tpu.memory_space<hbm>>
        tpu.wait_dma2 semaphore(%arg13 : memref<!tpu.dma_semaphore, #tpu.memory_space<semaphore_mem>>) src(%dma_wait3A_193 : memref<72x128xf32, #tpu.memory_space<hbm>>) dst(%dma_wait3A_190 : memref<72x128xf32, #tpu.memory_space<vmem>>)
        %ge3A = arith.constant 2 : i32
        %ge3A_194 = arith.cmpi sge, %scan3A_94, %ge3A : i32
        %convert_element_type3A_195 = arith.extui %ge3A_194 : i1 to i32
        %cond3A_196 = arith.constant 0 : i32
        %cond3A_197 = arith.cmpi ne, %convert_element_type3A_195, %cond3A_196 : i32
        scf.if %cond3A_197 {
          %dma_wait3A_212 = arith.constant 0 : i32
          %dma_wait3A_213 = tpu.memref_slice %arg7[%mul3A_47, %dma_wait3A_212] : memref<320000x128xf32, #tpu.memory_space<hbm>> -> memref<200x128xf32, #tpu.memory_space<hbm>>
          %dma_wait3A_214 = arith.constant 0 : i32
          %dma_wait3A_215 = tpu.memref_slice %arg7[%mul3A_47, %dma_wait3A_214] : memref<320000x128xf32, #tpu.memory_space<hbm>> -> memref<200x128xf32, #tpu.memory_space<hbm>>
          tpu.wait_dma2 semaphore(%arg19 : memref<!tpu.dma_semaphore, #tpu.memory_space<semaphore_mem>>) src(%arg11 : memref<200x128xf32, #tpu.memory_space<vmem>>) dst(%dma_wait3A_215 : memref<200x128xf32, #tpu.memory_space<hbm>>)
        } else {
        }
        %add3A_198 = arith.constant 2 : i32
        %add3A_199 = arith.addi %scan3A_94, %add3A_198 : i32
        %lt3A_200 = arith.constant 50 : i32
        %lt3A_201 = arith.cmpi slt, %add3A_199, %lt3A_200 : i32
        %convert_element_type3A_202 = arith.extui %lt3A_201 : i1 to i32
        %cond3A_203 = arith.constant 0 : i32
        %cond3A_204 = arith.cmpi ne, %convert_element_type3A_202, %cond3A_203 : i32
        scf.if %cond3A_204 {
          %add3A_212 = arith.constant 2 : i32
          %add3A_213 = arith.addi %scan3A_94, %add3A_212 : i32
          %mul3A_214 = arith.constant 200 : i32
          %mul3A_215 = arith.muli %add3A_213, %mul3A_214 : i32
          %add3A_216 = arith.constant 0 : i32
          %add3A_217 = arith.addi %mul3A_215, %add3A_216 : i32
          %dma_start3A_218 = arith.constant 0 : i32
          %dma_start3A_219 = arith.constant 0 : i32
          %dma_start3A_220 = tpu.memref_slice %arg11[%dma_start3A_218, %dma_start3A_219] : memref<200x128xf32, #tpu.memory_space<vmem>> -> memref<128x128xf32, #tpu.memory_space<vmem>>
          %dma_start3A_221 = tpu.memref_slice %arg8[%add3A_217] : memref<10000xi32, #tpu.memory_space<vmem>> -> memref<128xi32, #tpu.memory_space<vmem>>
          %dma_start3A_222 = arith.constant 0 : i32
          %dma_start3A_223 = arith.constant 0 : i32
          %dma_start3A_224 = tpu.memref_slice %arg3[%dma_start3A_222, %dma_start3A_223] : memref<10000x128xf32, #tpu.memory_space<hbm>> -> memref<10000x128xf32, #tpu.memory_space<hbm>>
          tpu.enqueue_indirect_dma source(%dma_start3A_224 : memref<10000x128xf32, #tpu.memory_space<hbm>>) target(%dma_start3A_220 : memref<128x128xf32, #tpu.memory_space<vmem>>) offsets(%dma_start3A_221 : memref<128xi32, #tpu.memory_space<vmem>>) semaphore(%arg15 : memref<!tpu.dma_semaphore, #tpu.memory_space<semaphore_mem>>)
          %mul3A_225 = arith.constant 200 : i32
          %mul3A_226 = arith.muli %add3A_213, %mul3A_225 : i32
          %add3A_227 = arith.constant 128 : i32
          %add3A_228 = arith.addi %mul3A_226, %add3A_227 : i32
          %dma_start3A_229 = arith.constant 128 : i32
          %dma_start3A_230 = arith.constant 0 : i32
          %dma_start3A_231 = tpu.memref_slice %arg11[%dma_start3A_229, %dma_start3A_230] : memref<200x128xf32, #tpu.memory_space<vmem>> -> memref<72x128xf32, #tpu.memory_space<vmem>>
          %dma_start3A_232 = tpu.memref_slice %arg8[%add3A_228] : memref<10000xi32, #tpu.memory_space<vmem>> -> memref<72xi32, #tpu.memory_space<vmem>>
          %dma_start3A_233 = arith.constant 0 : i32
          %dma_start3A_234 = arith.constant 0 : i32
          %dma_start3A_235 = tpu.memref_slice %arg3[%dma_start3A_233, %dma_start3A_234] : memref<10000x128xf32, #tpu.memory_space<hbm>> -> memref<10000x128xf32, #tpu.memory_space<hbm>>
          tpu.enqueue_indirect_dma source(%dma_start3A_235 : memref<10000x128xf32, #tpu.memory_space<hbm>>) target(%dma_start3A_231 : memref<72x128xf32, #tpu.memory_space<vmem>>) offsets(%dma_start3A_232 : memref<72xi32, #tpu.memory_space<vmem>>) semaphore(%arg15 : memref<!tpu.dma_semaphore, #tpu.memory_space<semaphore_mem>>)
        } else {
        }
        %mul3A_205 = arith.constant 200 : i32
        %mul3A_206 = arith.muli %scan3A_94, %mul3A_205 : i32
        %add3A_207 = arith.addi %mul3A_47, %mul3A_206 : i32
        %dma_start3A_208 = arith.constant 0 : i32
        %dma_start3A_209 = tpu.memref_slice %arg7[%add3A_207, %dma_start3A_208] : memref<320000x128xf32, #tpu.memory_space<hbm>> -> memref<200x128xf32, #tpu.memory_space<hbm>>
        %dma_start3A_210 = arith.constant 0 : i32
        %dma_start3A_211 = tpu.memref_slice %arg7[%add3A_207, %dma_start3A_210] : memref<320000x128xf32, #tpu.memory_space<hbm>> -> memref<200x128xf32, #tpu.memory_space<hbm>>
        tpu.enqueue_dma source(%arg9 : memref<200x128xf32, #tpu.memory_space<vmem>>) target(%dma_start3A_211 : memref<200x128xf32, #tpu.memory_space<hbm>>) target_semaphore(%arg17 : memref<!tpu.dma_semaphore, #tpu.memory_space<semaphore_mem>>)
      } else {
      }
      %jit3A_107 = arith.constant 4 : i32
      %eq3A_108 = arith.constant 0 : i32
      %eq3A_109 = arith.cmpi eq, %jit3A_107, %eq3A_108 : i32
      %jit3A_110 = arith.constant 1 : i32
      %select_n3A_111 = arith.select %eq3A_109, %jit3A_110, %jit3A_107 : i32
      %rem3A_112 = arith.remsi %scan3A_94, %select_n3A_111 : i32
      %ne3A_113 = arith.constant 0 : i32
      %ne3A_114 = arith.cmpi ne, %rem3A_112, %ne3A_113 : i32
      %lt3A_115 = arith.constant 0 : i32
      %lt3A_116 = arith.cmpi slt, %rem3A_112, %lt3A_115 : i32
      %lt3A_117 = arith.constant 0 : i32
      %lt3A_118 = arith.cmpi slt, %select_n3A_111, %lt3A_117 : i32
      %ne3A_119 = arith.xori %lt3A_116, %lt3A_118 : i1
      %and3A_120 = arith.andi %ne3A_119, %ne3A_114 : i1
      %add3A_121 = arith.addi %rem3A_112, %select_n3A_111 : i32
      %select_n3A_122 = arith.select %and3A_120, %add3A_121, %rem3A_112 : i32
      %eq3A_123 = arith.constant 1 : i32
      %eq3A_124 = arith.cmpi eq, %select_n3A_122, %eq3A_123 : i32
      %convert_element_type3A_125 = arith.extui %eq3A_124 : i1 to i32
      %cond3A_126 = arith.constant 0 : i32
      %cond3A_127 = arith.cmpi ne, %convert_element_type3A_125, %cond3A_126 : i32
      scf.if %cond3A_127 {
        %dma_wait3A_170 = arith.constant 0 : i32
        %dma_wait3A_171 = arith.constant 0 : i32
        %dma_wait3A_172 = tpu.memref_slice %arg10[%dma_wait3A_170, %dma_wait3A_171] : memref<200x128xf32, #tpu.memory_space<vmem>> -> memref<128x128xf32, #tpu.memory_space<vmem>>
        %dma_wait3A_173 = arith.constant 0 : i32
        %dma_wait3A_174 = arith.constant 0 : i32
        %dma_wait3A_175 = tpu.memref_slice %arg3[%dma_wait3A_173, %dma_wait3A_174] : memref<10000x128xf32, #tpu.memory_space<hbm>> -> memref<128x128xf32, #tpu.memory_space<hbm>>
        %dma_wait3A_176 = arith.constant 0 : i32
        %dma_wait3A_177 = arith.constant 0 : i32
        %dma_wait3A_178 = tpu.memref_slice %arg10[%dma_wait3A_176, %dma_wait3A_177] : memref<200x128xf32, #tpu.memory_space<vmem>> -> memref<128x128xf32, #tpu.memory_space<vmem>>
        %dma_wait3A_179 = arith.constant 0 : i32
        %dma_wait3A_180 = arith.constant 0 : i32
        %dma_wait3A_181 = tpu.memref_slice %arg3[%dma_wait3A_179, %dma_wait3A_180] : memref<10000x128xf32, #tpu.memory_space<hbm>> -> memref<128x128xf32, #tpu.memory_space<hbm>>
        tpu.wait_dma2 semaphore(%arg14 : memref<!tpu.dma_semaphore, #tpu.memory_space<semaphore_mem>>) src(%dma_wait3A_181 : memref<128x128xf32, #tpu.memory_space<hbm>>) dst(%dma_wait3A_178 : memref<128x128xf32, #tpu.memory_space<vmem>>)
        %dma_wait3A_182 = arith.constant 128 : i32
        %dma_wait3A_183 = arith.constant 0 : i32
        %dma_wait3A_184 = tpu.memref_slice %arg10[%dma_wait3A_182, %dma_wait3A_183] : memref<200x128xf32, #tpu.memory_space<vmem>> -> memref<72x128xf32, #tpu.memory_space<vmem>>
        %dma_wait3A_185 = arith.constant 0 : i32
        %dma_wait3A_186 = arith.constant 0 : i32
        %dma_wait3A_187 = tpu.memref_slice %arg3[%dma_wait3A_185, %dma_wait3A_186] : memref<10000x128xf32, #tpu.memory_space<hbm>> -> memref<72x128xf32, #tpu.memory_space<hbm>>
        %dma_wait3A_188 = arith.constant 128 : i32
        %dma_wait3A_189 = arith.constant 0 : i32
        %dma_wait3A_190 = tpu.memref_slice %arg10[%dma_wait3A_188, %dma_wait3A_189] : memref<200x128xf32, #tpu.memory_space<vmem>> -> memref<72x128xf32, #tpu.memory_space<vmem>>
        %dma_wait3A_191 = arith.constant 0 : i32
        %dma_wait3A_192 = arith.constant 0 : i32
        %dma_wait3A_193 = tpu.memref_slice %arg3[%dma_wait3A_191, %dma_wait3A_192] : memref<10000x128xf32, #tpu.memory_space<hbm>> -> memref<72x128xf32, #tpu.memory_space<hbm>>
        tpu.wait_dma2 semaphore(%arg14 : memref<!tpu.dma_semaphore, #tpu.memory_space<semaphore_mem>>) src(%dma_wait3A_193 : memref<72x128xf32, #tpu.memory_space<hbm>>) dst(%dma_wait3A_190 : memref<72x128xf32, #tpu.memory_space<vmem>>)
        %ge3A = arith.constant 2 : i32
        %ge3A_194 = arith.cmpi sge, %scan3A_94, %ge3A : i32
        %convert_element_type3A_195 = arith.extui %ge3A_194 : i1 to i32
        %cond3A_196 = arith.constant 0 : i32
        %cond3A_197 = arith.cmpi ne, %convert_element_type3A_195, %cond3A_196 : i32
        scf.if %cond3A_197 {
          %dma_wait3A_212 = arith.constant 0 : i32
          %dma_wait3A_213 = tpu.memref_slice %arg7[%mul3A_47, %dma_wait3A_212] : memref<320000x128xf32, #tpu.memory_space<hbm>> -> memref<200x128xf32, #tpu.memory_space<hbm>>
          %dma_wait3A_214 = arith.constant 0 : i32
          %dma_wait3A_215 = tpu.memref_slice %arg7[%mul3A_47, %dma_wait3A_214] : memref<320000x128xf32, #tpu.memory_space<hbm>> -> memref<200x128xf32, #tpu.memory_space<hbm>>
          tpu.wait_dma2 semaphore(%arg20 : memref<!tpu.dma_semaphore, #tpu.memory_space<semaphore_mem>>) src(%arg12 : memref<200x128xf32, #tpu.memory_space<vmem>>) dst(%dma_wait3A_215 : memref<200x128xf32, #tpu.memory_space<hbm>>)
        } else {
        }
        %add3A_198 = arith.constant 2 : i32
        %add3A_199 = arith.addi %scan3A_94, %add3A_198 : i32
        %lt3A_200 = arith.constant 50 : i32
        %lt3A_201 = arith.cmpi slt, %add3A_199, %lt3A_200 : i32
        %convert_element_type3A_202 = arith.extui %lt3A_201 : i1 to i32
        %cond3A_203 = arith.constant 0 : i32
        %cond3A_204 = arith.cmpi ne, %convert_element_type3A_202, %cond3A_203 : i32
        scf.if %cond3A_204 {
          %add3A_212 = arith.constant 2 : i32
          %add3A_213 = arith.addi %scan3A_94, %add3A_212 : i32
          %mul3A_214 = arith.constant 200 : i32
          %mul3A_215 = arith.muli %add3A_213, %mul3A_214 : i32
          %add3A_216 = arith.constant 0 : i32
          %add3A_217 = arith.addi %mul3A_215, %add3A_216 : i32
          %dma_start3A_218 = arith.constant 0 : i32
          %dma_start3A_219 = arith.constant 0 : i32
          %dma_start3A_220 = tpu.memref_slice %arg12[%dma_start3A_218, %dma_start3A_219] : memref<200x128xf32, #tpu.memory_space<vmem>> -> memref<128x128xf32, #tpu.memory_space<vmem>>
          %dma_start3A_221 = tpu.memref_slice %arg8[%add3A_217] : memref<10000xi32, #tpu.memory_space<vmem>> -> memref<128xi32, #tpu.memory_space<vmem>>
          %dma_start3A_222 = arith.constant 0 : i32
          %dma_start3A_223 = arith.constant 0 : i32
          %dma_start3A_224 = tpu.memref_slice %arg3[%dma_start3A_222, %dma_start3A_223] : memref<10000x128xf32, #tpu.memory_space<hbm>> -> memref<10000x128xf32, #tpu.memory_space<hbm>>
          tpu.enqueue_indirect_dma source(%dma_start3A_224 : memref<10000x128xf32, #tpu.memory_space<hbm>>) target(%dma_start3A_220 : memref<128x128xf32, #tpu.memory_space<vmem>>) offsets(%dma_start3A_221 : memref<128xi32, #tpu.memory_space<vmem>>) semaphore(%arg16 : memref<!tpu.dma_semaphore, #tpu.memory_space<semaphore_mem>>)
          %mul3A_225 = arith.constant 200 : i32
          %mul3A_226 = arith.muli %add3A_213, %mul3A_225 : i32
          %add3A_227 = arith.constant 128 : i32
          %add3A_228 = arith.addi %mul3A_226, %add3A_227 : i32
          %dma_start3A_229 = arith.constant 128 : i32
          %dma_start3A_230 = arith.constant 0 : i32
          %dma_start3A_231 = tpu.memref_slice %arg12[%dma_start3A_229, %dma_start3A_230] : memref<200x128xf32, #tpu.memory_space<vmem>> -> memref<72x128xf32, #tpu.memory_space<vmem>>
          %dma_start3A_232 = tpu.memref_slice %arg8[%add3A_228] : memref<10000xi32, #tpu.memory_space<vmem>> -> memref<72xi32, #tpu.memory_space<vmem>>
          %dma_start3A_233 = arith.constant 0 : i32
          %dma_start3A_234 = arith.constant 0 : i32
          %dma_start3A_235 = tpu.memref_slice %arg3[%dma_start3A_233, %dma_start3A_234] : memref<10000x128xf32, #tpu.memory_space<hbm>> -> memref<10000x128xf32, #tpu.memory_space<hbm>>
          tpu.enqueue_indirect_dma source(%dma_start3A_235 : memref<10000x128xf32, #tpu.memory_space<hbm>>) target(%dma_start3A_231 : memref<72x128xf32, #tpu.memory_space<vmem>>) offsets(%dma_start3A_232 : memref<72xi32, #tpu.memory_space<vmem>>) semaphore(%arg16 : memref<!tpu.dma_semaphore, #tpu.memory_space<semaphore_mem>>)
        } else {
        }
        %mul3A_205 = arith.constant 200 : i32
        %mul3A_206 = arith.muli %scan3A_94, %mul3A_205 : i32
        %add3A_207 = arith.addi %mul3A_47, %mul3A_206 : i32
        %dma_start3A_208 = arith.constant 0 : i32
        %dma_start3A_209 = tpu.memref_slice %arg7[%add3A_207, %dma_start3A_208] : memref<320000x128xf32, #tpu.memory_space<hbm>> -> memref<200x128xf32, #tpu.memory_space<hbm>>
        %dma_start3A_210 = arith.constant 0 : i32
        %dma_start3A_211 = tpu.memref_slice %arg7[%add3A_207, %dma_start3A_210] : memref<320000x128xf32, #tpu.memory_space<hbm>> -> memref<200x128xf32, #tpu.memory_space<hbm>>
        tpu.enqueue_dma source(%arg10 : memref<200x128xf32, #tpu.memory_space<vmem>>) target(%dma_start3A_211 : memref<200x128xf32, #tpu.memory_space<hbm>>) target_semaphore(%arg18 : memref<!tpu.dma_semaphore, #tpu.memory_space<semaphore_mem>>)
      } else {
      }
      %jit3A_128 = arith.constant 4 : i32
      %eq3A_129 = arith.constant 0 : i32
      %eq3A_130 = arith.cmpi eq, %jit3A_128, %eq3A_129 : i32
      %jit3A_131 = arith.constant 1 : i32
      %select_n3A_132 = arith.select %eq3A_130, %jit3A_131, %jit3A_128 : i32
      %rem3A_133 = arith.remsi %scan3A_94, %select_n3A_132 : i32
      %ne3A_134 = arith.constant 0 : i32
      %ne3A_135 = arith.cmpi ne, %rem3A_133, %ne3A_134 : i32
      %lt3A_136 = arith.constant 0 : i32
      %lt3A_137 = arith.cmpi slt, %rem3A_133, %lt3A_136 : i32
      %lt3A_138 = arith.constant 0 : i32
      %lt3A_139 = arith.cmpi slt, %select_n3A_132, %lt3A_138 : i32
      %ne3A_140 = arith.xori %lt3A_137, %lt3A_139 : i1
      %and3A_141 = arith.andi %ne3A_140, %ne3A_135 : i1
      %add3A_142 = arith.addi %rem3A_133, %select_n3A_132 : i32
      %select_n3A_143 = arith.select %and3A_141, %add3A_142, %rem3A_133 : i32
      %eq3A_144 = arith.constant 2 : i32
      %eq3A_145 = arith.cmpi eq, %select_n3A_143, %eq3A_144 : i32
      %convert_element_type3A_146 = arith.extui %eq3A_145 : i1 to i32
      %cond3A_147 = arith.constant 0 : i32
      %cond3A_148 = arith.cmpi ne, %convert_element_type3A_146, %cond3A_147 : i32
      scf.if %cond3A_148 {
        %dma_wait3A_170 = arith.constant 0 : i32
        %dma_wait3A_171 = arith.constant 0 : i32
        %dma_wait3A_172 = tpu.memref_slice %arg11[%dma_wait3A_170, %dma_wait3A_171] : memref<200x128xf32, #tpu.memory_space<vmem>> -> memref<128x128xf32, #tpu.memory_space<vmem>>
        %dma_wait3A_173 = arith.constant 0 : i32
        %dma_wait3A_174 = arith.constant 0 : i32
        %dma_wait3A_175 = tpu.memref_slice %arg3[%dma_wait3A_173, %dma_wait3A_174] : memref<10000x128xf32, #tpu.memory_space<hbm>> -> memref<128x128xf32, #tpu.memory_space<hbm>>
        %dma_wait3A_176 = arith.constant 0 : i32
        %dma_wait3A_177 = arith.constant 0 : i32
        %dma_wait3A_178 = tpu.memref_slice %arg11[%dma_wait3A_176, %dma_wait3A_177] : memref<200x128xf32, #tpu.memory_space<vmem>> -> memref<128x128xf32, #tpu.memory_space<vmem>>
        %dma_wait3A_179 = arith.constant 0 : i32
        %dma_wait3A_180 = arith.constant 0 : i32
        %dma_wait3A_181 = tpu.memref_slice %arg3[%dma_wait3A_179, %dma_wait3A_180] : memref<10000x128xf32, #tpu.memory_space<hbm>> -> memref<128x128xf32, #tpu.memory_space<hbm>>
        tpu.wait_dma2 semaphore(%arg15 : memref<!tpu.dma_semaphore, #tpu.memory_space<semaphore_mem>>) src(%dma_wait3A_181 : memref<128x128xf32, #tpu.memory_space<hbm>>) dst(%dma_wait3A_178 : memref<128x128xf32, #tpu.memory_space<vmem>>)
        %dma_wait3A_182 = arith.constant 128 : i32
        %dma_wait3A_183 = arith.constant 0 : i32
        %dma_wait3A_184 = tpu.memref_slice %arg11[%dma_wait3A_182, %dma_wait3A_183] : memref<200x128xf32, #tpu.memory_space<vmem>> -> memref<72x128xf32, #tpu.memory_space<vmem>>
        %dma_wait3A_185 = arith.constant 0 : i32
        %dma_wait3A_186 = arith.constant 0 : i32
        %dma_wait3A_187 = tpu.memref_slice %arg3[%dma_wait3A_185, %dma_wait3A_186] : memref<10000x128xf32, #tpu.memory_space<hbm>> -> memref<72x128xf32, #tpu.memory_space<hbm>>
        %dma_wait3A_188 = arith.constant 128 : i32
        %dma_wait3A_189 = arith.constant 0 : i32
        %dma_wait3A_190 = tpu.memref_slice %arg11[%dma_wait3A_188, %dma_wait3A_189] : memref<200x128xf32, #tpu.memory_space<vmem>> -> memref<72x128xf32, #tpu.memory_space<vmem>>
        %dma_wait3A_191 = arith.constant 0 : i32
        %dma_wait3A_192 = arith.constant 0 : i32
        %dma_wait3A_193 = tpu.memref_slice %arg3[%dma_wait3A_191, %dma_wait3A_192] : memref<10000x128xf32, #tpu.memory_space<hbm>> -> memref<72x128xf32, #tpu.memory_space<hbm>>
        tpu.wait_dma2 semaphore(%arg15 : memref<!tpu.dma_semaphore, #tpu.memory_space<semaphore_mem>>) src(%dma_wait3A_193 : memref<72x128xf32, #tpu.memory_space<hbm>>) dst(%dma_wait3A_190 : memref<72x128xf32, #tpu.memory_space<vmem>>)
        %ge3A = arith.constant 2 : i32
        %ge3A_194 = arith.cmpi sge, %scan3A_94, %ge3A : i32
        %convert_element_type3A_195 = arith.extui %ge3A_194 : i1 to i32
        %cond3A_196 = arith.constant 0 : i32
        %cond3A_197 = arith.cmpi ne, %convert_element_type3A_195, %cond3A_196 : i32
        scf.if %cond3A_197 {
          %dma_wait3A_212 = arith.constant 0 : i32
          %dma_wait3A_213 = tpu.memref_slice %arg7[%mul3A_47, %dma_wait3A_212] : memref<320000x128xf32, #tpu.memory_space<hbm>> -> memref<200x128xf32, #tpu.memory_space<hbm>>
          %dma_wait3A_214 = arith.constant 0 : i32
          %dma_wait3A_215 = tpu.memref_slice %arg7[%mul3A_47, %dma_wait3A_214] : memref<320000x128xf32, #tpu.memory_space<hbm>> -> memref<200x128xf32, #tpu.memory_space<hbm>>
          tpu.wait_dma2 semaphore(%arg17 : memref<!tpu.dma_semaphore, #tpu.memory_space<semaphore_mem>>) src(%arg9 : memref<200x128xf32, #tpu.memory_space<vmem>>) dst(%dma_wait3A_215 : memref<200x128xf32, #tpu.memory_space<hbm>>)
        } else {
        }
        %add3A_198 = arith.constant 2 : i32
        %add3A_199 = arith.addi %scan3A_94, %add3A_198 : i32
        %lt3A_200 = arith.constant 50 : i32
        %lt3A_201 = arith.cmpi slt, %add3A_199, %lt3A_200 : i32
        %convert_element_type3A_202 = arith.extui %lt3A_201 : i1 to i32
        %cond3A_203 = arith.constant 0 : i32
        %cond3A_204 = arith.cmpi ne, %convert_element_type3A_202, %cond3A_203 : i32
        scf.if %cond3A_204 {
          %add3A_212 = arith.constant 2 : i32
          %add3A_213 = arith.addi %scan3A_94, %add3A_212 : i32
          %mul3A_214 = arith.constant 200 : i32
          %mul3A_215 = arith.muli %add3A_213, %mul3A_214 : i32
          %add3A_216 = arith.constant 0 : i32
          %add3A_217 = arith.addi %mul3A_215, %add3A_216 : i32
          %dma_start3A_218 = arith.constant 0 : i32
          %dma_start3A_219 = arith.constant 0 : i32
          %dma_start3A_220 = tpu.memref_slice %arg9[%dma_start3A_218, %dma_start3A_219] : memref<200x128xf32, #tpu.memory_space<vmem>> -> memref<128x128xf32, #tpu.memory_space<vmem>>
          %dma_start3A_221 = tpu.memref_slice %arg8[%add3A_217] : memref<10000xi32, #tpu.memory_space<vmem>> -> memref<128xi32, #tpu.memory_space<vmem>>
          %dma_start3A_222 = arith.constant 0 : i32
          %dma_start3A_223 = arith.constant 0 : i32
          %dma_start3A_224 = tpu.memref_slice %arg3[%dma_start3A_222, %dma_start3A_223] : memref<10000x128xf32, #tpu.memory_space<hbm>> -> memref<10000x128xf32, #tpu.memory_space<hbm>>
          tpu.enqueue_indirect_dma source(%dma_start3A_224 : memref<10000x128xf32, #tpu.memory_space<hbm>>) target(%dma_start3A_220 : memref<128x128xf32, #tpu.memory_space<vmem>>) offsets(%dma_start3A_221 : memref<128xi32, #tpu.memory_space<vmem>>) semaphore(%arg13 : memref<!tpu.dma_semaphore, #tpu.memory_space<semaphore_mem>>)
          %mul3A_225 = arith.constant 200 : i32
          %mul3A_226 = arith.muli %add3A_213, %mul3A_225 : i32
          %add3A_227 = arith.constant 128 : i32
          %add3A_228 = arith.addi %mul3A_226, %add3A_227 : i32
          %dma_start3A_229 = arith.constant 128 : i32
          %dma_start3A_230 = arith.constant 0 : i32
          %dma_start3A_231 = tpu.memref_slice %arg9[%dma_start3A_229, %dma_start3A_230] : memref<200x128xf32, #tpu.memory_space<vmem>> -> memref<72x128xf32, #tpu.memory_space<vmem>>
          %dma_start3A_232 = tpu.memref_slice %arg8[%add3A_228] : memref<10000xi32, #tpu.memory_space<vmem>> -> memref<72xi32, #tpu.memory_space<vmem>>
          %dma_start3A_233 = arith.constant 0 : i32
          %dma_start3A_234 = arith.constant 0 : i32
          %dma_start3A_235 = tpu.memref_slice %arg3[%dma_start3A_233, %dma_start3A_234] : memref<10000x128xf32, #tpu.memory_space<hbm>> -> memref<10000x128xf32, #tpu.memory_space<hbm>>
          tpu.enqueue_indirect_dma source(%dma_start3A_235 : memref<10000x128xf32, #tpu.memory_space<hbm>>) target(%dma_start3A_231 : memref<72x128xf32, #tpu.memory_space<vmem>>) offsets(%dma_start3A_232 : memref<72xi32, #tpu.memory_space<vmem>>) semaphore(%arg13 : memref<!tpu.dma_semaphore, #tpu.memory_space<semaphore_mem>>)
        } else {
        }
        %mul3A_205 = arith.constant 200 : i32
        %mul3A_206 = arith.muli %scan3A_94, %mul3A_205 : i32
        %add3A_207 = arith.addi %mul3A_47, %mul3A_206 : i32
        %dma_start3A_208 = arith.constant 0 : i32
        %dma_start3A_209 = tpu.memref_slice %arg7[%add3A_207, %dma_start3A_208] : memref<320000x128xf32, #tpu.memory_space<hbm>> -> memref<200x128xf32, #tpu.memory_space<hbm>>
        %dma_start3A_210 = arith.constant 0 : i32
        %dma_start3A_211 = tpu.memref_slice %arg7[%add3A_207, %dma_start3A_210] : memref<320000x128xf32, #tpu.memory_space<hbm>> -> memref<200x128xf32, #tpu.memory_space<hbm>>
        tpu.enqueue_dma source(%arg11 : memref<200x128xf32, #tpu.memory_space<vmem>>) target(%dma_start3A_211 : memref<200x128xf32, #tpu.memory_space<hbm>>) target_semaphore(%arg19 : memref<!tpu.dma_semaphore, #tpu.memory_space<semaphore_mem>>)
      } else {
      }
      %jit3A_149 = arith.constant 4 : i32
      %eq3A_150 = arith.constant 0 : i32
      %eq3A_151 = arith.cmpi eq, %jit3A_149, %eq3A_150 : i32
      %jit3A_152 = arith.constant 1 : i32
      %select_n3A_153 = arith.select %eq3A_151, %jit3A_152, %jit3A_149 : i32
      %rem3A_154 = arith.remsi %scan3A_94, %select_n3A_153 : i32
      %ne3A_155 = arith.constant 0 : i32
      %ne3A_156 = arith.cmpi ne, %rem3A_154, %ne3A_155 : i32
      %lt3A_157 = arith.constant 0 : i32
      %lt3A_158 = arith.cmpi slt, %rem3A_154, %lt3A_157 : i32
      %lt3A_159 = arith.constant 0 : i32
      %lt3A_160 = arith.cmpi slt, %select_n3A_153, %lt3A_159 : i32
      %ne3A_161 = arith.xori %lt3A_158, %lt3A_160 : i1
      %and3A_162 = arith.andi %ne3A_161, %ne3A_156 : i1
      %add3A_163 = arith.addi %rem3A_154, %select_n3A_153 : i32
      %select_n3A_164 = arith.select %and3A_162, %add3A_163, %rem3A_154 : i32
      %eq3A_165 = arith.constant 3 : i32
      %eq3A_166 = arith.cmpi eq, %select_n3A_164, %eq3A_165 : i32
      %convert_element_type3A_167 = arith.extui %eq3A_166 : i1 to i32
      %cond3A_168 = arith.constant 0 : i32
      %cond3A_169 = arith.cmpi ne, %convert_element_type3A_167, %cond3A_168 : i32
      scf.if %cond3A_169 {
        %dma_wait3A_170 = arith.constant 0 : i32
        %dma_wait3A_171 = arith.constant 0 : i32
        %dma_wait3A_172 = tpu.memref_slice %arg12[%dma_wait3A_170, %dma_wait3A_171] : memref<200x128xf32, #tpu.memory_space<vmem>> -> memref<128x128xf32, #tpu.memory_space<vmem>>
        %dma_wait3A_173 = arith.constant 0 : i32
        %dma_wait3A_174 = arith.constant 0 : i32
        %dma_wait3A_175 = tpu.memref_slice %arg3[%dma_wait3A_173, %dma_wait3A_174] : memref<10000x128xf32, #tpu.memory_space<hbm>> -> memref<128x128xf32, #tpu.memory_space<hbm>>
        %dma_wait3A_176 = arith.constant 0 : i32
        %dma_wait3A_177 = arith.constant 0 : i32
        %dma_wait3A_178 = tpu.memref_slice %arg12[%dma_wait3A_176, %dma_wait3A_177] : memref<200x128xf32, #tpu.memory_space<vmem>> -> memref<128x128xf32, #tpu.memory_space<vmem>>
        %dma_wait3A_179 = arith.constant 0 : i32
        %dma_wait3A_180 = arith.constant 0 : i32
        %dma_wait3A_181 = tpu.memref_slice %arg3[%dma_wait3A_179, %dma_wait3A_180] : memref<10000x128xf32, #tpu.memory_space<hbm>> -> memref<128x128xf32, #tpu.memory_space<hbm>>
        tpu.wait_dma2 semaphore(%arg16 : memref<!tpu.dma_semaphore, #tpu.memory_space<semaphore_mem>>) src(%dma_wait3A_181 : memref<128x128xf32, #tpu.memory_space<hbm>>) dst(%dma_wait3A_178 : memref<128x128xf32, #tpu.memory_space<vmem>>)
        %dma_wait3A_182 = arith.constant 128 : i32
        %dma_wait3A_183 = arith.constant 0 : i32
        %dma_wait3A_184 = tpu.memref_slice %arg12[%dma_wait3A_182, %dma_wait3A_183] : memref<200x128xf32, #tpu.memory_space<vmem>> -> memref<72x128xf32, #tpu.memory_space<vmem>>
        %dma_wait3A_185 = arith.constant 0 : i32
        %dma_wait3A_186 = arith.constant 0 : i32
        %dma_wait3A_187 = tpu.memref_slice %arg3[%dma_wait3A_185, %dma_wait3A_186] : memref<10000x128xf32, #tpu.memory_space<hbm>> -> memref<72x128xf32, #tpu.memory_space<hbm>>
        %dma_wait3A_188 = arith.constant 128 : i32
        %dma_wait3A_189 = arith.constant 0 : i32
        %dma_wait3A_190 = tpu.memref_slice %arg12[%dma_wait3A_188, %dma_wait3A_189] : memref<200x128xf32, #tpu.memory_space<vmem>> -> memref<72x128xf32, #tpu.memory_space<vmem>>
        %dma_wait3A_191 = arith.constant 0 : i32
        %dma_wait3A_192 = arith.constant 0 : i32
        %dma_wait3A_193 = tpu.memref_slice %arg3[%dma_wait3A_191, %dma_wait3A_192] : memref<10000x128xf32, #tpu.memory_space<hbm>> -> memref<72x128xf32, #tpu.memory_space<hbm>>
        tpu.wait_dma2 semaphore(%arg16 : memref<!tpu.dma_semaphore, #tpu.memory_space<semaphore_mem>>) src(%dma_wait3A_193 : memref<72x128xf32, #tpu.memory_space<hbm>>) dst(%dma_wait3A_190 : memref<72x128xf32, #tpu.memory_space<vmem>>)
        %ge3A = arith.constant 2 : i32
        %ge3A_194 = arith.cmpi sge, %scan3A_94, %ge3A : i32
        %convert_element_type3A_195 = arith.extui %ge3A_194 : i1 to i32
        %cond3A_196 = arith.constant 0 : i32
        %cond3A_197 = arith.cmpi ne, %convert_element_type3A_195, %cond3A_196 : i32
        scf.if %cond3A_197 {
          %dma_wait3A_212 = arith.constant 0 : i32
          %dma_wait3A_213 = tpu.memref_slice %arg7[%mul3A_47, %dma_wait3A_212] : memref<320000x128xf32, #tpu.memory_space<hbm>> -> memref<200x128xf32, #tpu.memory_space<hbm>>
          %dma_wait3A_214 = arith.constant 0 : i32
          %dma_wait3A_215 = tpu.memref_slice %arg7[%mul3A_47, %dma_wait3A_214] : memref<320000x128xf32, #tpu.memory_space<hbm>> -> memref<200x128xf32, #tpu.memory_space<hbm>>
          tpu.wait_dma2 semaphore(%arg18 : memref<!tpu.dma_semaphore, #tpu.memory_space<semaphore_mem>>) src(%arg10 : memref<200x128xf32, #tpu.memory_space<vmem>>) dst(%dma_wait3A_215 : memref<200x128xf32, #tpu.memory_space<hbm>>)
        } else {
        }
        %add3A_198 = arith.constant 2 : i32
        %add3A_199 = arith.addi %scan3A_94, %add3A_198 : i32
        %lt3A_200 = arith.constant 50 : i32
        %lt3A_201 = arith.cmpi slt, %add3A_199, %lt3A_200 : i32
        %convert_element_type3A_202 = arith.extui %lt3A_201 : i1 to i32
        %cond3A_203 = arith.constant 0 : i32
        %cond3A_204 = arith.cmpi ne, %convert_element_type3A_202, %cond3A_203 : i32
        scf.if %cond3A_204 {
          %add3A_212 = arith.constant 2 : i32
          %add3A_213 = arith.addi %scan3A_94, %add3A_212 : i32
          %mul3A_214 = arith.constant 200 : i32
          %mul3A_215 = arith.muli %add3A_213, %mul3A_214 : i32
          %add3A_216 = arith.constant 0 : i32
          %add3A_217 = arith.addi %mul3A_215, %add3A_216 : i32
          %dma_start3A_218 = arith.constant 0 : i32
          %dma_start3A_219 = arith.constant 0 : i32
          %dma_start3A_220 = tpu.memref_slice %arg10[%dma_start3A_218, %dma_start3A_219] : memref<200x128xf32, #tpu.memory_space<vmem>> -> memref<128x128xf32, #tpu.memory_space<vmem>>
          %dma_start3A_221 = tpu.memref_slice %arg8[%add3A_217] : memref<10000xi32, #tpu.memory_space<vmem>> -> memref<128xi32, #tpu.memory_space<vmem>>
          %dma_start3A_222 = arith.constant 0 : i32
          %dma_start3A_223 = arith.constant 0 : i32
          %dma_start3A_224 = tpu.memref_slice %arg3[%dma_start3A_222, %dma_start3A_223] : memref<10000x128xf32, #tpu.memory_space<hbm>> -> memref<10000x128xf32, #tpu.memory_space<hbm>>
          tpu.enqueue_indirect_dma source(%dma_start3A_224 : memref<10000x128xf32, #tpu.memory_space<hbm>>) target(%dma_start3A_220 : memref<128x128xf32, #tpu.memory_space<vmem>>) offsets(%dma_start3A_221 : memref<128xi32, #tpu.memory_space<vmem>>) semaphore(%arg14 : memref<!tpu.dma_semaphore, #tpu.memory_space<semaphore_mem>>)
          %mul3A_225 = arith.constant 200 : i32
          %mul3A_226 = arith.muli %add3A_213, %mul3A_225 : i32
          %add3A_227 = arith.constant 128 : i32
          %add3A_228 = arith.addi %mul3A_226, %add3A_227 : i32
          %dma_start3A_229 = arith.constant 128 : i32
          %dma_start3A_230 = arith.constant 0 : i32
          %dma_start3A_231 = tpu.memref_slice %arg10[%dma_start3A_229, %dma_start3A_230] : memref<200x128xf32, #tpu.memory_space<vmem>> -> memref<72x128xf32, #tpu.memory_space<vmem>>
          %dma_start3A_232 = tpu.memref_slice %arg8[%add3A_228] : memref<10000xi32, #tpu.memory_space<vmem>> -> memref<72xi32, #tpu.memory_space<vmem>>
          %dma_start3A_233 = arith.constant 0 : i32
          %dma_start3A_234 = arith.constant 0 : i32
          %dma_start3A_235 = tpu.memref_slice %arg3[%dma_start3A_233, %dma_start3A_234] : memref<10000x128xf32, #tpu.memory_space<hbm>> -> memref<10000x128xf32, #tpu.memory_space<hbm>>
          tpu.enqueue_indirect_dma source(%dma_start3A_235 : memref<10000x128xf32, #tpu.memory_space<hbm>>) target(%dma_start3A_231 : memref<72x128xf32, #tpu.memory_space<vmem>>) offsets(%dma_start3A_232 : memref<72xi32, #tpu.memory_space<vmem>>) semaphore(%arg14 : memref<!tpu.dma_semaphore, #tpu.memory_space<semaphore_mem>>)
        } else {
        }
        %mul3A_205 = arith.constant 200 : i32
        %mul3A_206 = arith.muli %scan3A_94, %mul3A_205 : i32
        %add3A_207 = arith.addi %mul3A_47, %mul3A_206 : i32
        %dma_start3A_208 = arith.constant 0 : i32
        %dma_start3A_209 = tpu.memref_slice %arg7[%add3A_207, %dma_start3A_208] : memref<320000x128xf32, #tpu.memory_space<hbm>> -> memref<200x128xf32, #tpu.memory_space<hbm>>
        %dma_start3A_210 = arith.constant 0 : i32
        %dma_start3A_211 = tpu.memref_slice %arg7[%add3A_207, %dma_start3A_210] : memref<320000x128xf32, #tpu.memory_space<hbm>> -> memref<200x128xf32, #tpu.memory_space<hbm>>
        tpu.enqueue_dma source(%arg12 : memref<200x128xf32, #tpu.memory_space<vmem>>) target(%dma_start3A_211 : memref<200x128xf32, #tpu.memory_space<hbm>>) target_semaphore(%arg20 : memref<!tpu.dma_semaphore, #tpu.memory_space<semaphore_mem>>)
      } else {
      }
    }
    %scan3A_85 = arith.constant 50 : i32
    %dma_wait3A_86 = arith.constant 0 : i32
    %dma_wait3A_87 = tpu.memref_slice %arg7[%mul3A_47, %dma_wait3A_86] : memref<320000x128xf32, #tpu.memory_space<hbm>> -> memref<200x128xf32, #tpu.memory_space<hbm>>
    %dma_wait3A_88 = arith.constant 0 : i32
    %dma_wait3A_89 = tpu.memref_slice %arg7[%mul3A_47, %dma_wait3A_88] : memref<320000x128xf32, #tpu.memory_space<hbm>> -> memref<200x128xf32, #tpu.memory_space<hbm>>
    tpu.wait_dma2 semaphore(%arg18 : memref<!tpu.dma_semaphore, #tpu.memory_space<semaphore_mem>>) src(%arg10 : memref<200x128xf32, #tpu.memory_space<vmem>>) dst(%dma_wait3A_89 : memref<200x128xf32, #tpu.memory_space<hbm>>)
    %dma_wait3A_90 = arith.constant 0 : i32
    %dma_wait3A_91 = tpu.memref_slice %arg7[%mul3A_47, %dma_wait3A_90] : memref<320000x128xf32, #tpu.memory_space<hbm>> -> memref<200x128xf32, #tpu.memory_space<hbm>>
    %dma_wait3A_92 = arith.constant 0 : i32
    %dma_wait3A_93 = tpu.memref_slice %arg7[%mul3A_47, %dma_wait3A_92] : memref<320000x128xf32, #tpu.memory_space<hbm>> -> memref<200x128xf32, #tpu.memory_space<hbm>>
    tpu.wait_dma2 semaphore(%arg17 : memref<!tpu.dma_semaphore, #tpu.memory_space<semaphore_mem>>) src(%arg9 : memref<200x128xf32, #tpu.memory_space<vmem>>) dst(%dma_wait3A_93 : memref<200x128xf32, #tpu.memory_space<hbm>>)
    return
  }
}

module attributes {stable_mosaic.version = 14 : i64} {
  func.func @_prep_body(%arg0: i32, %arg1: memref<2000x128xf32, #tpu.memory_space<vmem>>, %arg2: memref<256x128xf32, #tpu.memory_space<vmem>>, %arg3: memref<1x128xf32, #tpu.memory_space<vmem>>, %arg4: memref<256x128xf32, #tpu.memory_space<vmem>>, %arg5: memref<1x128xf32, #tpu.memory_space<vmem>>, %arg6: memref<2000x128xf32, #tpu.memory_space<vmem>>, %arg7: memref<2000x128xf32, #tpu.memory_space<vmem>>, %arg8: memref<2000x128xf32, #tpu.memory_space<vmem>>, %arg9: memref<2000x128xf32, #tpu.memory_space<vmem>>) attributes {dimension_semantics = [#tpu.dimension_semantics<arbitrary>], iteration_bounds = array<i64: 5>, scalar_prefetch = 0 : i64, scratch_operands = 0 : i64, tpu.core_type = #tpu.core_type<tc>, window_params = [{transform_indices = @transform_0, window_bounds = array<i64: 2000, 128>}, {pipeline_mode = #tpu.pipeline_mode<synchronous>, transform_indices = @transform_1, window_bounds = array<i64: 256, 128>}, {pipeline_mode = #tpu.pipeline_mode<synchronous>, transform_indices = @transform_2, window_bounds = array<i64: 1, 128>}, {pipeline_mode = #tpu.pipeline_mode<synchronous>, transform_indices = @transform_3, window_bounds = array<i64: 256, 128>}, {pipeline_mode = #tpu.pipeline_mode<synchronous>, transform_indices = @transform_4, window_bounds = array<i64: 1, 128>}, {transform_indices = @transform_5, window_bounds = array<i64: 2000, 128>}, {transform_indices = @transform_6, window_bounds = array<i64: 2000, 128>}, {transform_indices = @transform_7, window_bounds = array<i64: 2000, 128>}, {transform_indices = @transform_8, window_bounds = array<i64: 2000, 128>}]} {
    %get3A = arith.constant 0 : index
    %get3A_0 = arith.constant 0 : index
    %get3A_1 = vector.load %arg1[%get3A, %get3A_0] : memref<2000x128xf32, #tpu.memory_space<vmem>>, vector<2000x128xf32>
    %get3A_2 = arith.constant 0 : index
    %get3A_3 = arith.constant 0 : index
    %get3A_4 = vector.load %arg2[%get3A_2, %get3A_3] : memref<256x128xf32, #tpu.memory_space<vmem>>, vector<128x128xf32>
    %dot_general3A = arith.constant dense<0.000000e+00> : vector<2000x128xf32>
    %dot_general3A_5 = tpu.matmul %get3A_1, %get3A_4, %dot_general3A {dimension_numbers = #tpu.dot_dimension_numbers<[1], [0], [0], [1], [0, 0, 1, 1], [], []>, transpose_lhs_hint = false} : vector<2000x128xf32>, vector<128x128xf32>, vector<2000x128xf32> -> vector<2000x128xf32>
    %get3A_6 = arith.constant 0 : index
    %get3A_7 = arith.constant 0 : index
    %get3A_8 = vector.load %arg3[%get3A_6, %get3A_7] : memref<1x128xf32, #tpu.memory_space<vmem>>, vector<1x128xf32>
    %add3A = vector.broadcast %get3A_8 : vector<1x128xf32> to vector<2000x128xf32>
    %add3A_9 = arith.addf %dot_general3A_5, %add3A : vector<2000x128xf32>
    %swap3A = arith.constant 0 : index
    %swap3A_10 = arith.constant 0 : index
    %swap3A_11 = vector.load %arg6[%swap3A, %swap3A_10] : memref<2000x128xf32, #tpu.memory_space<vmem>>, vector<2000x128xf32>
    tpu.vector_store %arg6[%swap3A, %swap3A_10], %add3A_9 {strides = array<i32>} : memref<2000x128xf32, #tpu.memory_space<vmem>>, vector<2000x128xf32>,
    %get3A_12 = arith.constant 128 : index
    %get3A_13 = arith.constant 0 : index
    %get3A_14 = vector.load %arg2[%get3A_12, %get3A_13] : memref<256x128xf32, #tpu.memory_space<vmem>>, vector<128x128xf32>
    %dot_general3A_15 = arith.constant dense<0.000000e+00> : vector<2000x128xf32>
    %dot_general3A_16 = tpu.matmul %get3A_1, %get3A_14, %dot_general3A_15 {dimension_numbers = #tpu.dot_dimension_numbers<[1], [0], [0], [1], [0, 0, 1, 1], [], []>, transpose_lhs_hint = false} : vector<2000x128xf32>, vector<128x128xf32>, vector<2000x128xf32> -> vector<2000x128xf32>
    %swap3A_17 = arith.constant 0 : index
    %swap3A_18 = arith.constant 0 : index
    %swap3A_19 = vector.load %arg7[%swap3A_17, %swap3A_18] : memref<2000x128xf32, #tpu.memory_space<vmem>>, vector<2000x128xf32>
    tpu.vector_store %arg7[%swap3A_17, %swap3A_18], %dot_general3A_16 {strides = array<i32>} : memref<2000x128xf32, #tpu.memory_space<vmem>>, vector<2000x128xf32>,
    %get3A_20 = arith.constant 0 : index
    %get3A_21 = arith.constant 0 : index
    %get3A_22 = vector.load %arg4[%get3A_20, %get3A_21] : memref<256x128xf32, #tpu.memory_space<vmem>>, vector<128x128xf32>
    %dot_general3A_23 = arith.constant dense<0.000000e+00> : vector<2000x128xf32>
    %dot_general3A_24 = tpu.matmul %get3A_1, %get3A_22, %dot_general3A_23 {dimension_numbers = #tpu.dot_dimension_numbers<[1], [0], [0], [1], [0, 0, 1, 1], [], []>, transpose_lhs_hint = false} : vector<2000x128xf32>, vector<128x128xf32>, vector<2000x128xf32> -> vector<2000x128xf32>
    %get3A_25 = arith.constant 0 : index
    %get3A_26 = arith.constant 0 : index
    %get3A_27 = vector.load %arg5[%get3A_25, %get3A_26] : memref<1x128xf32, #tpu.memory_space<vmem>>, vector<1x128xf32>
    %add3A_28 = vector.broadcast %get3A_27 : vector<1x128xf32> to vector<2000x128xf32>
    %add3A_29 = arith.addf %dot_general3A_24, %add3A_28 : vector<2000x128xf32>
    %swap3A_30 = arith.constant 0 : index
    %swap3A_31 = arith.constant 0 : index
    %swap3A_32 = vector.load %arg8[%swap3A_30, %swap3A_31] : memref<2000x128xf32, #tpu.memory_space<vmem>>, vector<2000x128xf32>
    tpu.vector_store %arg8[%swap3A_30, %swap3A_31], %add3A_29 {strides = array<i32>} : memref<2000x128xf32, #tpu.memory_space<vmem>>, vector<2000x128xf32>,
    %get3A_33 = arith.constant 128 : index
    %get3A_34 = arith.constant 0 : index
    %get3A_35 = vector.load %arg4[%get3A_33, %get3A_34] : memref<256x128xf32, #tpu.memory_space<vmem>>, vector<128x128xf32>
    %dot_general3A_36 = arith.constant dense<0.000000e+00> : vector<2000x128xf32>
    %dot_general3A_37 = tpu.matmul %get3A_1, %get3A_35, %dot_general3A_36 {dimension_numbers = #tpu.dot_dimension_numbers<[1], [0], [0], [1], [0, 0, 1, 1], [], []>, transpose_lhs_hint = false} : vector<2000x128xf32>, vector<128x128xf32>, vector<2000x128xf32> -> vector<2000x128xf32>
    %swap3A_38 = arith.constant 0 : index
    %swap3A_39 = arith.constant 0 : index
    %swap3A_40 = vector.load %arg9[%swap3A_38, %swap3A_39] : memref<2000x128xf32, #tpu.memory_space<vmem>>, vector<2000x128xf32>
    tpu.vector_store %arg9[%swap3A_38, %swap3A_39], %dot_general3A_37 {strides = array<i32>} : memref<2000x128xf32, #tpu.memory_space<vmem>>, vector<2000x128xf32>,
    return
  }
  func.func @transform_0(%arg0: i32) -> (i32, i32) {
    %c0_i32 = arith.constant 0 : i32
    %c0_i32_0 = arith.constant 0 : i32
    return %arg0, %c0_i32 : i32, i32
  }
  func.func @transform_1(%arg0: i32) -> (i32, i32) {
    %c0_i32 = arith.constant 0 : i32
    %c0_i32_0 = arith.constant 0 : i32
    %c0_i32_1 = arith.constant 0 : i32
    return %c0_i32, %c0_i32_0 : i32, i32
  }
  func.func @transform_2(%arg0: i32) -> (i32, i32) {
    %c0_i32 = arith.constant 0 : i32
    %c0_i32_0 = arith.constant 0 : i32
    %c0_i32_1 = arith.constant 0 : i32
    return %c0_i32, %c0_i32_0 : i32, i32
  }
  func.func @transform_3(%arg0: i32) -> (i32, i32) {
    %c0_i32 = arith.constant 0 : i32
    %c0_i32_0 = arith.constant 0 : i32
    %c0_i32_1 = arith.constant 0 : i32
    return %c0_i32, %c0_i32_0 : i32, i32
  }
  func.func @transform_4(%arg0: i32) -> (i32, i32) {
    %c0_i32 = arith.constant 0 : i32
    %c0_i32_0 = arith.constant 0 : i32
    %c0_i32_1 = arith.constant 0 : i32
    return %c0_i32, %c0_i32_0 : i32, i32
  }
  func.func @transform_5(%arg0: i32) -> (i32, i32) {
    %c0_i32 = arith.constant 0 : i32
    %c0_i32_0 = arith.constant 0 : i32
    return %arg0, %c0_i32 : i32, i32
  }
  func.func @transform_6(%arg0: i32) -> (i32, i32) {
    %c0_i32 = arith.constant 0 : i32
    %c0_i32_0 = arith.constant 0 : i32
    return %arg0, %c0_i32 : i32, i32
  }
  func.func @transform_7(%arg0: i32) -> (i32, i32) {
    %c0_i32 = arith.constant 0 : i32
    %c0_i32_0 = arith.constant 0 : i32
    return %arg0, %c0_i32 : i32, i32
  }
  func.func @transform_8(%arg0: i32) -> (i32, i32) {
    %c0_i32 = arith.constant 0 : i32
    %c0_i32_0 = arith.constant 0 : i32
    return %arg0, %c0_i32 : i32, i32
  }
}

module attributes {stable_mosaic.version = 14 : i64} {
  func.func @_mlp_body(%arg0: i32, %arg1: memref<4000x128xf32, #tpu.memory_space<vmem>>, %arg2: memref<4000x128xf32, #tpu.memory_space<vmem>>, %arg3: memref<4000x128xf32, #tpu.memory_space<vmem>>, %arg4: memref<128x128xf32, #tpu.memory_space<vmem>>, %arg5: memref<128x128xf32, #tpu.memory_space<vmem>>, %arg6: memref<1x128xf32, #tpu.memory_space<vmem>>, %arg7: memref<4000x128xf32, #tpu.memory_space<vmem>>) attributes {dimension_semantics = [#tpu.dimension_semantics<arbitrary>], iteration_bounds = array<i64: 80>, scalar_prefetch = 0 : i64, scratch_operands = 0 : i64, tpu.core_type = #tpu.core_type<tc>, window_params = [{transform_indices = @transform_0, window_bounds = array<i64: 4000, 128>}, {transform_indices = @transform_1, window_bounds = array<i64: 4000, 128>}, {transform_indices = @transform_2, window_bounds = array<i64: 4000, 128>}, {pipeline_mode = #tpu.pipeline_mode<synchronous>, transform_indices = @transform_3, window_bounds = array<i64: 128, 128>}, {pipeline_mode = #tpu.pipeline_mode<synchronous>, transform_indices = @transform_4, window_bounds = array<i64: 128, 128>}, {pipeline_mode = #tpu.pipeline_mode<synchronous>, transform_indices = @transform_5, window_bounds = array<i64: 1, 128>}, {transform_indices = @transform_6, window_bounds = array<i64: 4000, 128>}]} {
    %get3A = arith.constant 0 : index
    %get3A_0 = arith.constant 0 : index
    %get3A_1 = vector.load %arg3[%get3A, %get3A_0] : memref<4000x128xf32, #tpu.memory_space<vmem>>, vector<4000x128xf32>
    %get3A_2 = arith.constant 0 : index
    %get3A_3 = arith.constant 0 : index
    %get3A_4 = vector.load %arg1[%get3A_2, %get3A_3] : memref<4000x128xf32, #tpu.memory_space<vmem>>, vector<4000x128xf32>
    %get3A_5 = arith.constant 0 : index
    %get3A_6 = arith.constant 0 : index
    %get3A_7 = vector.load %arg2[%get3A_5, %get3A_6] : memref<4000x128xf32, #tpu.memory_space<vmem>>, vector<4000x128xf32>
    %add3A = arith.addf %get3A_4, %get3A_7 : vector<4000x128xf32>
    %convert_element_type3A = arith.truncf %get3A_1 : vector<4000x128xf32> to vector<4000x128xbf16>
    %get3A_8 = arith.constant 0 : index
    %get3A_9 = arith.constant 0 : index
    %get3A_10 = vector.load %arg4[%get3A_8, %get3A_9] : memref<128x128xf32, #tpu.memory_space<vmem>>, vector<128x128xf32>
    %convert_element_type3A_11 = arith.truncf %get3A_10 : vector<128x128xf32> to vector<128x128xbf16>
    %dot_general3A = arith.constant dense<0.000000e+00> : vector<4000x128xf32>
    %dot_general3A_12 = tpu.matmul %convert_element_type3A, %convert_element_type3A_11, %dot_general3A {dimension_numbers = #tpu.dot_dimension_numbers<[1], [0], [0], [1], [0, 0, 1, 1], [], []>, transpose_lhs_hint = false} : vector<4000x128xbf16>, vector<128x128xbf16>, vector<4000x128xf32> -> vector<4000x128xf32>
    %add3A_13 = arith.addf %add3A, %dot_general3A_12 : vector<4000x128xf32>
    %max3A = arith.constant 0.000000e+00 : f32
    %max3A_14 = vector.broadcast %max3A : f32 to vector<4000x128xf32>
    %max3A_15 = arith.maximumf %add3A_13, %max3A_14 : vector<4000x128xf32>
    %convert_element_type3A_16 = arith.truncf %max3A_15 : vector<4000x128xf32> to vector<4000x128xbf16>
    %get3A_17 = arith.constant 0 : index
    %get3A_18 = arith.constant 0 : index
    %get3A_19 = vector.load %arg5[%get3A_17, %get3A_18] : memref<128x128xf32, #tpu.memory_space<vmem>>, vector<128x128xf32>
    %convert_element_type3A_20 = arith.truncf %get3A_19 : vector<128x128xf32> to vector<128x128xbf16>
    %dot_general3A_21 = arith.constant dense<0.000000e+00> : vector<4000x128xf32>
    %dot_general3A_22 = tpu.matmul %convert_element_type3A_16, %convert_element_type3A_20, %dot_general3A_21 {dimension_numbers = #tpu.dot_dimension_numbers<[1], [0], [0], [1], [0, 0, 1, 1], [], []>, transpose_lhs_hint = false} : vector<4000x128xbf16>, vector<128x128xbf16>, vector<4000x128xf32> -> vector<4000x128xf32>
    %add3A_23 = arith.addf %get3A_1, %dot_general3A_22 : vector<4000x128xf32>
    %get3A_24 = arith.constant 0 : index
    %get3A_25 = arith.constant 0 : index
    %get3A_26 = vector.load %arg6[%get3A_24, %get3A_25] : memref<1x128xf32, #tpu.memory_space<vmem>>, vector<1x128xf32>
    %add3A_27 = vector.broadcast %get3A_26 : vector<1x128xf32> to vector<4000x128xf32>
    %add3A_28 = arith.addf %add3A_23, %add3A_27 : vector<4000x128xf32>
    %swap3A = arith.constant 0 : index
    %swap3A_29 = arith.constant 0 : index
    %swap3A_30 = vector.load %arg7[%swap3A, %swap3A_29] : memref<4000x128xf32, #tpu.memory_space<vmem>>, vector<4000x128xf32>
    tpu.vector_store %arg7[%swap3A, %swap3A_29], %add3A_28 {strides = array<i32>} : memref<4000x128xf32, #tpu.memory_space<vmem>>, vector<4000x128xf32>,
    return
  }
  func.func @transform_0(%arg0: i32) -> (i32, i32) {
    %c0_i32 = arith.constant 0 : i32
    %c0_i32_0 = arith.constant 0 : i32
    return %arg0, %c0_i32 : i32, i32
  }
  func.func @transform_1(%arg0: i32) -> (i32, i32) {
    %c0_i32 = arith.constant 0 : i32
    %c0_i32_0 = arith.constant 0 : i32
    return %arg0, %c0_i32 : i32, i32
  }
  func.func @transform_2(%arg0: i32) -> (i32, i32) {
    %c0_i32 = arith.constant 0 : i32
    %c0_i32_0 = arith.constant 0 : i32
    return %arg0, %c0_i32 : i32, i32
  }
  func.func @transform_3(%arg0: i32) -> (i32, i32) {
    %c0_i32 = arith.constant 0 : i32
    %c0_i32_0 = arith.constant 0 : i32
    %c0_i32_1 = arith.constant 0 : i32
    return %c0_i32, %c0_i32_0 : i32, i32
  }
  func.func @transform_4(%arg0: i32) -> (i32, i32) {
    %c0_i32 = arith.constant 0 : i32
    %c0_i32_0 = arith.constant 0 : i32
    %c0_i32_1 = arith.constant 0 : i32
    return %c0_i32, %c0_i32_0 : i32, i32
  }
  func.func @transform_5(%arg0: i32) -> (i32, i32) {
    %c0_i32 = arith.constant 0 : i32
    %c0_i32_0 = arith.constant 0 : i32
    %c0_i32_1 = arith.constant 0 : i32
    return %c0_i32, %c0_i32_0 : i32, i32
  }
  func.func @transform_6(%arg0: i32) -> (i32, i32) {
    %c0_i32 = arith.constant 0 : i32
    %c0_i32_0 = arith.constant 0 : i32
    return %arg0, %c0_i32 : i32, i32
  }
}

module attributes {stable_mosaic.version = 14 : i64} {
  func.func @_mlp_body(%arg0: i32, %arg1: memref<4000x128xf32, #tpu.memory_space<vmem>>, %arg2: memref<4000x128xf32, #tpu.memory_space<vmem>>, %arg3: memref<4000x128xf32, #tpu.memory_space<vmem>>, %arg4: memref<128x128xf32, #tpu.memory_space<vmem>>, %arg5: memref<128x128xf32, #tpu.memory_space<vmem>>, %arg6: memref<1x128xf32, #tpu.memory_space<vmem>>, %arg7: memref<4000x128xf32, #tpu.memory_space<vmem>>) attributes {dimension_semantics = [#tpu.dimension_semantics<arbitrary>], iteration_bounds = array<i64: 16>, scalar_prefetch = 0 : i64, scratch_operands = 0 : i64, tpu.core_type = #tpu.core_type<tc>, window_params = [{transform_indices = @transform_0, window_bounds = array<i64: 4000, 128>}, {transform_indices = @transform_1, window_bounds = array<i64: 4000, 128>}, {transform_indices = @transform_2, window_bounds = array<i64: 4000, 128>}, {pipeline_mode = #tpu.pipeline_mode<synchronous>, transform_indices = @transform_3, window_bounds = array<i64: 128, 128>}, {pipeline_mode = #tpu.pipeline_mode<synchronous>, transform_indices = @transform_4, window_bounds = array<i64: 128, 128>}, {pipeline_mode = #tpu.pipeline_mode<synchronous>, transform_indices = @transform_5, window_bounds = array<i64: 1, 128>}, {transform_indices = @transform_6, window_bounds = array<i64: 4000, 128>}]} {
    %get3A = arith.constant 0 : index
    %get3A_0 = arith.constant 0 : index
    %get3A_1 = vector.load %arg3[%get3A, %get3A_0] : memref<4000x128xf32, #tpu.memory_space<vmem>>, vector<4000x128xf32>
    %get3A_2 = arith.constant 0 : index
    %get3A_3 = arith.constant 0 : index
    %get3A_4 = vector.load %arg1[%get3A_2, %get3A_3] : memref<4000x128xf32, #tpu.memory_space<vmem>>, vector<4000x128xf32>
    %get3A_5 = arith.constant 0 : index
    %get3A_6 = arith.constant 0 : index
    %get3A_7 = vector.load %arg2[%get3A_5, %get3A_6] : memref<4000x128xf32, #tpu.memory_space<vmem>>, vector<4000x128xf32>
    %add3A = arith.addf %get3A_4, %get3A_7 : vector<4000x128xf32>
    %convert_element_type3A = arith.truncf %get3A_1 : vector<4000x128xf32> to vector<4000x128xbf16>
    %get3A_8 = arith.constant 0 : index
    %get3A_9 = arith.constant 0 : index
    %get3A_10 = vector.load %arg4[%get3A_8, %get3A_9] : memref<128x128xf32, #tpu.memory_space<vmem>>, vector<128x128xf32>
    %convert_element_type3A_11 = arith.truncf %get3A_10 : vector<128x128xf32> to vector<128x128xbf16>
    %dot_general3A = arith.constant dense<0.000000e+00> : vector<4000x128xf32>
    %dot_general3A_12 = tpu.matmul %convert_element_type3A, %convert_element_type3A_11, %dot_general3A {dimension_numbers = #tpu.dot_dimension_numbers<[1], [0], [0], [1], [0, 0, 1, 1], [], []>, transpose_lhs_hint = false} : vector<4000x128xbf16>, vector<128x128xbf16>, vector<4000x128xf32> -> vector<4000x128xf32>
    %add3A_13 = arith.addf %add3A, %dot_general3A_12 : vector<4000x128xf32>
    %max3A = arith.constant 0.000000e+00 : f32
    %max3A_14 = vector.broadcast %max3A : f32 to vector<4000x128xf32>
    %max3A_15 = arith.maximumf %add3A_13, %max3A_14 : vector<4000x128xf32>
    %convert_element_type3A_16 = arith.truncf %max3A_15 : vector<4000x128xf32> to vector<4000x128xbf16>
    %get3A_17 = arith.constant 0 : index
    %get3A_18 = arith.constant 0 : index
    %get3A_19 = vector.load %arg5[%get3A_17, %get3A_18] : memref<128x128xf32, #tpu.memory_space<vmem>>, vector<128x128xf32>
    %convert_element_type3A_20 = arith.truncf %get3A_19 : vector<128x128xf32> to vector<128x128xbf16>
    %dot_general3A_21 = arith.constant dense<0.000000e+00> : vector<4000x128xf32>
    %dot_general3A_22 = tpu.matmul %convert_element_type3A_16, %convert_element_type3A_20, %dot_general3A_21 {dimension_numbers = #tpu.dot_dimension_numbers<[1], [0], [0], [1], [0, 0, 1, 1], [], []>, transpose_lhs_hint = false} : vector<4000x128xbf16>, vector<128x128xbf16>, vector<4000x128xf32> -> vector<4000x128xf32>
    %add3A_23 = arith.addf %get3A_1, %dot_general3A_22 : vector<4000x128xf32>
    %get3A_24 = arith.constant 0 : index
    %get3A_25 = arith.constant 0 : index
    %get3A_26 = vector.load %arg6[%get3A_24, %get3A_25] : memref<1x128xf32, #tpu.memory_space<vmem>>, vector<1x128xf32>
    %add3A_27 = vector.broadcast %get3A_26 : vector<1x128xf32> to vector<4000x128xf32>
    %add3A_28 = arith.addf %add3A_23, %add3A_27 : vector<4000x128xf32>
    %swap3A = arith.constant 0 : index
    %swap3A_29 = arith.constant 0 : index
    %swap3A_30 = vector.load %arg7[%swap3A, %swap3A_29] : memref<4000x128xf32, #tpu.memory_space<vmem>>, vector<4000x128xf32>
    tpu.vector_store %arg7[%swap3A, %swap3A_29], %add3A_28 {strides = array<i32>} : memref<4000x128xf32, #tpu.memory_space<vmem>>, vector<4000x128xf32>,
    return
  }
  func.func @transform_0(%arg0: i32) -> (i32, i32) {
    %c0_i32 = arith.constant 0 : i32
    %c0_i32_0 = arith.constant 0 : i32
    return %arg0, %c0_i32 : i32, i32
  }
  func.func @transform_1(%arg0: i32) -> (i32, i32) {
    %c0_i32 = arith.constant 0 : i32
    %c0_i32_0 = arith.constant 0 : i32
    return %arg0, %c0_i32 : i32, i32
  }
  func.func @transform_2(%arg0: i32) -> (i32, i32) {
    %c0_i32 = arith.constant 0 : i32
    %c0_i32_0 = arith.constant 0 : i32
    return %arg0, %c0_i32 : i32, i32
  }
  func.func @transform_3(%arg0: i32) -> (i32, i32) {
    %c0_i32 = arith.constant 0 : i32
    %c0_i32_0 = arith.constant 0 : i32
    %c0_i32_1 = arith.constant 0 : i32
    return %c0_i32, %c0_i32_0 : i32, i32
  }
  func.func @transform_4(%arg0: i32) -> (i32, i32) {
    %c0_i32 = arith.constant 0 : i32
    %c0_i32_0 = arith.constant 0 : i32
    %c0_i32_1 = arith.constant 0 : i32
    return %c0_i32, %c0_i32_0 : i32, i32
  }
  func.func @transform_5(%arg0: i32) -> (i32, i32) {
    %c0_i32 = arith.constant 0 : i32
    %c0_i32_0 = arith.constant 0 : i32
    %c0_i32_1 = arith.constant 0 : i32
    return %c0_i32, %c0_i32_0 : i32, i32
  }
  func.func @transform_6(%arg0: i32) -> (i32, i32) {
    %c0_i32 = arith.constant 0 : i32
    %c0_i32_0 = arith.constant 0 : i32
    return %arg0, %c0_i32 : i32, i32
  }
}

</mosaic_0001>

<sc_bundles>
// kernel: kernel.10.cloned.1.call-start
scs
__scs_entry_jumppad:
0x0: {  	(pc) =	sbr.rel $0x88, $3  }
0x1: {  	(tag) =	ssettag $0x0;
	lr =	simm.s32 $0x1  }
0x2: {  	[smem:$0x3F94] =	sst lr;
	_ =	strace $0xD0000000  }
0x3: {  	_ = 	snop  }
0x4: {  	_ = 	snop  }
0x5: {  	_ = 	snop  }
0x6: {  	_ = 	snop  }
0x7: {  	_ = 	snop  }
__scs_overlays_trampoline_lowered:
0x8: {  	[smem:$0x3FA3] =	sst s0  }
0x9: {  	[smem:$0x3FA4] =	sst s1  }
0xa: {  	[smem:$0x3FA5] =	sst s2  }
0xb: {  	[smem:$0x3FA6] =	sst s3  }
0xc: {  	[smem:$0x3FA7] =	sst s4  }
0xd: {  	[smem:$0x3FA8] =	sst s5  }
0xe: {  	[smem:$0x3FA9] =	sst s6  }
0xf: {  	[smem:$0x3FAA] =	sst s7  }
0x10: {  	[smem:$0x3FAB] =	sst s8  }
0x11: {  	[smem:$0x3FAC] =	sst s9;
	s0 =	simm.s32 @!p0 $0x0  }
0x12: {  	s1 =	sld [smem:$0x3F92];
	s0 =	simm.s32 @p0 $0x1  }
0x13: {  	[smem:$0x3FAD] =	sst s0;
	s0 =	simm.s32 @!p1 $0x0  }
0x14: {  	s2 =	sld [smem:$0x3F91];
	s0 =	simm.s32 @p1 $0x1  }
0x15: {  	[smem:$0x3FAE] =	sst s0;
	s0 =	simm.s32 @!p2 $0x0  }
0x16: {  	s3 =	sld [smem:$0x3FDB];
	s0 =	simm.s32 @p2 $0x1  }
0x17: {  	s4 =	simm.s32 $0x1BF5;
	[smem:$0x3FB0] =	sst s0  }
0x18: {  	s0 =	sld [smem:$0x3F93];
	_ =	swait.ge [sflag:s4], $0x0  }
0x19: {  	s7 =	sld [smem:$0x3F94]  }
0x1a: {  	s8 =	sadd.s32 $0xFFFFE003, lr  }
0x1b: {  	s9 =	sadd.s32 $0xFFFFFEF7, lr;
	s5 =	simm.s32 $0xFFFFFFFF;
	p2 =	slt.u32 s8, $0xFFFFF086  }
0x1c: {  	p1 =	slt.u32 s9, $0xF7A;
	s5 =	simm.s32 @!p2 $0x0  }
0x1d: {  	s5 =	simm.s32 @p1 $0x1;
	p0 =	seq.s32 s7, s2  }
0x1e: {  	s7 =	smul.u32 @!p0 $0xF7A, s2;
	p2 =	seq.s32 @!p0 s5, $0x0  }
0x1f: {  	s9 =	smul.u32 $0xF7A, s1;
	s8 =	simm.s32 @!p0 $0x1BF5;
	p2 =	por !p2, p0  }
0x20: {  	[sflag:s8] =	ssyncset.s32 @!p0 $0xFFFFF086;
	s6 =	sadd.s32 @!p0 s3, s7;
	s7 =	simm.s32 @!p0 $0x108  }
0x21: {  	s3 =	sadd.s32 s3, s9;
	s6 =	sadd.s32 @!p0 $0x88, s6;
	s7 =	simm.s32 @p2 $0x1082  }
0x22: {  	[simem:s7], [sflag:s8] =	dma.local @!p0 [hbm:s6], $0xF7A  }
0x23: {  	s9 =	sor.u32 $0xD0000000, s2;
	s6 =	simm.s32 $0x108;
	_ =	swait.ge @!p0 [sflag:s8], $0x0  }
0x24: {  	s3 =	sadd.s32 $0x88, s3;
	s6 =	simm.s32 @!p1 $0x1082;
	[sflag:s4] =	ssyncset.s32 $0xFFFFF086  }
0x25: {  	[simem:s6], [sflag:s4] =	dma.local [hbm:s3], $0xF7A  }
0x26: {  	[smem:$0x3F94] =	sst s1;
	(tag) =	ssettag s2;
	_ =	strace s9  }
0x27: {  	s1 =	sld [smem:$0x3FA4]  }
0x28: {  	s2 =	sld [smem:$0x3FA5]  }
0x29: {  	s4 =	sld [smem:$0x3FA7]  }
0x2a: {  	p0 =	seq.s32 s5, $0x0;
	s5 =	sld [smem:$0x3FA8]  }
0x2b: {  	s6 =	sld [smem:$0x3FA9]  }
0x2c: {  	s7 =	sld [smem:$0x3FAA]  }
0x2d: {  	s3 =	simm.s32 $0x108;
	s8 =	sld [smem:$0x3FAB]  }
0x2e: {  	s3 =	simm.s32 @!p0 $0x1082;
	s9 =	sld [smem:$0x3FAC]  }
0x2f: {  	lr =	sadd.s32 s0, s3;
	s0 =	sld [smem:$0x3FA3]  }
0x30: {  	s3 =	sld [smem:$0x3FA6]  }
0x31: {  	[smem:$0x3FAF] =	sst s10  }
0x32: {  	s10 =	sld [smem:$0x3FAD];
	_ =	sdelay $0x3  }
0x33: {  	p0 =	seq.s32 s10, $0x1;
	s10 =	sld [smem:$0x3FAF];
	_ =	sdelay $0x3  }
0x34: {  	[smem:$0x3FAF] =	sst s10  }
0x35: {  	s10 =	sld [smem:$0x3FAE];
	_ =	sdelay $0x3  }
0x36: {  	p1 =	seq.s32 s10, $0x1;
	s10 =	sld [smem:$0x3FAF];
	_ =	sdelay $0x3  }
0x37: {  	[smem:$0x3FAF] =	sst s10  }
0x38: {  	s10 =	sld [smem:$0x3FB0]  }
0x39: {  	_ = 	snop;
	(pc) =	sbr.ind lr, $3  }
0x3a: {  	_ = 	snop  }
0x3b: {  	_ = 	snop  }
0x3c: {  	p2 =	seq.s32 s10, $0x1;
	s10 =	sld [smem:$0x3FAF]  }
0x3d: {  	_ =	shalt  }
0x3e: {  	_ =	shalt  }
0x3f: {  	_ =	shalt  }
0x40: {  	_ =	shalt  }
0x41: {  	_ =	shalt  }
0x42: {  	_ =	shalt  }
0x43: {  	_ =	shalt  }
0x44: {  	_ =	shalt  }
0x45: {  	_ =	shalt  }
0x46: {  	_ =	shalt  }
0x47: {  	_ =	shalt  }
0x48: {  	_ =	shalt  }
0x49: {  	_ =	shalt  }
0x4a: {  	_ =	shalt  }
0x4b: {  	_ =	shalt  }
0x4c: {  	_ =	shalt  }
0x4d: {  	_ =	shalt  }
0x4e: {  	_ =	shalt  }
0x4f: {  	_ =	shalt  }
0x50: {  	_ =	shalt  }
0x51: {  	_ =	shalt  }
0x52: {  	_ =	shalt  }
0x53: {  	_ =	shalt  }
0x54: {  	_ =	shalt  }
0x55: {  	_ =	shalt  }
0x56: {  	_ =	shalt  }
0x57: {  	_ =	shalt  }
0x58: {  	_ =	shalt  }
0x59: {  	_ =	shalt  }
0x5a: {  	_ =	shalt  }
0x5b: {  	_ =	shalt  }
0x5c: {  	_ =	shalt  }
0x5d: {  	_ =	shalt  }
0x5e: {  	_ =	shalt  }
0x5f: {  	_ =	shalt  }
0x60: {  	_ =	shalt  }
0x61: {  	_ =	shalt  }
0x62: {  	_ =	shalt  }
0x63: {  	_ =	shalt  }
0x64: {  	_ =	shalt  }
0x65: {  	_ =	shalt  }
0x66: {  	_ =	shalt  }
0x67: {  	_ =	shalt  }
0x68: {  	_ =	shalt  }
0x69: {  	_ =	shalt  }
0x6a: {  	_ =	shalt  }
0x6b: {  	_ =	shalt  }
0x6c: {  	_ =	shalt  }
0x6d: {  	_ =	shalt  }
0x6e: {  	_ =	shalt  }
0x6f: {  	_ =	shalt  }
0x70: {  	_ =	shalt  }
0x71: {  	_ =	shalt  }
0x72: {  	_ =	shalt  }
0x73: {  	_ =	shalt  }
0x74: {  	_ =	shalt  }
0x75: {  	_ =	shalt  }
0x76: {  	_ =	shalt  }
0x77: {  	_ =	shalt  }
0x78: {  	_ =	shalt  }
0x79: {  	_ =	shalt  }
0x7a: {  	_ =	shalt  }
0x7b: {  	_ =	shalt  }
0x7c: {  	_ =	shalt  }
0x7d: {  	_ =	shalt  }
0x7e: {  	_ =	shalt  }
0x7f: {  	_ =	shalt  }
0x80: {  	_ =	shalt  }
0x81: {  	_ =	shalt  }
0x82: {  	_ =	shalt  }
0x83: {  	_ =	shalt  }
0x84: {  	_ =	shalt  }
0x85: {  	_ =	shalt  }
0x86: {  	_ =	shalt  }
0x87: {  	_ =	shalt  }
.Lfunc_end0:
.L_simem_size_0:
called_computation.1_lowered:
.L_overlay_start_0:
0x88: {  	s2 =	sld [smem:$0x3FD9]  }
0x89: {  	s3 =	sld [smem:$0x3FFE];
	_ =	sdelay $0x1  }
0x8a: {  	s1 =	srdreg.scid  }
0x8b: {  	s0 =	sand.u32 $0x1, s1  }
0x8c: {  	s17 =	sshll.u32 s0, $0xA;
	s2 =	sadd.s32 s3, s2  }
0x8d: {  	s2 =	sadd.s32 s2, s17  }
0x8e: {  	[smem:$0x3FBB] =	sst s2  }
0x8f: {  	_ = 	snop  }
0x90: {  	(tm) =	ssettm $0x1  }
0x91: {  	s18 =	sld [smem:$0x3FFB];
	_ =	sdelay $0x3  }
0x92: {  	_ =	strace s18  }
0x93: {  	s2 =	sld [smem:$0x3FFC];
	_ =	sdelay $0x3  }
0x94: {  	_ =	strace s2  }
0x95: {  	s2 =	sld [smem:$0x3FFD];
	_ =	sdelay $0x3  }
0x96: {  	_ =	strace s2  }
0x97: {  	_ =	strace $0x8FFFFFFF  }
0x98: {  	s19 =	sld [smem:$0x3FDB];
	_ =	sdelay $0x1  }
0x99: {  	s20 =	simm.s32 $_scs_section_size  }
0x9a: {  	s4 =	simm.s32 $_size__tile_overlayer_lowered;
	s5 =	simm.s32 $_tile_overlayer_lowered  }
0x9b: {  	s6 =	simm.s32 $0x1BFF;
	s21 =	sshll.u32 s5, $0x1;
	s3 =	sadd.s32 s20, s19  }
0x9c: {  	s22 =	simm.s32 $0x0;
	s4 =	sshll.u32 s4, $0x1;
	s5 =	sadd.s32 s21, s3  }
0x9d: {  	[timem:s22], [sflag:s6] =	dma.local [hbm:s5], s4  }
0x9e: {  	_ =	swait.ge [sflag:s6], s4  }
0x9f: {  	s4 =	ssub.s32 $0x0, s4;
	[sflag:s6] =	ssyncset.done $0x0  }
0xa0: {  	[sflag:s6] =	ssyncadd.s32 s4;
	_ =	sdelay $0x1  }
0xa1: {  	s23 =	simm.s32 $0x1B8B  }
0xa2: {  	_ =	swait.ge [sflag:s23], $0x1  }
0xa3: {  	[sflag:s23] =	ssyncset.done $0x0  }
0xa4: {  	[sflag:s23] =	ssyncadd.s32 $0xFFFFFFFF  }
0xa5: {  	s4 =	sld [smem:$0x0]  }
0xa6: {  	s5 =	sand.u32 $0xFFFFFFFE, s1  }
0xa7: {  	p0 =	sne.s32 s1, s5  }
0xa8: {  	s5 =	sshll.u32 @p0 s5, $0xE  }
0xa9: {  	s5 =	sadd.s32 @p0 $0x11B8D, s5;
	s6 =	sshll.u32 @p0 s4, $0x11  }
0xaa: {  	s5 =	sor.u32 @p0 s6, s5  }
0xab: {  	[sflag:s5] =	ssyncadd.remote.s32 @p0 $0x1;
	_ =	sdelay $0x1  }
0xac: {  	s5 =	simm.s32 @p0 $0x1B8D  }
0xad: {  	_ =	swait.eq @p0 [sflag:s5], $0x1  }
0xae: {  	[sflag:s5] =	ssyncadd.s32 @p0 $0xFFFFFFFF  }
0xaf: {  	s6 =	sshll.u32 @!p0 s1, $0xE  }
0xb0: {  	s6 =	sor.u32 @!p0 $0x4000, s6;
	s5 =	simm.s32 @!p0 $0x1B8D  }
0xb1: {  	s4 =	sshll.u32 @!p0 s4, $0x11;
	s6 =	sadd.s32 @!p0 $0x11B8D, s6;
	_ =	swait.eq @!p0 [sflag:s5], $0x1  }
0xb2: {  	s4 =	sor.u32 @!p0 s4, s6;
	[sflag:s5] =	ssyncadd.s32 @!p0 $0xFFFFFFFF  }
0xb3: {  	s25 =	simm.s32 $0x1B8E;
	s24 =	sld [smem:$0x3FFE];
	[sflag:s4] =	ssyncadd.remote.s32 @!p0 $0x1  }
0xb4: {  	s26 =	simm.s32 $execute0_lowered;
	[smem:$0x3FD2] =	sst s25  }
0xb5: {  	s5 =	sshll.u32 s26, $0x1;
	_ =	strace $0x80000049;
	[dreg:$0x1] =	wrdreg $0xFFFFFFFF  }
0xb6: {  	s28 =	simm.s32 $_size_execute0_lowered;
	s3 =	sadd.s32 s3, s5;
	[dreg:$0x0] =	wrdreg $0x0  }
0xb7: {  	s5 =	sshll.u32 s28, $0x1;
	[dreg:$0x2] =	wrdreg s3  }
0xb8: {  	[dreg:$0x3] =	wrdreg s5  }
0xb9: {  	[dreg:$0x4] =	wrdreg $0xC0  }
0xba: {  	_ =	task [dreg:s22], $0x5FFFF  }
0xbb: {  	[dreg:$0x1] =	wrdreg $0xFFFFFFFF  }
0xbc: {  	[dreg:$0x0] =	wrdreg $0x60  }
0xbd: {  	[dreg:$0x2] =	wrdreg s24  }
0xbe: {  	[dreg:$0x3] =	wrdreg $0xA  }
0xbf: {  	_ =	task.clear_ibuf [dreg:s22], $0x4FFFF;
	_ =	strace $0x90000049  }
0xc0: {  	s29 =	simm.s32 $0xA;
	_ =	strace $0x8000004B  }
0xc1: {  	_ =	swait.ge [sflag:s29], $0x1  }
0xc2: {  	[sflag:s29] =	ssyncadd.s32 $0xFFFFFFFF  }
0xc3: {  	_ =	strace $0x9000004B  }
0xc4: {  	_ =	sfence  }
0xc5: {  	s30 =	sld [smem:$0x0];
	_ =	sdelay $0x2  }
0xc6: {  	s31 =	sshll.u32 s1, $0xD;
	s1 =	sshrl.u32 s1, $0x2  }
0xc7: {  	s4 =	sand.u32 $0x4000, s31;
	s1 =	sadd.s32 s1, s30  }
0xc8: {  	s0 =	sor.u32 s4, s0;
	s1 =	sshll.u32 s1, $0x11  }
0xc9: {  	s0 =	sor.u32 s1, s0  }
0xca: {  	s0 =	sadd.s32 $0x8F2B, s0  }
0xcb: {  	[sflag:s0] =	ssyncadd.remote.s32 $0x1  }
0xcc: {  	_ =	sfence.sel $0xFFFF  }
0xcd: {  	[dreg:$0x0] =	wrdreg $0xFFFFFFFF;
	(pc) =	sbr.abs _section_cstart, $3  }
0xce: {  	[dreg:$0x1] =	wrdreg $0xFFFFFFFF  }
0xcf: {  	_ =	task.clear_ibuf [dreg:s22], $0x2FFFF;
	_ =	strace $0x9FFFFFFF  }
0xd0: {  	(tm) =	ssettm $0x7FFFFFFF  }
0xd1: {  	_ =	shalt  }
tec
execute0_lowered:
.L_overlay_start_1:
0x0: {  	(tag) =	ssettag $0x1  }
0x1: {  	s0 =	srdreg.scid  }
0x2: {  	s1 =	stileid.u32;
	s3 =	rddreg [dreg:$0x0];
	s2 =	simm.s32 $0x0  }
0x3: {  	s28 =	simm.s32 $0x13400;
	s0 =	sand.u32 $0x1, s0;
	s1 =	sshll.u32 s1, $0x1  }
0x4: {  	p0 =	por $0x0, $0x0;
	[smem:$0x7FF] =	sst s2;
	s1 =	sor.u32 s0, s1  }
0x5: {  	s6 =	sadd.s32 $0xA2B800, s3;
	s0 =	ssub.s32 $0x2, s0;
	s4 =	smul.u32 $0xFA, s1  }
0x6: {  	s31 =	sadd.s32 $0x15400, s3;
	s1 =	smul.u32 $0x7D00, s1;
	s25 =	sshrl.u32 s0, $0x1  }
0x7: {  	_ =	strace $0x8000004A;
	s0 =	ssub.s32 s0, s25;
	s25 =	simm.s32 $0x11000  }
0x8: {  	s4 =	sadd.s32 s4, s3;
	s29 =	sadd.s32 s6, s1;
	s30 =	sadd.s32 $0xC80, s1  }
0x9: {  	s7 =	sadd.s32 $0x1900, s1;
	s5 =	sadd.s32 $0xA29800, s4;
	[dreg:$0x4] =	wrdreg s29  }
0xa: {  	s8 =	sadd.s32 $0x2580, s1;
	s4 =	sadd.s32 $0xA27800, s4;
	[dreg:$0x2] =	wrdreg s5  }
0xb: {  	s9 =	sadd.s32 $0x3200, s1;
	s10 =	sadd.s32 s6, s30;
	[dreg:$0x3] =	wrdreg s4  }
0xc: {  	s0 =	smax.u32 s0, $0x1;
	s11 =	sadd.s32 s6, s7;
	[dreg:$0x5] =	wrdreg s10  }
0xd: {  	s12 =	sadd.s32 s6, s8;
	s13 =	sadd.s32 s6, s9;
	[dreg:$0x6] =	wrdreg s11  }
0xe: {  	p1 =	sne.s32 s0, $0x1;
	[dreg:$0x7] =	wrdreg s12;
	s10 =	sadd.s32 $0x3E80, s1  }
0xf: {  	[dreg:$0x8] =	wrdreg s13;
	s11 =	sadd.s32 $0x4B00, s1;
	s12 =	sadd.s32 $0x5780, s1  }
0x10: {  	s13 =	sadd.s32 $0x6400, s1;
	s4 =	sadd.s32 $0x3C600, s3;
	s14 =	sadd.s32 s6, s10  }
0x11: {  	s5 =	simm.s32 $0x800;
	s15 =	sadd.s32 s6, s11;
	[dreg:$0x9] =	wrdreg s14  }
0x12: {  	s16 =	sadd.s32 s6, s12;
	s17 =	sadd.s32 s6, s13;
	[dreg:$0xa] =	wrdreg s15  }
0x13: {  	[dreg:$0xb] =	wrdreg s16;
	s14 =	sadd.s32 $0x7080, s1;
	s15 =	sadd.s32 $0xB25800, s3  }
0x14: {  	[dreg:$0xc] =	wrdreg s17;
	s17 =	simm.s32 $0xD000;
	s3 =	sadd.s32 $0xFFFFFFFF, s0  }
0x15: {  	s16 =	simm.s32 $0x7;
	s0 =	rddreg [dreg:$0x2];
	s18 =	sadd.s32 s6, s14  }
0x16: {  	s1 =	sadd.s32 s15, s1;
	s19 =	sadd.s32 s15, s30;
	[dreg:$0xd] =	wrdreg s18  }
0x17: {  	s20 =	sadd.s32 s15, s7;
	s21 =	sadd.s32 s15, s8;
	[dreg:$0xe] =	wrdreg s1  }
0x18: {  	s22 =	sadd.s32 s15, s9;
	s23 =	sadd.s32 s15, s10;
	[dreg:$0xf] =	wrdreg s19  }
0x19: {  	s24 =	sadd.s32 s15, s11;
	s26 =	sadd.s32 s15, s12;
	[dreg:$0x10] =	wrdreg s20  }
0x1a: {  	s29 =	sadd.s32 s15, s13;
	s30 =	sadd.s32 s15, s14;
	[dreg:$0x11] =	wrdreg s21  }
0x1b: {  	s14 =	simm.s32 $0x9;
	s10 =	simm.s32 $0x80;
	[dreg:$0x12] =	wrdreg s22  }
0x1c: {  	s11 =	simm.s32 $0x48;
	s15 =	simm.s32 $0x4800;
	[dreg:$0x13] =	wrdreg s23  }
.Ltmp0:
0x1d: {  	s12 =	simm.s32 $0xAC00;
	[dreg:$0x14] =	wrdreg s24;
	(pc) =	sbr.rel @!p1 .LBB2_5-.Ltmp0, $4  }
0x1e: {  	s9 =	simm.s32 $0x1;
	s7 =	simm.s32 $0x2;
	[dreg:$0x15] =	wrdreg s26  }
0x1f: {  	s6 =	simm.s32 $0x5;
	s8 =	simm.s32 $0x6;
	[dreg:$0x16] =	wrdreg s29  }
0x20: {  	s13 =	simm.s32 $0x8;
	[dreg:$0x17] =	wrdreg s30;
	s20 =	simm.s32 $0x6C00  }
0x21: {  	s22 =	simm.s32 $0x17400;
	s19 =	simm.s32 $0x3;
	s18 =	simm.s32 $0x4  }
0x22: {  	[tilespmem:s2], [sflag:$0x9] =	stream.linear.gather [hbm4b:s0+s2], $0x7D0, $0x38;
	[tilespmem:$0x19800] =	vst v63  }
0x23: {  	_ =	swait.ge [sflag:s14], $0x7D0  }
0x24: {  	[sflag:s14] =	ssyncset.done $0x0  }
0x25: {  	[sflag:s14] =	ssyncadd.s32 $0xFFFFF830  }
0x26: {  	[tilespmem:s5], [sflag:$0x1] =	stream.indirect.gather [hbm4b:s31+s10], $0x80, s2, s10, $0xb8;
	[tilespmem:$0x19800] =	vst v63  }
0x27: {  	_ = 	snop  }
0x28: {  	[tilespmem:s15], [sflag:$0x1] =	stream.indirect.gather [hbm4b:s31+s11], $0x80, s10, s11, $0xb8;
	[tilespmem:$0x19800] =	vst v63  }
0x29: {  	s24 =	simm.s32 $0xC8  }
0x2a: {  	[tilespmem:s20], [sflag:$0x2] =	stream.indirect.gather [hbm4b:s31+s10], $0x80, s24, s10, $0xb8;
	[tilespmem:$0x19800] =	vst v63  }
0x2b: {  	s29 =	simm.s32 $0x148  }
0x2c: {  	[tilespmem:s12], [sflag:$0x2] =	stream.indirect.gather [hbm4b:s31+s11], $0x80, s29, s11, $0xb8;
	[tilespmem:$0x19800] =	vst v63  }
0x2d: {  	_ =	swait.ge [sflag:s9], $0x4000  }
0x2e: {  	[sflag:s9] =	ssyncset.done $0x0  }
0x2f: {  	[sflag:s9] =	ssyncadd.s32 $0xFFFFC000  }
0x30: {  	_ =	swait.ge [sflag:s9], $0x2400  }
0x31: {  	[sflag:s9] =	ssyncset.done $0x0  }
0x32: {  	s30 =	simm.s32 $0x190;
	[sflag:s9] =	ssyncadd.s32 $0xFFFFDC00  }
0x33: {  	[tilespmem:s17], [sflag:$0x3] =	stream.indirect.gather [hbm4b:s31+s10], $0x80, s30, s10, $0xb8;
	[tilespmem:$0x19800] =	vst v63  }
0x34: {  	s1 =	simm.s32 $0x210  }
0x35: {  	[tilespmem:s25], [sflag:$0x3] =	stream.indirect.gather [hbm4b:s31+s11], $0x80, s1, s11, $0xb8;
	[tilespmem:$0x19800] =	vst v63  }
0x36: {  	s14 =	rddreg [dreg:$0x4]  }
0x37: {  	[hbm4b:s14+s2] =	stream.linear.scatter [tilespmem:s5], [sflag:$0x5], $0x6400, $0x38;
	[tilespmem:$0x19800] =	vst v63  }
0x38: {  	_ =	swait.ge [sflag:s7], $0x4000  }
0x39: {  	[sflag:s7] =	ssyncset.done $0x0  }
0x3a: {  	[sflag:s7] =	ssyncadd.s32 $0xFFFFC000  }
0x3b: {  	_ =	swait.ge [sflag:s7], $0x2400  }
0x3c: {  	[sflag:s7] =	ssyncset.done $0x0  }
0x3d: {  	s23 =	simm.s32 $0x258;
	[sflag:s7] =	ssyncadd.s32 $0xFFFFDC00  }
0x3e: {  	[tilespmem:s28], [sflag:$0x4] =	stream.indirect.gather [hbm4b:s31+s10], $0x80, s23, s10, $0xb8;
	[tilespmem:$0x19800] =	vst v63  }
0x3f: {  	s26 =	simm.s32 $0x2D8  }
0x40: {  	[tilespmem:s22], [sflag:$0x4] =	stream.indirect.gather [hbm4b:s31+s11], $0x80, s26, s11, $0xb8;
	[tilespmem:$0x19800] =	vst v63  }
0x41: {  	s15 =	rddreg [dreg:$0x5]  }
0x42: {  	[hbm4b:s15+s2] =	stream.linear.scatter [tilespmem:s20], [sflag:$0x6], $0x6400, $0x38;
	[tilespmem:$0x19800] =	vst v63  }
0x43: {  	_ =	swait.ge [sflag:s19], $0x4000  }
0x44: {  	[sflag:s19] =	ssyncset.done $0x0  }
0x45: {  	[sflag:s19] =	ssyncadd.s32 $0xFFFFC000  }
0x46: {  	_ =	swait.ge [sflag:s19], $0x2400  }
0x47: {  	[sflag:s19] =	ssyncset.done $0x0  }
0x48: {  	[sflag:s19] =	ssyncadd.s32 $0xFFFFDC00  }
0x49: {  	_ =	swait.ge [sflag:s6], $0x6400  }
0x4a: {  	[sflag:s6] =	ssyncset.done $0x0  }
0x4b: {  	s17 =	simm.s32 $0x320;
	[sflag:s6] =	ssyncadd.s32 $0xFFFF9C00  }
0x4c: {  	[tilespmem:s5], [sflag:$0x1] =	stream.indirect.gather [hbm4b:s31+s10], $0x80, s17, s10, $0xb8;
	[tilespmem:$0x19800] =	vst v63  }
0x4d: {  	s28 =	simm.s32 $0x4800;
	s22 =	simm.s32 $0x3A0  }
0x4e: {  	[tilespmem:s28], [sflag:$0x1] =	stream.indirect.gather [hbm4b:s31+s11], $0x80, s22, s11, $0xb8;
	[tilespmem:$0x19800] =	vst v63  }
0x4f: {  	s14 =	simm.s32 $0xD000;
	s21 =	rddreg [dreg:$0x6]  }
0x50: {  	[hbm4b:s21+s2] =	stream.linear.scatter [tilespmem:s14], [sflag:$0x7], $0x6400, $0x38;
	[tilespmem:$0x19800] =	vst v63  }
0x51: {  	_ =	swait.ge [sflag:s18], $0x4000  }
0x52: {  	[sflag:s18] =	ssyncset.done $0x0  }
0x53: {  	[sflag:s18] =	ssyncadd.s32 $0xFFFFC000  }
0x54: {  	_ =	swait.ge [sflag:s18], $0x2400  }
0x55: {  	[sflag:s18] =	ssyncset.done $0x0  }
0x56: {  	[sflag:s18] =	ssyncadd.s32 $0xFFFFDC00  }
0x57: {  	_ =	swait.ge [sflag:s8], $0x6400  }
0x58: {  	[sflag:s8] =	ssyncset.done $0x0  }
0x59: {  	s21 =	simm.s32 $0x3E8;
	[sflag:s8] =	ssyncadd.s32 $0xFFFF9C00  }
0x5a: {  	[tilespmem:s20], [sflag:$0x2] =	stream.indirect.gather [hbm4b:s31+s10], $0x80, s21, s10, $0xb8;
	[tilespmem:$0x19800] =	vst v63  }
0x5b: {  	s15 =	simm.s32 $0xAC00;
	s21 =	simm.s32 $0x468  }
0x5c: {  	[tilespmem:s15], [sflag:$0x2] =	stream.indirect.gather [hbm4b:s31+s11], $0x80, s21, s11, $0xb8;
	[tilespmem:$0x19800] =	vst v63  }
0x5d: {  	s17 =	simm.s32 $0x13400;
	s0 =	rddreg [dreg:$0x7]  }
0x5e: {  	[hbm4b:s0+s2] =	stream.linear.scatter [tilespmem:s17], [sflag:$0x8], $0x6400, $0x38;
	[tilespmem:$0x19800] =	vst v63  }
0x5f: {  	_ =	swait.ge [sflag:s9], $0x4000  }
0x60: {  	[sflag:s9] =	ssyncset.done $0x0  }
0x61: {  	[sflag:s9] =	ssyncadd.s32 $0xFFFFC000  }
0x62: {  	_ =	swait.ge [sflag:s9], $0x2400  }
0x63: {  	[sflag:s9] =	ssyncset.done $0x0  }
0x64: {  	[sflag:s9] =	ssyncadd.s32 $0xFFFFDC00  }
0x65: {  	_ =	swait.ge [sflag:s16], $0x6400  }
0x66: {  	[sflag:s16] =	ssyncset.done $0x0  }
0x67: {  	s21 =	simm.s32 $0x4B0;
	[sflag:s16] =	ssyncadd.s32 $0xFFFF9C00  }
0x68: {  	[tilespmem:s14], [sflag:$0x3] =	stream.indirect.gather [hbm4b:s31+s10], $0x80, s21, s10, $0xb8;
	[tilespmem:$0x19800] =	vst v63  }
0x69: {  	s12 =	simm.s32 $0x11000;
	s21 =	simm.s32 $0x530  }
0x6a: {  	[tilespmem:s12], [sflag:$0x3] =	stream.indirect.gather [hbm4b:s31+s11], $0x80, s21, s11, $0xb8;
	[tilespmem:$0x19800] =	vst v63  }
0x6b: {  	s0 =	rddreg [dreg:$0x8]  }
0x6c: {  	[hbm4b:s0+s2] =	stream.linear.scatter [tilespmem:s5], [sflag:$0x5], $0x6400, $0x38;
	[tilespmem:$0x19800] =	vst v63  }
0x6d: {  	_ =	swait.ge [sflag:s7], $0x4000  }
0x6e: {  	[sflag:s7] =	ssyncset.done $0x0  }
0x6f: {  	[sflag:s7] =	ssyncadd.s32 $0xFFFFC000  }
0x70: {  	_ =	swait.ge [sflag:s7], $0x2400  }
0x71: {  	[sflag:s7] =	ssyncset.done $0x0  }
0x72: {  	[sflag:s7] =	ssyncadd.s32 $0xFFFFDC00  }
0x73: {  	_ =	swait.ge [sflag:s13], $0x6400  }
0x74: {  	[sflag:s13] =	ssyncset.done $0x0  }
0x75: {  	s21 =	simm.s32 $0x578;
	[sflag:s13] =	ssyncadd.s32 $0xFFFF9C00  }
0x76: {  	[tilespmem:s17], [sflag:$0x4] =	stream.indirect.gather [hbm4b:s31+s10], $0x80, s21, s10, $0xb8;
	[tilespmem:$0x19800] =	vst v63  }
0x77: {  	s25 =	simm.s32 $0x17400;
	s21 =	simm.s32 $0x5F8  }
0x78: {  	[tilespmem:s25], [sflag:$0x4] =	stream.indirect.gather [hbm4b:s31+s11], $0x80, s21, s11, $0xb8;
	[tilespmem:$0x19800] =	vst v63  }
0x79: {  	s0 =	rddreg [dreg:$0x9]  }
0x7a: {  	[hbm4b:s0+s2] =	stream.linear.scatter [tilespmem:s20], [sflag:$0x6], $0x6400, $0x38;
	[tilespmem:$0x19800] =	vst v63  }
0x7b: {  	_ =	swait.ge [sflag:s19], $0x4000  }
0x7c: {  	[sflag:s19] =	ssyncset.done $0x0  }
0x7d: {  	[sflag:s19] =	ssyncadd.s32 $0xFFFFC000  }
0x7e: {  	_ =	swait.ge [sflag:s19], $0x2400  }
0x7f: {  	[sflag:s19] =	ssyncset.done $0x0  }
0x80: {  	[sflag:s19] =	ssyncadd.s32 $0xFFFFDC00  }
0x81: {  	_ =	swait.ge [sflag:s6], $0x6400  }
0x82: {  	[sflag:s6] =	ssyncset.done $0x0  }
0x83: {  	s21 =	simm.s32 $0x640;
	[sflag:s6] =	ssyncadd.s32 $0xFFFF9C00  }
0x84: {  	[tilespmem:s5], [sflag:$0x1] =	stream.indirect.gather [hbm4b:s31+s10], $0x80, s21, s10, $0xb8;
	[tilespmem:$0x19800] =	vst v63  }
0x85: {  	s21 =	simm.s32 $0x6C0  }
0x86: {  	[tilespmem:s28], [sflag:$0x1] =	stream.indirect.gather [hbm4b:s31+s11], $0x80, s21, s11, $0xb8;
	[tilespmem:$0x19800] =	vst v63  }
0x87: {  	s0 =	rddreg [dreg:$0xa]  }
0x88: {  	[hbm4b:s0+s2] =	stream.linear.scatter [tilespmem:s14], [sflag:$0x7], $0x6400, $0x38;
	[tilespmem:$0x19800] =	vst v63  }
0x89: {  	_ =	swait.ge [sflag:s18], $0x4000  }
0x8a: {  	[sflag:s18] =	ssyncset.done $0x0  }
0x8b: {  	[sflag:s18] =	ssyncadd.s32 $0xFFFFC000  }
0x8c: {  	_ =	swait.ge [sflag:s18], $0x2400  }
0x8d: {  	[sflag:s18] =	ssyncset.done $0x0  }
0x8e: {  	[sflag:s18] =	ssyncadd.s32 $0xFFFFDC00  }
0x8f: {  	_ =	swait.ge [sflag:s8], $0x6400  }
0x90: {  	[sflag:s8] =	ssyncset.done $0x0  }
0x91: {  	s14 =	simm.s32 $0x708;
	[sflag:s8] =	ssyncadd.s32 $0xFFFF9C00  }
0x92: {  	[tilespmem:s20], [sflag:$0x2] =	stream.indirect.gather [hbm4b:s31+s10], $0x80, s14, s10, $0xb8;
	[tilespmem:$0x19800] =	vst v63  }
0x93: {  	s21 =	simm.s32 $0x788  }
0x94: {  	[tilespmem:s15], [sflag:$0x2] =	stream.indirect.gather [hbm4b:s31+s11], $0x80, s21, s11, $0xb8;
	[tilespmem:$0x19800] =	vst v63  }
0x95: {  	s0 =	rddreg [dreg:$0xb]  }
0x96: {  	[hbm4b:s0+s2] =	stream.linear.scatter [tilespmem:s17], [sflag:$0x8], $0x6400, $0x38;
	[tilespmem:$0x19800] =	vst v63  }
0x97: {  	_ =	swait.ge [sflag:s9], $0x4000  }
0x98: {  	[sflag:s9] =	ssyncset.done $0x0  }
0x99: {  	[sflag:s9] =	ssyncadd.s32 $0xFFFFC000  }
0x9a: {  	_ =	swait.ge [sflag:s9], $0x2400  }
0x9b: {  	[sflag:s9] =	ssyncset.done $0x0  }
0x9c: {  	[sflag:s9] =	ssyncadd.s32 $0xFFFFDC00  }
0x9d: {  	_ =	swait.ge [sflag:s16], $0x6400  }
0x9e: {  	[sflag:s16] =	ssyncset.done $0x0  }
0x9f: {  	s0 =	rddreg [dreg:$0xc];
	[sflag:s16] =	ssyncadd.s32 $0xFFFF9C00  }
0xa0: {  	[hbm4b:s0+s2] =	stream.linear.scatter [tilespmem:s5], [sflag:$0x5], $0x6400, $0x38;
	[tilespmem:$0x19800] =	vst v63  }
0xa1: {  	_ =	swait.ge [sflag:s7], $0x4000  }
0xa2: {  	[sflag:s7] =	ssyncset.done $0x0  }
0xa3: {  	[sflag:s7] =	ssyncadd.s32 $0xFFFFC000  }
0xa4: {  	_ =	swait.ge [sflag:s7], $0x2400  }
0xa5: {  	[sflag:s7] =	ssyncset.done $0x0  }
0xa6: {  	[sflag:s7] =	ssyncadd.s32 $0xFFFFDC00  }
0xa7: {  	_ =	swait.ge [sflag:s13], $0x6400  }
0xa8: {  	[sflag:s13] =	ssyncset.done $0x0  }
0xa9: {  	s0 =	rddreg [dreg:$0xd];
	[sflag:s13] =	ssyncadd.s32 $0xFFFF9C00  }
0xaa: {  	[hbm4b:s0+s2] =	stream.linear.scatter [tilespmem:s20], [sflag:$0x6], $0x6400, $0x38;
	[tilespmem:$0x19800] =	vst v63  }
0xab: {  	_ =	swait.ge [sflag:s8], $0x6400  }
0xac: {  	[sflag:s8] =	ssyncset.done $0x0  }
0xad: {  	[sflag:s8] =	ssyncadd.s32 $0xFFFF9C00  }
0xae: {  	_ =	swait.ge [sflag:s6], $0x6400  }
0xaf: {  	[sflag:s6] =	ssyncset.done $0x0  }
0xb0: {  	s1 =	simm.s32 $0x9;
	s0 =	rddreg [dreg:$0x3];
	[sflag:s6] =	ssyncadd.s32 $0xFFFF9C00  }
0xb1: {  	[tilespmem:s2], [sflag:$0x9] =	stream.linear.gather [hbm4b:s0+s2], $0x7D0, $0x38;
	[tilespmem:$0x19800] =	vst v63  }
0xb2: {  	_ =	swait.ge [sflag:s1], $0x7D0  }
0xb3: {  	[sflag:s1] =	ssyncset.done $0x0  }
0xb4: {  	[sflag:s1] =	ssyncadd.s32 $0xFFFFF830  }
0xb5: {  	[tilespmem:s5], [sflag:$0x1] =	stream.indirect.gather [hbm4b:s4+s10], $0x80, s2, s10, $0xb8;
	[tilespmem:$0x19800] =	vst v63  }
0xb6: {  	_ = 	snop  }
0xb7: {  	[tilespmem:s28], [sflag:$0x1] =	stream.indirect.gather [hbm4b:s4+s11], $0x80, s10, s11, $0xb8;
	[tilespmem:$0x19800] =	vst v63  }
0xb8: {  	_ = 	snop  }
0xb9: {  	[tilespmem:s20], [sflag:$0x2] =	stream.indirect.gather [hbm4b:s4+s10], $0x80, s24, s10, $0xb8;
	[tilespmem:$0x19800] =	vst v63  }
0xba: {  	_ = 	snop  }
0xbb: {  	[tilespmem:s15], [sflag:$0x2] =	stream.indirect.gather [hbm4b:s4+s11], $0x80, s29, s11, $0xb8;
	[tilespmem:$0x19800] =	vst v63  }
0xbc: {  	_ =	swait.ge [sflag:s9], $0x4000  }
0xbd: {  	[sflag:s9] =	ssyncset.done $0x0  }
0xbe: {  	[sflag:s9] =	ssyncadd.s32 $0xFFFFC000  }
0xbf: {  	_ =	swait.ge [sflag:s9], $0x2400  }
0xc0: {  	[sflag:s9] =	ssyncset.done $0x0  }
0xc1: {  	s17 =	simm.s32 $0xD000;
	[sflag:s9] =	ssyncadd.s32 $0xFFFFDC00  }
0xc2: {  	[tilespmem:s17], [sflag:$0x3] =	stream.indirect.gather [hbm4b:s4+s10], $0x80, s30, s10, $0xb8;
	[tilespmem:$0x19800] =	vst v63  }
0xc3: {  	s30 =	simm.s32 $0x210  }
0xc4: {  	[tilespmem:s12], [sflag:$0x3] =	stream.indirect.gather [hbm4b:s4+s11], $0x80, s30, s11, $0xb8;
	[tilespmem:$0x19800] =	vst v63  }
0xc5: {  	s29 =	rddreg [dreg:$0xe]  }
0xc6: {  	[hbm4b:s29+s2] =	stream.linear.scatter [tilespmem:s5], [sflag:$0x5], $0x6400, $0x38;
	[tilespmem:$0x19800] =	vst v63  }
0xc7: {  	_ =	swait.ge [sflag:s7], $0x4000  }
0xc8: {  	[sflag:s7] =	ssyncset.done $0x0  }
0xc9: {  	[sflag:s7] =	ssyncadd.s32 $0xFFFFC000  }
0xca: {  	_ =	swait.ge [sflag:s7], $0x2400  }
0xcb: {  	[sflag:s7] =	ssyncset.done $0x0  }
0xcc: {  	s28 =	simm.s32 $0x13400;
	[sflag:s7] =	ssyncadd.s32 $0xFFFFDC00  }
0xcd: {  	[tilespmem:s28], [sflag:$0x4] =	stream.indirect.gather [hbm4b:s4+s10], $0x80, s23, s10, $0xb8;
	[tilespmem:$0x19800] =	vst v63  }
0xce: {  	_ = 	snop  }
0xcf: {  	[tilespmem:s25], [sflag:$0x4] =	stream.indirect.gather [hbm4b:s4+s11], $0x80, s26, s11, $0xb8;
	[tilespmem:$0x19800] =	vst v63  }
0xd0: {  	s1 =	rddreg [dreg:$0xf]  }
0xd1: {  	[hbm4b:s1+s2] =	stream.linear.scatter [tilespmem:s20], [sflag:$0x6], $0x6400, $0x38;
	[tilespmem:$0x19800] =	vst v63  }
0xd2: {  	_ =	swait.ge [sflag:s19], $0x4000  }
0xd3: {  	[sflag:s19] =	ssyncset.done $0x0  }
0xd4: {  	[sflag:s19] =	ssyncadd.s32 $0xFFFFC000  }
0xd5: {  	_ =	swait.ge [sflag:s19], $0x2400  }
0xd6: {  	[sflag:s19] =	ssyncset.done $0x0  }
0xd7: {  	[sflag:s19] =	ssyncadd.s32 $0xFFFFDC00  }
0xd8: {  	_ =	swait.ge [sflag:s6], $0x6400  }
0xd9: {  	[sflag:s6] =	ssyncset.done $0x0  }
0xda: {  	s23 =	simm.s32 $0x320;
	[sflag:s6] =	ssyncadd.s32 $0xFFFF9C00  }
0xdb: {  	[tilespmem:s5], [sflag:$0x1] =	stream.indirect.gather [hbm4b:s4+s10], $0x80, s23, s10, $0xb8;
	[tilespmem:$0x19800] =	vst v63  }
0xdc: {  	s15 =	simm.s32 $0x4800  }
0xdd: {  	[tilespmem:s15], [sflag:$0x1] =	stream.indirect.gather [hbm4b:s4+s11], $0x80, s22, s11, $0xb8;
	[tilespmem:$0x19800] =	vst v63  }
0xde: {  	s24 =	rddreg [dreg:$0x10]  }
0xdf: {  	[hbm4b:s24+s2] =	stream.linear.scatter [tilespmem:s17], [sflag:$0x7], $0x6400, $0x38;
	[tilespmem:$0x19800] =	vst v63  }
0xe0: {  	_ =	swait.ge [sflag:s18], $0x4000  }
0xe1: {  	[sflag:s18] =	ssyncset.done $0x0  }
0xe2: {  	[sflag:s18] =	ssyncadd.s32 $0xFFFFC000  }
0xe3: {  	_ =	swait.ge [sflag:s18], $0x2400  }
0xe4: {  	[sflag:s18] =	ssyncset.done $0x0  }
0xe5: {  	[sflag:s18] =	ssyncadd.s32 $0xFFFFDC00  }
0xe6: {  	_ =	swait.ge [sflag:s8], $0x6400  }
0xe7: {  	[sflag:s8] =	ssyncset.done $0x0  }
0xe8: {  	s26 =	simm.s32 $0x3E8;
	[sflag:s8] =	ssyncadd.s32 $0xFFFF9C00  }
0xe9: {  	[tilespmem:s20], [sflag:$0x2] =	stream.indirect.gather [hbm4b:s4+s10], $0x80, s26, s10, $0xb8;
	[tilespmem:$0x19800] =	vst v63  }
0xea: {  	s12 =	simm.s32 $0xAC00;
	s30 =	simm.s32 $0x468  }
0xeb: {  	[tilespmem:s12], [sflag:$0x2] =	stream.indirect.gather [hbm4b:s4+s11], $0x80, s30, s11, $0xb8;
	[tilespmem:$0x19800] =	vst v63  }
0xec: {  	s29 =	rddreg [dreg:$0x11]  }
0xed: {  	[hbm4b:s29+s2] =	stream.linear.scatter [tilespmem:s28], [sflag:$0x8], $0x6400, $0x38;
	[tilespmem:$0x19800] =	vst v63  }
0xee: {  	_ =	swait.ge [sflag:s9], $0x4000  }
0xef: {  	[sflag:s9] =	ssyncset.done $0x0  }
0xf0: {  	[sflag:s9] =	ssyncadd.s32 $0xFFFFC000  }
0xf1: {  	_ =	swait.ge [sflag:s9], $0x2400  }
0xf2: {  	[sflag:s9] =	ssyncset.done $0x0  }
0xf3: {  	[sflag:s9] =	ssyncadd.s32 $0xFFFFDC00  }
0xf4: {  	_ =	swait.ge [sflag:s16], $0x6400  }
0xf5: {  	[sflag:s16] =	ssyncset.done $0x0  }
0xf6: {  	s1 =	simm.s32 $0x4B0;
	[sflag:s16] =	ssyncadd.s32 $0xFFFF9C00  }
0xf7: {  	[tilespmem:s17], [sflag:$0x3] =	stream.indirect.gather [hbm4b:s4+s10], $0x80, s1, s10, $0xb8;
	[tilespmem:$0x19800] =	vst v63  }
0xf8: {  	s25 =	simm.s32 $0x11000;
	s24 =	simm.s32 $0x530  }
0xf9: {  	[tilespmem:s25], [sflag:$0x3] =	stream.indirect.gather [hbm4b:s4+s11], $0x80, s24, s11, $0xb8;
	[tilespmem:$0x19800] =	vst v63  }
0xfa: {  	s23 =	rddreg [dreg:$0x12]  }
0xfb: {  	[hbm4b:s23+s2] =	stream.linear.scatter [tilespmem:s5], [sflag:$0x5], $0x6400, $0x38;
	[tilespmem:$0x19800] =	vst v63  }
0xfc: {  	_ =	swait.ge [sflag:s7], $0x4000  }
0xfd: {  	[sflag:s7] =	ssyncset.done $0x0  }
0xfe: {  	[sflag:s7] =	ssyncadd.s32 $0xFFFFC000  }
0xff: {  	_ =	swait.ge [sflag:s7], $0x2400  }
0x100: {  	[sflag:s7] =	ssyncset.done $0x0  }
0x101: {  	[sflag:s7] =	ssyncadd.s32 $0xFFFFDC00  }
0x102: {  	_ =	swait.ge [sflag:s13], $0x6400  }
0x103: {  	[sflag:s13] =	ssyncset.done $0x0  }
0x104: {  	s26 =	simm.s32 $0x578;
	[sflag:s13] =	ssyncadd.s32 $0xFFFF9C00  }
0x105: {  	[tilespmem:s28], [sflag:$0x4] =	stream.indirect.gather [hbm4b:s4+s10], $0x80, s26, s10, $0xb8;
	[tilespmem:$0x19800] =	vst v63  }
0x106: {  	s22 =	simm.s32 $0x17400;
	s30 =	simm.s32 $0x5F8  }
0x107: {  	[tilespmem:s22], [sflag:$0x4] =	stream.indirect.gather [hbm4b:s4+s11], $0x80, s30, s11, $0xb8;
	[tilespmem:$0x19800] =	vst v63  }
0x108: {  	s29 =	rddreg [dreg:$0x13]  }
0x109: {  	[hbm4b:s29+s2] =	stream.linear.scatter [tilespmem:s20], [sflag:$0x6], $0x6400, $0x38;
	[tilespmem:$0x19800] =	vst v63  }
0x10a: {  	_ =	swait.ge [sflag:s19], $0x4000  }
0x10b: {  	[sflag:s19] =	ssyncset.done $0x0  }
0x10c: {  	[sflag:s19] =	ssyncadd.s32 $0xFFFFC000  }
0x10d: {  	_ =	swait.ge [sflag:s19], $0x2400  }
0x10e: {  	[sflag:s19] =	ssyncset.done $0x0  }
0x10f: {  	[sflag:s19] =	ssyncadd.s32 $0xFFFFDC00  }
0x110: {  	_ =	swait.ge [sflag:s6], $0x6400  }
0x111: {  	[sflag:s6] =	ssyncset.done $0x0  }
0x112: {  	s1 =	simm.s32 $0x640;
	[sflag:s6] =	ssyncadd.s32 $0xFFFF9C00  }
0x113: {  	[tilespmem:s5], [sflag:$0x1] =	stream.indirect.gather [hbm4b:s4+s10], $0x80, s1, s10, $0xb8;
	[tilespmem:$0x19800] =	vst v63  }
0x114: {  	s24 =	simm.s32 $0x6C0  }
0x115: {  	[tilespmem:s15], [sflag:$0x1] =	stream.indirect.gather [hbm4b:s4+s11], $0x80, s24, s11, $0xb8;
	[tilespmem:$0x19800] =	vst v63  }
0x116: {  	s23 =	rddreg [dreg:$0x14]  }
0x117: {  	[hbm4b:s23+s2] =	stream.linear.scatter [tilespmem:s17], [sflag:$0x7], $0x6400, $0x38;
	[tilespmem:$0x19800] =	vst v63  }
0x118: {  	_ =	swait.ge [sflag:s18], $0x4000  }
0x119: {  	[sflag:s18] =	ssyncset.done $0x0  }
0x11a: {  	[sflag:s18] =	ssyncadd.s32 $0xFFFFC000  }
0x11b: {  	_ =	swait.ge [sflag:s18], $0x2400  }
0x11c: {  	[sflag:s18] =	ssyncset.done $0x0  }
0x11d: {  	[sflag:s18] =	ssyncadd.s32 $0xFFFFDC00  }
0x11e: {  	_ =	swait.ge [sflag:s8], $0x6400  }
0x11f: {  	[sflag:s8] =	ssyncset.done $0x0  }
0x120: {  	[sflag:s8] =	ssyncadd.s32 $0xFFFF9C00  }
0x121: {  	[tilespmem:s20], [sflag:$0x2] =	stream.indirect.gather [hbm4b:s4+s10], $0x80, s14, s10, $0xb8;
	[tilespmem:$0x19800] =	vst v63  }
0x122: {  	_ = 	snop  }
0x123: {  	[tilespmem:s12], [sflag:$0x2] =	stream.indirect.gather [hbm4b:s4+s11], $0x80, s21, s11, $0xb8;
	[tilespmem:$0x19800] =	vst v63  }
0x124: {  	s26 =	rddreg [dreg:$0x15]  }
0x125: {  	[hbm4b:s26+s2] =	stream.linear.scatter [tilespmem:s28], [sflag:$0x8], $0x6400, $0x38;
	[tilespmem:$0x19800] =	vst v63  }
0x126: {  	_ =	swait.ge [sflag:s9], $0x4000  }
0x127: {  	[sflag:s9] =	ssyncset.done $0x0  }
0x128: {  	[sflag:s9] =	ssyncadd.s32 $0xFFFFC000  }
0x129: {  	_ =	swait.ge [sflag:s9], $0x2400  }
0x12a: {  	[sflag:s9] =	ssyncset.done $0x0  }
0x12b: {  	[sflag:s9] =	ssyncadd.s32 $0xFFFFDC00  }
0x12c: {  	_ =	swait.ge [sflag:s16], $0x6400  }
0x12d: {  	[sflag:s16] =	ssyncset.done $0x0  }
0x12e: {  	s29 =	rddreg [dreg:$0x16];
	[sflag:s16] =	ssyncadd.s32 $0xFFFF9C00  }
0x12f: {  	[hbm4b:s29+s2] =	stream.linear.scatter [tilespmem:s5], [sflag:$0x5], $0x6400, $0x38;
	[tilespmem:$0x19800] =	vst v63  }
0x130: {  	_ =	swait.ge [sflag:s7], $0x4000  }
0x131: {  	[sflag:s7] =	ssyncset.done $0x0  }
0x132: {  	[sflag:s7] =	ssyncadd.s32 $0xFFFFC000  }
0x133: {  	_ =	swait.ge [sflag:s7], $0x2400  }
0x134: {  	[sflag:s7] =	ssyncset.done $0x0  }
0x135: {  	[sflag:s7] =	ssyncadd.s32 $0xFFFFDC00  }
0x136: {  	_ =	swait.ge [sflag:s13], $0x6400  }
0x137: {  	[sflag:s13] =	ssyncset.done $0x0  }
0x138: {  	p1 =	sne.s32 s3, $0x1;
	s30 =	rddreg [dreg:$0x17];
	[sflag:s13] =	ssyncadd.s32 $0xFFFF9C00  }
0x139: {  	[hbm4b:s30+s2] =	stream.linear.scatter [tilespmem:s20], [sflag:$0x6], $0x6400, $0x38;
	[tilespmem:$0x19800] =	vst v63  }
.Ltmp1:
0x13a: {  	_ =	swait.ge [sflag:s8], $0x6400;
	(pc) =	sbr.rel @!p1 .LBB2_6-.Ltmp1, $4  }
0x13b: {  	[sflag:s8] =	ssyncset.done $0x0  }
0x13c: {  	[sflag:s8] =	ssyncadd.s32 $0xFFFF9C00  }
0x13d: {  	p0 =	por $0x1, $0x1;
	_ =	swait.ge [sflag:s6], $0x6400  }
0x13e: {  	s1 =	sadd.s32 $0xFFFFFFFF, s3;
	s0 =	rddreg [dreg:$0x2];
	[sflag:s6] =	ssyncset.done $0x0  }
0x13f: {  	s24 =	simm.s32 $0xC8;
	s29 =	simm.s32 $0x148  }
0x140: {  	s30 =	simm.s32 $0x190;
	s23 =	simm.s32 $0x258;
	s26 =	simm.s32 $0x2D8  }
.LBB2_3:
0x141: {  	[sflag:s6] =	ssyncadd.s32 $0xFFFF9C00;
	s3 =	simm.s32 $0x9  }
0x142: {  	[tilespmem:s2], [sflag:$0x9] =	stream.linear.gather [hbm4b:s0+s2], $0x7D0, $0x38;
	[tilespmem:$0x19800] =	vst v63  }
0x143: {  	_ =	swait.ge [sflag:s3], $0x7D0  }
0x144: {  	[sflag:s3] =	ssyncset.done $0x0  }
0x145: {  	[sflag:s3] =	ssyncadd.s32 $0xFFFFF830  }
0x146: {  	[tilespmem:s5], [sflag:$0x1] =	stream.indirect.gather [hbm4b:s31+s10], $0x80, s2, s10, $0xb8;
	[tilespmem:$0x19800] =	vst v63  }
0x147: {  	_ = 	snop  }
0x148: {  	[tilespmem:s15], [sflag:$0x1] =	stream.indirect.gather [hbm4b:s31+s11], $0x80, s10, s11, $0xb8;
	[tilespmem:$0x19800] =	vst v63  }
0x149: {  	_ = 	snop  }
0x14a: {  	[tilespmem:s20], [sflag:$0x2] =	stream.indirect.gather [hbm4b:s31+s10], $0x80, s24, s10, $0xb8;
	[tilespmem:$0x19800] =	vst v63  }
0x14b: {  	_ = 	snop  }
0x14c: {  	[tilespmem:s12], [sflag:$0x2] =	stream.indirect.gather [hbm4b:s31+s11], $0x80, s29, s11, $0xb8;
	[tilespmem:$0x19800] =	vst v63  }
0x14d: {  	_ =	swait.ge [sflag:s9], $0x4000  }
0x14e: {  	[sflag:s9] =	ssyncset.done $0x0  }
0x14f: {  	[sflag:s9] =	ssyncadd.s32 $0xFFFFC000  }
0x150: {  	_ =	swait.ge [sflag:s9], $0x2400  }
0x151: {  	[sflag:s9] =	ssyncset.done $0x0  }
0x152: {  	[sflag:s9] =	ssyncadd.s32 $0xFFFFDC00  }
0x153: {  	[tilespmem:s17], [sflag:$0x3] =	stream.indirect.gather [hbm4b:s31+s10], $0x80, s30, s10, $0xb8;
	[tilespmem:$0x19800] =	vst v63  }
0x154: {  	s14 =	simm.s32 $0x210  }
0x155: {  	[tilespmem:s25], [sflag:$0x3] =	stream.indirect.gather [hbm4b:s31+s11], $0x80, s14, s11, $0xb8;
	[tilespmem:$0x19800] =	vst v63  }
0x156: {  	s21 =	rddreg [dreg:$0x4]  }
0x157: {  	[hbm4b:s21+s2] =	stream.linear.scatter [tilespmem:s5], [sflag:$0x5], $0x6400, $0x38;
	[tilespmem:$0x19800] =	vst v63  }
0x158: {  	_ =	swait.ge [sflag:s7], $0x4000  }
0x159: {  	[sflag:s7] =	ssyncset.done $0x0  }
0x15a: {  	[sflag:s7] =	ssyncadd.s32 $0xFFFFC000  }
0x15b: {  	_ =	swait.ge [sflag:s7], $0x2400  }
0x15c: {  	[sflag:s7] =	ssyncset.done $0x0  }
0x15d: {  	[sflag:s7] =	ssyncadd.s32 $0xFFFFDC00  }
0x15e: {  	[tilespmem:s28], [sflag:$0x4] =	stream.indirect.gather [hbm4b:s31+s10], $0x80, s23, s10, $0xb8;
	[tilespmem:$0x19800] =	vst v63  }
0x15f: {  	_ = 	snop  }
0x160: {  	[tilespmem:s22], [sflag:$0x4] =	stream.indirect.gather [hbm4b:s31+s11], $0x80, s26, s11, $0xb8;
	[tilespmem:$0x19800] =	vst v63  }
0x161: {  	s15 =	rddreg [dreg:$0x5]  }
0x162: {  	[hbm4b:s15+s2] =	stream.linear.scatter [tilespmem:s20], [sflag:$0x6], $0x6400, $0x38;
	[tilespmem:$0x19800] =	vst v63  }
0x163: {  	_ =	swait.ge [sflag:s19], $0x4000  }
0x164: {  	[sflag:s19] =	ssyncset.done $0x0  }
0x165: {  	[sflag:s19] =	ssyncadd.s32 $0xFFFFC000  }
0x166: {  	_ =	swait.ge [sflag:s19], $0x2400  }
0x167: {  	[sflag:s19] =	ssyncset.done $0x0  }
0x168: {  	[sflag:s19] =	ssyncadd.s32 $0xFFFFDC00  }
0x169: {  	_ =	swait.ge [sflag:s6], $0x6400  }
0x16a: {  	[sflag:s6] =	ssyncset.done $0x0  }
0x16b: {  	s17 =	simm.s32 $0x320;
	[sflag:s6] =	ssyncadd.s32 $0xFFFF9C00  }
0x16c: {  	[tilespmem:s5], [sflag:$0x1] =	stream.indirect.gather [hbm4b:s31+s10], $0x80, s17, s10, $0xb8;
	[tilespmem:$0x19800] =	vst v63  }
0x16d: {  	s28 =	simm.s32 $0x4800;
	s22 =	simm.s32 $0x3A0  }
0x16e: {  	[tilespmem:s28], [sflag:$0x1] =	stream.indirect.gather [hbm4b:s31+s11], $0x80, s22, s11, $0xb8;
	[tilespmem:$0x19800] =	vst v63  }
0x16f: {  	s14 =	simm.s32 $0xD000;
	s21 =	rddreg [dreg:$0x6]  }
0x170: {  	[hbm4b:s21+s2] =	stream.linear.scatter [tilespmem:s14], [sflag:$0x7], $0x6400, $0x38;
	[tilespmem:$0x19800] =	vst v63  }
0x171: {  	_ =	swait.ge [sflag:s18], $0x4000  }
0x172: {  	[sflag:s18] =	ssyncset.done $0x0  }
0x173: {  	[sflag:s18] =	ssyncadd.s32 $0xFFFFC000  }
0x174: {  	_ =	swait.ge [sflag:s18], $0x2400  }
0x175: {  	[sflag:s18] =	ssyncset.done $0x0  }
0x176: {  	[sflag:s18] =	ssyncadd.s32 $0xFFFFDC00  }
0x177: {  	_ =	swait.ge [sflag:s8], $0x6400  }
0x178: {  	[sflag:s8] =	ssyncset.done $0x0  }
0x179: {  	s21 =	simm.s32 $0x3E8;
	[sflag:s8] =	ssyncadd.s32 $0xFFFF9C00  }
0x17a: {  	[tilespmem:s20], [sflag:$0x2] =	stream.indirect.gather [hbm4b:s31+s10], $0x80, s21, s10, $0xb8;
	[tilespmem:$0x19800] =	vst v63  }
0x17b: {  	s15 =	simm.s32 $0xAC00;
	s21 =	simm.s32 $0x468  }
0x17c: {  	[tilespmem:s15], [sflag:$0x2] =	stream.indirect.gather [hbm4b:s31+s11], $0x80, s21, s11, $0xb8;
	[tilespmem:$0x19800] =	vst v63  }
0x17d: {  	s17 =	simm.s32 $0x13400;
	s0 =	rddreg [dreg:$0x7]  }
0x17e: {  	[hbm4b:s0+s2] =	stream.linear.scatter [tilespmem:s17], [sflag:$0x8], $0x6400, $0x38;
	[tilespmem:$0x19800] =	vst v63  }
0x17f: {  	_ =	swait.ge [sflag:s9], $0x4000  }
0x180: {  	[sflag:s9] =	ssyncset.done $0x0  }
0x181: {  	[sflag:s9] =	ssyncadd.s32 $0xFFFFC000  }
0x182: {  	_ =	swait.ge [sflag:s9], $0x2400  }
0x183: {  	[sflag:s9] =	ssyncset.done $0x0  }
0x184: {  	[sflag:s9] =	ssyncadd.s32 $0xFFFFDC00  }
0x185: {  	_ =	swait.ge [sflag:s16], $0x6400  }
0x186: {  	[sflag:s16] =	ssyncset.done $0x0  }
0x187: {  	s21 =	simm.s32 $0x4B0;
	[sflag:s16] =	ssyncadd.s32 $0xFFFF9C00  }
0x188: {  	[tilespmem:s14], [sflag:$0x3] =	stream.indirect.gather [hbm4b:s31+s10], $0x80, s21, s10, $0xb8;
	[tilespmem:$0x19800] =	vst v63  }
0x189: {  	s12 =	simm.s32 $0x11000;
	s21 =	simm.s32 $0x530  }
0x18a: {  	[tilespmem:s12], [sflag:$0x3] =	stream.indirect.gather [hbm4b:s31+s11], $0x80, s21, s11, $0xb8;
	[tilespmem:$0x19800] =	vst v63  }
0x18b: {  	s0 =	rddreg [dreg:$0x8]  }
0x18c: {  	[hbm4b:s0+s2] =	stream.linear.scatter [tilespmem:s5], [sflag:$0x5], $0x6400, $0x38;
	[tilespmem:$0x19800] =	vst v63  }
0x18d: {  	_ =	swait.ge [sflag:s7], $0x4000  }
0x18e: {  	[sflag:s7] =	ssyncset.done $0x0  }
0x18f: {  	[sflag:s7] =	ssyncadd.s32 $0xFFFFC000  }
0x190: {  	_ =	swait.ge [sflag:s7], $0x2400  }
0x191: {  	[sflag:s7] =	ssyncset.done $0x0  }
0x192: {  	[sflag:s7] =	ssyncadd.s32 $0xFFFFDC00  }
0x193: {  	_ =	swait.ge [sflag:s13], $0x6400  }
0x194: {  	[sflag:s13] =	ssyncset.done $0x0  }
0x195: {  	s21 =	simm.s32 $0x578;
	[sflag:s13] =	ssyncadd.s32 $0xFFFF9C00  }
0x196: {  	[tilespmem:s17], [sflag:$0x4] =	stream.indirect.gather [hbm4b:s31+s10], $0x80, s21, s10, $0xb8;
	[tilespmem:$0x19800] =	vst v63  }
0x197: {  	s25 =	simm.s32 $0x17400;
	s21 =	simm.s32 $0x5F8  }
0x198: {  	[tilespmem:s25], [sflag:$0x4] =	stream.indirect.gather [hbm4b:s31+s11], $0x80, s21, s11, $0xb8;
	[tilespmem:$0x19800] =	vst v63  }
0x199: {  	s0 =	rddreg [dreg:$0x9]  }
0x19a: {  	[hbm4b:s0+s2] =	stream.linear.scatter [tilespmem:s20], [sflag:$0x6], $0x6400, $0x38;
	[tilespmem:$0x19800] =	vst v63  }
0x19b: {  	_ =	swait.ge [sflag:s19], $0x4000  }
0x19c: {  	[sflag:s19] =	ssyncset.done $0x0  }
0x19d: {  	[sflag:s19] =	ssyncadd.s32 $0xFFFFC000  }
0x19e: {  	_ =	swait.ge [sflag:s19], $0x2400  }
0x19f: {  	[sflag:s19] =	ssyncset.done $0x0  }
0x1a0: {  	[sflag:s19] =	ssyncadd.s32 $0xFFFFDC00  }
0x1a1: {  	_ =	swait.ge [sflag:s6], $0x6400  }
0x1a2: {  	[sflag:s6] =	ssyncset.done $0x0  }
0x1a3: {  	s21 =	simm.s32 $0x640;
	[sflag:s6] =	ssyncadd.s32 $0xFFFF9C00  }
0x1a4: {  	[tilespmem:s5], [sflag:$0x1] =	stream.indirect.gather [hbm4b:s31+s10], $0x80, s21, s10, $0xb8;
	[tilespmem:$0x19800] =	vst v63  }
0x1a5: {  	s21 =	simm.s32 $0x6C0  }
0x1a6: {  	[tilespmem:s28], [sflag:$0x1] =	stream.indirect.gather [hbm4b:s31+s11], $0x80, s21, s11, $0xb8;
	[tilespmem:$0x19800] =	vst v63  }
0x1a7: {  	s0 =	rddreg [dreg:$0xa]  }
0x1a8: {  	[hbm4b:s0+s2] =	stream.linear.scatter [tilespmem:s14], [sflag:$0x7], $0x6400, $0x38;
	[tilespmem:$0x19800] =	vst v63  }
0x1a9: {  	_ =	swait.ge [sflag:s18], $0x4000  }
0x1aa: {  	[sflag:s18] =	ssyncset.done $0x0  }
0x1ab: {  	[sflag:s18] =	ssyncadd.s32 $0xFFFFC000  }
0x1ac: {  	_ =	swait.ge [sflag:s18], $0x2400  }
0x1ad: {  	[sflag:s18] =	ssyncset.done $0x0  }
0x1ae: {  	[sflag:s18] =	ssyncadd.s32 $0xFFFFDC00  }
0x1af: {  	_ =	swait.ge [sflag:s8], $0x6400  }
0x1b0: {  	[sflag:s8] =	ssyncset.done $0x0  }
0x1b1: {  	s14 =	simm.s32 $0x708;
	[sflag:s8] =	ssyncadd.s32 $0xFFFF9C00  }
0x1b2: {  	[tilespmem:s20], [sflag:$0x2] =	stream.indirect.gather [hbm4b:s31+s10], $0x80, s14, s10, $0xb8;
	[tilespmem:$0x19800] =	vst v63  }
0x1b3: {  	s21 =	simm.s32 $0x788  }
0x1b4: {  	[tilespmem:s15], [sflag:$0x2] =	stream.indirect.gather [hbm4b:s31+s11], $0x80, s21, s11, $0xb8;
	[tilespmem:$0x19800] =	vst v63  }
0x1b5: {  	s0 =	rddreg [dreg:$0xb]  }
0x1b6: {  	[hbm4b:s0+s2] =	stream.linear.scatter [tilespmem:s17], [sflag:$0x8], $0x6400, $0x38;
	[tilespmem:$0x19800] =	vst v63  }
0x1b7: {  	_ =	swait.ge [sflag:s9], $0x4000  }
0x1b8: {  	[sflag:s9] =	ssyncset.done $0x0  }
0x1b9: {  	[sflag:s9] =	ssyncadd.s32 $0xFFFFC000  }
0x1ba: {  	_ =	swait.ge [sflag:s9], $0x2400  }
0x1bb: {  	[sflag:s9] =	ssyncset.done $0x0  }
0x1bc: {  	[sflag:s9] =	ssyncadd.s32 $0xFFFFDC00  }
0x1bd: {  	_ =	swait.ge [sflag:s16], $0x6400  }
0x1be: {  	[sflag:s16] =	ssyncset.done $0x0  }
0x1bf: {  	s0 =	rddreg [dreg:$0xc];
	[sflag:s16] =	ssyncadd.s32 $0xFFFF9C00  }
0x1c0: {  	[hbm4b:s0+s2] =	stream.linear.scatter [tilespmem:s5], [sflag:$0x5], $0x6400, $0x38;
	[tilespmem:$0x19800] =	vst v63  }
0x1c1: {  	_ =	swait.ge [sflag:s7], $0x4000  }
0x1c2: {  	[sflag:s7] =	ssyncset.done $0x0  }
0x1c3: {  	[sflag:s7] =	ssyncadd.s32 $0xFFFFC000  }
0x1c4: {  	_ =	swait.ge [sflag:s7], $0x2400  }
0x1c5: {  	[sflag:s7] =	ssyncset.done $0x0  }
0x1c6: {  	[sflag:s7] =	ssyncadd.s32 $0xFFFFDC00  }
0x1c7: {  	_ =	swait.ge [sflag:s13], $0x6400  }
0x1c8: {  	[sflag:s13] =	ssyncset.done $0x0  }
0x1c9: {  	s0 =	rddreg [dreg:$0xd];
	[sflag:s13] =	ssyncadd.s32 $0xFFFF9C00  }
0x1ca: {  	[hbm4b:s0+s2] =	stream.linear.scatter [tilespmem:s20], [sflag:$0x6], $0x6400, $0x38;
	[tilespmem:$0x19800] =	vst v63  }
0x1cb: {  	_ =	swait.ge [sflag:s8], $0x6400  }
0x1cc: {  	[sflag:s8] =	ssyncset.done $0x0  }
0x1cd: {  	[sflag:s8] =	ssyncadd.s32 $0xFFFF9C00  }
0x1ce: {  	_ =	swait.ge [sflag:s6], $0x6400  }
0x1cf: {  	[sflag:s6] =	ssyncset.done $0x0  }
0x1d0: {  	s0 =	rddreg [dreg:$0x3];
	[sflag:s6] =	ssyncadd.s32 $0xFFFF9C00  }
0x1d1: {  	[tilespmem:s2], [sflag:$0x9] =	stream.linear.gather [hbm4b:s0+s2], $0x7D0, $0x38;
	[tilespmem:$0x19800] =	vst v63  }
0x1d2: {  	_ =	swait.ge [sflag:s3], $0x7D0  }
0x1d3: {  	[sflag:s3] =	ssyncset.done $0x0  }
0x1d4: {  	[sflag:s3] =	ssyncadd.s32 $0xFFFFF830  }
0x1d5: {  	[tilespmem:s5], [sflag:$0x1] =	stream.indirect.gather [hbm4b:s4+s10], $0x80, s2, s10, $0xb8;
	[tilespmem:$0x19800] =	vst v63  }
0x1d6: {  	_ = 	snop  }
0x1d7: {  	[tilespmem:s28], [sflag:$0x1] =	stream.indirect.gather [hbm4b:s4+s11], $0x80, s10, s11, $0xb8;
	[tilespmem:$0x19800] =	vst v63  }
0x1d8: {  	_ = 	snop  }
0x1d9: {  	[tilespmem:s20], [sflag:$0x2] =	stream.indirect.gather [hbm4b:s4+s10], $0x80, s24, s10, $0xb8;
	[tilespmem:$0x19800] =	vst v63  }
0x1da: {  	_ = 	snop  }
0x1db: {  	[tilespmem:s15], [sflag:$0x2] =	stream.indirect.gather [hbm4b:s4+s11], $0x80, s29, s11, $0xb8;
	[tilespmem:$0x19800] =	vst v63  }
0x1dc: {  	_ =	swait.ge [sflag:s9], $0x4000  }
0x1dd: {  	[sflag:s9] =	ssyncset.done $0x0  }
0x1de: {  	[sflag:s9] =	ssyncadd.s32 $0xFFFFC000  }
0x1df: {  	_ =	swait.ge [sflag:s9], $0x2400  }
0x1e0: {  	[sflag:s9] =	ssyncset.done $0x0  }
0x1e1: {  	s17 =	simm.s32 $0xD000;
	[sflag:s9] =	ssyncadd.s32 $0xFFFFDC00  }
0x1e2: {  	[tilespmem:s17], [sflag:$0x3] =	stream.indirect.gather [hbm4b:s4+s10], $0x80, s30, s10, $0xb8;
	[tilespmem:$0x19800] =	vst v63  }
0x1e3: {  	s3 =	simm.s32 $0x210  }
0x1e4: {  	[tilespmem:s12], [sflag:$0x3] =	stream.indirect.gather [hbm4b:s4+s11], $0x80, s3, s11, $0xb8;
	[tilespmem:$0x19800] =	vst v63  }
0x1e5: {  	s0 =	rddreg [dreg:$0xe]  }
0x1e6: {  	[hbm4b:s0+s2] =	stream.linear.scatter [tilespmem:s5], [sflag:$0x5], $0x6400, $0x38;
	[tilespmem:$0x19800] =	vst v63  }
0x1e7: {  	_ =	swait.ge [sflag:s7], $0x4000  }
0x1e8: {  	[sflag:s7] =	ssyncset.done $0x0  }
0x1e9: {  	[sflag:s7] =	ssyncadd.s32 $0xFFFFC000  }
0x1ea: {  	_ =	swait.ge [sflag:s7], $0x2400  }
0x1eb: {  	[sflag:s7] =	ssyncset.done $0x0  }
0x1ec: {  	s28 =	simm.s32 $0x13400;
	[sflag:s7] =	ssyncadd.s32 $0xFFFFDC00  }
0x1ed: {  	[tilespmem:s28], [sflag:$0x4] =	stream.indirect.gather [hbm4b:s4+s10], $0x80, s23, s10, $0xb8;
	[tilespmem:$0x19800] =	vst v63  }
0x1ee: {  	_ = 	snop  }
0x1ef: {  	[tilespmem:s25], [sflag:$0x4] =	stream.indirect.gather [hbm4b:s4+s11], $0x80, s26, s11, $0xb8;
	[tilespmem:$0x19800] =	vst v63  }
0x1f0: {  	s3 =	rddreg [dreg:$0xf]  }
0x1f1: {  	[hbm4b:s3+s2] =	stream.linear.scatter [tilespmem:s20], [sflag:$0x6], $0x6400, $0x38;
	[tilespmem:$0x19800] =	vst v63  }
0x1f2: {  	_ =	swait.ge [sflag:s19], $0x4000  }
0x1f3: {  	[sflag:s19] =	ssyncset.done $0x0  }
0x1f4: {  	[sflag:s19] =	ssyncadd.s32 $0xFFFFC000  }
0x1f5: {  	_ =	swait.ge [sflag:s19], $0x2400  }
0x1f6: {  	[sflag:s19] =	ssyncset.done $0x0  }
0x1f7: {  	[sflag:s19] =	ssyncadd.s32 $0xFFFFDC00  }
0x1f8: {  	_ =	swait.ge [sflag:s6], $0x6400  }
0x1f9: {  	[sflag:s6] =	ssyncset.done $0x0  }
0x1fa: {  	s3 =	simm.s32 $0x320;
	[sflag:s6] =	ssyncadd.s32 $0xFFFF9C00  }
0x1fb: {  	[tilespmem:s5], [sflag:$0x1] =	stream.indirect.gather [hbm4b:s4+s10], $0x80, s3, s10, $0xb8;
	[tilespmem:$0x19800] =	vst v63  }
0x1fc: {  	s15 =	simm.s32 $0x4800  }
0x1fd: {  	[tilespmem:s15], [sflag:$0x1] =	stream.indirect.gather [hbm4b:s4+s11], $0x80, s22, s11, $0xb8;
	[tilespmem:$0x19800] =	vst v63  }
0x1fe: {  	s3 =	rddreg [dreg:$0x10]  }
0x1ff: {  	[hbm4b:s3+s2] =	stream.linear.scatter [tilespmem:s17], [sflag:$0x7], $0x6400, $0x38;
	[tilespmem:$0x19800] =	vst v63  }
0x200: {  	_ =	swait.ge [sflag:s18], $0x4000  }
0x201: {  	[sflag:s18] =	ssyncset.done $0x0  }
0x202: {  	[sflag:s18] =	ssyncadd.s32 $0xFFFFC000  }
0x203: {  	_ =	swait.ge [sflag:s18], $0x2400  }
0x204: {  	[sflag:s18] =	ssyncset.done $0x0  }
0x205: {  	[sflag:s18] =	ssyncadd.s32 $0xFFFFDC00  }
0x206: {  	_ =	swait.ge [sflag:s8], $0x6400  }
0x207: {  	[sflag:s8] =	ssyncset.done $0x0  }
0x208: {  	s3 =	simm.s32 $0x3E8;
	[sflag:s8] =	ssyncadd.s32 $0xFFFF9C00  }
0x209: {  	[tilespmem:s20], [sflag:$0x2] =	stream.indirect.gather [hbm4b:s4+s10], $0x80, s3, s10, $0xb8;
	[tilespmem:$0x19800] =	vst v63  }
0x20a: {  	s12 =	simm.s32 $0xAC00;
	s3 =	simm.s32 $0x468  }
0x20b: {  	[tilespmem:s12], [sflag:$0x2] =	stream.indirect.gather [hbm4b:s4+s11], $0x80, s3, s11, $0xb8;
	[tilespmem:$0x19800] =	vst v63  }
0x20c: {  	s0 =	rddreg [dreg:$0x11]  }
0x20d: {  	[hbm4b:s0+s2] =	stream.linear.scatter [tilespmem:s28], [sflag:$0x8], $0x6400, $0x38;
	[tilespmem:$0x19800] =	vst v63  }
0x20e: {  	_ =	swait.ge [sflag:s9], $0x4000  }
0x20f: {  	[sflag:s9] =	ssyncset.done $0x0  }
0x210: {  	[sflag:s9] =	ssyncadd.s32 $0xFFFFC000  }
0x211: {  	_ =	swait.ge [sflag:s9], $0x2400  }
0x212: {  	[sflag:s9] =	ssyncset.done $0x0  }
0x213: {  	[sflag:s9] =	ssyncadd.s32 $0xFFFFDC00  }
0x214: {  	_ =	swait.ge [sflag:s16], $0x6400  }
0x215: {  	[sflag:s16] =	ssyncset.done $0x0  }
0x216: {  	s3 =	simm.s32 $0x4B0;
	[sflag:s16] =	ssyncadd.s32 $0xFFFF9C00  }
0x217: {  	[tilespmem:s17], [sflag:$0x3] =	stream.indirect.gather [hbm4b:s4+s10], $0x80, s3, s10, $0xb8;
	[tilespmem:$0x19800] =	vst v63  }
0x218: {  	s25 =	simm.s32 $0x11000;
	s3 =	simm.s32 $0x530  }
0x219: {  	[tilespmem:s25], [sflag:$0x3] =	stream.indirect.gather [hbm4b:s4+s11], $0x80, s3, s11, $0xb8;
	[tilespmem:$0x19800] =	vst v63  }
0x21a: {  	s0 =	rddreg [dreg:$0x12]  }
0x21b: {  	[hbm4b:s0+s2] =	stream.linear.scatter [tilespmem:s5], [sflag:$0x5], $0x6400, $0x38;
	[tilespmem:$0x19800] =	vst v63  }
0x21c: {  	_ =	swait.ge [sflag:s7], $0x4000  }
0x21d: {  	[sflag:s7] =	ssyncset.done $0x0  }
0x21e: {  	[sflag:s7] =	ssyncadd.s32 $0xFFFFC000  }
0x21f: {  	_ =	swait.ge [sflag:s7], $0x2400  }
0x220: {  	[sflag:s7] =	ssyncset.done $0x0  }
0x221: {  	[sflag:s7] =	ssyncadd.s32 $0xFFFFDC00  }
0x222: {  	_ =	swait.ge [sflag:s13], $0x6400  }
0x223: {  	[sflag:s13] =	ssyncset.done $0x0  }
0x224: {  	s3 =	simm.s32 $0x578;
	[sflag:s13] =	ssyncadd.s32 $0xFFFF9C00  }
0x225: {  	[tilespmem:s28], [sflag:$0x4] =	stream.indirect.gather [hbm4b:s4+s10], $0x80, s3, s10, $0xb8;
	[tilespmem:$0x19800] =	vst v63  }
0x226: {  	s22 =	simm.s32 $0x17400;
	s3 =	simm.s32 $0x5F8  }
0x227: {  	[tilespmem:s22], [sflag:$0x4] =	stream.indirect.gather [hbm4b:s4+s11], $0x80, s3, s11, $0xb8;
	[tilespmem:$0x19800] =	vst v63  }
0x228: {  	s0 =	rddreg [dreg:$0x13]  }
0x229: {  	[hbm4b:s0+s2] =	stream.linear.scatter [tilespmem:s20], [sflag:$0x6], $0x6400, $0x38;
	[tilespmem:$0x19800] =	vst v63  }
0x22a: {  	_ =	swait.ge [sflag:s19], $0x4000  }
0x22b: {  	[sflag:s19] =	ssyncset.done $0x0  }
0x22c: {  	[sflag:s19] =	ssyncadd.s32 $0xFFFFC000  }
0x22d: {  	_ =	swait.ge [sflag:s19], $0x2400  }
0x22e: {  	[sflag:s19] =	ssyncset.done $0x0  }
0x22f: {  	[sflag:s19] =	ssyncadd.s32 $0xFFFFDC00  }
0x230: {  	_ =	swait.ge [sflag:s6], $0x6400  }
0x231: {  	[sflag:s6] =	ssyncset.done $0x0  }
0x232: {  	s3 =	simm.s32 $0x640;
	[sflag:s6] =	ssyncadd.s32 $0xFFFF9C00  }
0x233: {  	[tilespmem:s5], [sflag:$0x1] =	stream.indirect.gather [hbm4b:s4+s10], $0x80, s3, s10, $0xb8;
	[tilespmem:$0x19800] =	vst v63  }
0x234: {  	s3 =	simm.s32 $0x6C0  }
0x235: {  	[tilespmem:s15], [sflag:$0x1] =	stream.indirect.gather [hbm4b:s4+s11], $0x80, s3, s11, $0xb8;
	[tilespmem:$0x19800] =	vst v63  }
0x236: {  	s0 =	rddreg [dreg:$0x14]  }
0x237: {  	[hbm4b:s0+s2] =	stream.linear.scatter [tilespmem:s17], [sflag:$0x7], $0x6400, $0x38;
	[tilespmem:$0x19800] =	vst v63  }
0x238: {  	_ =	swait.ge [sflag:s18], $0x4000  }
0x239: {  	[sflag:s18] =	ssyncset.done $0x0  }
0x23a: {  	[sflag:s18] =	ssyncadd.s32 $0xFFFFC000  }
0x23b: {  	_ =	swait.ge [sflag:s18], $0x2400  }
0x23c: {  	[sflag:s18] =	ssyncset.done $0x0  }
0x23d: {  	[sflag:s18] =	ssyncadd.s32 $0xFFFFDC00  }
0x23e: {  	_ =	swait.ge [sflag:s8], $0x6400  }
0x23f: {  	[sflag:s8] =	ssyncset.done $0x0  }
0x240: {  	[sflag:s8] =	ssyncadd.s32 $0xFFFF9C00  }
0x241: {  	[tilespmem:s20], [sflag:$0x2] =	stream.indirect.gather [hbm4b:s4+s10], $0x80, s14, s10, $0xb8;
	[tilespmem:$0x19800] =	vst v63  }
0x242: {  	_ = 	snop  }
0x243: {  	[tilespmem:s12], [sflag:$0x2] =	stream.indirect.gather [hbm4b:s4+s11], $0x80, s21, s11, $0xb8;
	[tilespmem:$0x19800] =	vst v63  }
0x244: {  	s3 =	rddreg [dreg:$0x15]  }
0x245: {  	[hbm4b:s3+s2] =	stream.linear.scatter [tilespmem:s28], [sflag:$0x8], $0x6400, $0x38;
	[tilespmem:$0x19800] =	vst v63  }
0x246: {  	_ =	swait.ge [sflag:s9], $0x4000  }
0x247: {  	[sflag:s9] =	ssyncset.done $0x0  }
0x248: {  	[sflag:s9] =	ssyncadd.s32 $0xFFFFC000  }
0x249: {  	_ =	swait.ge [sflag:s9], $0x2400  }
0x24a: {  	[sflag:s9] =	ssyncset.done $0x0  }
0x24b: {  	[sflag:s9] =	ssyncadd.s32 $0xFFFFDC00  }
0x24c: {  	_ =	swait.ge [sflag:s16], $0x6400  }
0x24d: {  	[sflag:s16] =	ssyncset.done $0x0  }
0x24e: {  	s14 =	rddreg [dreg:$0x16];
	[sflag:s16] =	ssyncadd.s32 $0xFFFF9C00  }
0x24f: {  	[hbm4b:s14+s2] =	stream.linear.scatter [tilespmem:s5], [sflag:$0x5], $0x6400, $0x38;
	[tilespmem:$0x19800] =	vst v63  }
0x250: {  	_ =	swait.ge [sflag:s7], $0x4000  }
0x251: {  	[sflag:s7] =	ssyncset.done $0x0  }
0x252: {  	[sflag:s7] =	ssyncadd.s32 $0xFFFFC000  }
0x253: {  	_ =	swait.ge [sflag:s7], $0x2400  }
0x254: {  	[sflag:s7] =	ssyncset.done $0x0  }
0x255: {  	[sflag:s7] =	ssyncadd.s32 $0xFFFFDC00  }
0x256: {  	_ =	swait.ge [sflag:s13], $0x6400  }
0x257: {  	[sflag:s13] =	ssyncset.done $0x0  }
0x258: {  	p1 =	sne.s32 s1, $0x1;
	s21 =	rddreg [dreg:$0x17];
	[sflag:s13] =	ssyncadd.s32 $0xFFFF9C00  }
0x259: {  	[hbm4b:s21+s2] =	stream.linear.scatter [tilespmem:s20], [sflag:$0x6], $0x6400, $0x38;
	[tilespmem:$0x19800] =	vst v63  }
.Ltmp2:
0x25a: {  	_ =	swait.ge [sflag:s8], $0x6400;
	(pc) =	sbr.rel @p1 .LBB2_3-.Ltmp2, $4  }
0x25b: {  	[sflag:s8] =	ssyncset.done $0x0  }
0x25c: {  	[sflag:s8] =	ssyncadd.s32 $0xFFFF9C00  }
0x25d: {  	_ =	swait.ge [sflag:s6], $0x6400  }
0x25e: {  	s1 =	sadd.s32 $0xFFFFFFFF, s1;
	s0 =	rddreg [dreg:$0x2];
	[sflag:s6] =	ssyncset.done $0x0  }
0x25f: {  	s14 =	simm.s32 $0x9  }
.LBB2_5:
0x260: {  	[sflag:s6] =	ssyncadd.s32 @p0 $0xFFFF9C00  }
0x261: {  	[tilespmem:s2], [sflag:$0x9] =	stream.linear.gather [hbm4b:s0+s2], $0x7D0, $0x38;
	[tilespmem:$0x19800] =	vst v63  }
0x262: {  	_ =	swait.ge [sflag:s14], $0x7D0  }
0x263: {  	[sflag:s14] =	ssyncset.done $0x0  }
0x264: {  	[sflag:s14] =	ssyncadd.s32 $0xFFFFF830  }
0x265: {  	[tilespmem:s5], [sflag:$0x1] =	stream.indirect.gather [hbm4b:s31+s10], $0x80, s2, s10, $0xb8;
	[tilespmem:$0x19800] =	vst v63  }
0x266: {  	_ = 	snop  }
0x267: {  	[tilespmem:s15], [sflag:$0x1] =	stream.indirect.gather [hbm4b:s31+s11], $0x80, s10, s11, $0xb8;
	[tilespmem:$0x19800] =	vst v63  }
0x268: {  	s1 =	simm.s32 $0xC8  }
0x269: {  	[tilespmem:s20], [sflag:$0x2] =	stream.indirect.gather [hbm4b:s31+s10], $0x80, s1, s10, $0xb8;
	[tilespmem:$0x19800] =	vst v63  }
0x26a: {  	s3 =	simm.s32 $0x148  }
0x26b: {  	[tilespmem:s12], [sflag:$0x2] =	stream.indirect.gather [hbm4b:s31+s11], $0x80, s3, s11, $0xb8;
	[tilespmem:$0x19800] =	vst v63  }
0x26c: {  	_ =	swait.ge [sflag:s9], $0x4000  }
0x26d: {  	[sflag:s9] =	ssyncset.done $0x0  }
0x26e: {  	[sflag:s9] =	ssyncadd.s32 $0xFFFFC000  }
0x26f: {  	_ =	swait.ge [sflag:s9], $0x2400  }
0x270: {  	[sflag:s9] =	ssyncset.done $0x0  }
0x271: {  	s23 =	simm.s32 $0x190;
	[sflag:s9] =	ssyncadd.s32 $0xFFFFDC00  }
0x272: {  	[tilespmem:s17], [sflag:$0x3] =	stream.indirect.gather [hbm4b:s31+s10], $0x80, s23, s10, $0xb8;
	[tilespmem:$0x19800] =	vst v63  }
0x273: {  	s21 =	simm.s32 $0x210  }
0x274: {  	[tilespmem:s25], [sflag:$0x3] =	stream.indirect.gather [hbm4b:s31+s11], $0x80, s21, s11, $0xb8;
	[tilespmem:$0x19800] =	vst v63  }
0x275: {  	s24 =	rddreg [dreg:$0x4]  }
0x276: {  	[hbm4b:s24+s2] =	stream.linear.scatter [tilespmem:s5], [sflag:$0x5], $0x6400, $0x38;
	[tilespmem:$0x19800] =	vst v63  }
0x277: {  	_ =	swait.ge [sflag:s7], $0x4000  }
0x278: {  	[sflag:s7] =	ssyncset.done $0x0  }
0x279: {  	[sflag:s7] =	ssyncadd.s32 $0xFFFFC000  }
0x27a: {  	_ =	swait.ge [sflag:s7], $0x2400  }
0x27b: {  	[sflag:s7] =	ssyncset.done $0x0  }
0x27c: {  	s26 =	simm.s32 $0x258;
	[sflag:s7] =	ssyncadd.s32 $0xFFFFDC00  }
0x27d: {  	[tilespmem:s28], [sflag:$0x4] =	stream.indirect.gather [hbm4b:s31+s10], $0x80, s26, s10, $0xb8;
	[tilespmem:$0x19800] =	vst v63  }
0x27e: {  	s30 =	simm.s32 $0x2D8  }
0x27f: {  	[tilespmem:s22], [sflag:$0x4] =	stream.indirect.gather [hbm4b:s31+s11], $0x80, s30, s11, $0xb8;
	[tilespmem:$0x19800] =	vst v63  }
0x280: {  	s29 =	rddreg [dreg:$0x5]  }
0x281: {  	[hbm4b:s29+s2] =	stream.linear.scatter [tilespmem:s20], [sflag:$0x6], $0x6400, $0x38;
	[tilespmem:$0x19800] =	vst v63  }
0x282: {  	_ =	swait.ge [sflag:s19], $0x4000  }
0x283: {  	[sflag:s19] =	ssyncset.done $0x0  }
0x284: {  	[sflag:s19] =	ssyncadd.s32 $0xFFFFC000  }
0x285: {  	_ =	swait.ge [sflag:s19], $0x2400  }
0x286: {  	[sflag:s19] =	ssyncset.done $0x0  }
0x287: {  	[sflag:s19] =	ssyncadd.s32 $0xFFFFDC00  }
0x288: {  	_ =	swait.ge [sflag:s6], $0x6400  }
0x289: {  	[sflag:s6] =	ssyncset.done $0x0  }
0x28a: {  	s21 =	simm.s32 $0x320;
	[sflag:s6] =	ssyncadd.s32 $0xFFFF9C00  }
0x28b: {  	[tilespmem:s5], [sflag:$0x1] =	stream.indirect.gather [hbm4b:s31+s10], $0x80, s21, s10, $0xb8;
	[tilespmem:$0x19800] =	vst v63  }
0x28c: {  	s24 =	simm.s32 $0x3A0  }
0x28d: {  	[tilespmem:s15], [sflag:$0x1] =	stream.indirect.gather [hbm4b:s31+s11], $0x80, s24, s11, $0xb8;
	[tilespmem:$0x19800] =	vst v63  }
0x28e: {  	s23 =	rddreg [dreg:$0x6]  }
0x28f: {  	[hbm4b:s23+s2] =	stream.linear.scatter [tilespmem:s17], [sflag:$0x7], $0x6400, $0x38;
	[tilespmem:$0x19800] =	vst v63  }
0x290: {  	_ =	swait.ge [sflag:s18], $0x4000  }
0x291: {  	[sflag:s18] =	ssyncset.done $0x0  }
0x292: {  	[sflag:s18] =	ssyncadd.s32 $0xFFFFC000  }
0x293: {  	_ =	swait.ge [sflag:s18], $0x2400  }
0x294: {  	[sflag:s18] =	ssyncset.done $0x0  }
0x295: {  	[sflag:s18] =	ssyncadd.s32 $0xFFFFDC00  }
0x296: {  	_ =	swait.ge [sflag:s8], $0x6400  }
0x297: {  	[sflag:s8] =	ssyncset.done $0x0  }
0x298: {  	s26 =	simm.s32 $0x3E8;
	[sflag:s8] =	ssyncadd.s32 $0xFFFF9C00  }
0x299: {  	[tilespmem:s20], [sflag:$0x2] =	stream.indirect.gather [hbm4b:s31+s10], $0x80, s26, s10, $0xb8;
	[tilespmem:$0x19800] =	vst v63  }
0x29a: {  	s30 =	simm.s32 $0x468  }
0x29b: {  	[tilespmem:s12], [sflag:$0x2] =	stream.indirect.gather [hbm4b:s31+s11], $0x80, s30, s11, $0xb8;
	[tilespmem:$0x19800] =	vst v63  }
0x29c: {  	s29 =	rddreg [dreg:$0x7]  }
0x29d: {  	[hbm4b:s29+s2] =	stream.linear.scatter [tilespmem:s28], [sflag:$0x8], $0x6400, $0x38;
	[tilespmem:$0x19800] =	vst v63  }
0x29e: {  	_ =	swait.ge [sflag:s9], $0x4000  }
0x29f: {  	[sflag:s9] =	ssyncset.done $0x0  }
0x2a0: {  	[sflag:s9] =	ssyncadd.s32 $0xFFFFC000  }
0x2a1: {  	_ =	swait.ge [sflag:s9], $0x2400  }
0x2a2: {  	[sflag:s9] =	ssyncset.done $0x0  }
0x2a3: {  	[sflag:s9] =	ssyncadd.s32 $0xFFFFDC00  }
0x2a4: {  	_ =	swait.ge [sflag:s16], $0x6400  }
0x2a5: {  	[sflag:s16] =	ssyncset.done $0x0  }
0x2a6: {  	s30 =	simm.s32 $0x4B0;
	[sflag:s16] =	ssyncadd.s32 $0xFFFF9C00  }
0x2a7: {  	[tilespmem:s17], [sflag:$0x3] =	stream.indirect.gather [hbm4b:s31+s10], $0x80, s30, s10, $0xb8;
	[tilespmem:$0x19800] =	vst v63  }
0x2a8: {  	s29 =	simm.s32 $0x530  }
0x2a9: {  	[tilespmem:s25], [sflag:$0x3] =	stream.indirect.gather [hbm4b:s31+s11], $0x80, s29, s11, $0xb8;
	[tilespmem:$0x19800] =	vst v63  }
0x2aa: {  	s21 =	rddreg [dreg:$0x8]  }
0x2ab: {  	[hbm4b:s21+s2] =	stream.linear.scatter [tilespmem:s5], [sflag:$0x5], $0x6400, $0x38;
	[tilespmem:$0x19800] =	vst v63  }
0x2ac: {  	_ =	swait.ge [sflag:s7], $0x4000  }
0x2ad: {  	[sflag:s7] =	ssyncset.done $0x0  }
0x2ae: {  	[sflag:s7] =	ssyncadd.s32 $0xFFFFC000  }
0x2af: {  	_ =	swait.ge [sflag:s7], $0x2400  }
0x2b0: {  	[sflag:s7] =	ssyncset.done $0x0  }
0x2b1: {  	[sflag:s7] =	ssyncadd.s32 $0xFFFFDC00  }
0x2b2: {  	_ =	swait.ge [sflag:s13], $0x6400  }
0x2b3: {  	[sflag:s13] =	ssyncset.done $0x0  }
0x2b4: {  	s26 =	simm.s32 $0x578;
	[sflag:s13] =	ssyncadd.s32 $0xFFFF9C00  }
0x2b5: {  	[tilespmem:s28], [sflag:$0x4] =	stream.indirect.gather [hbm4b:s31+s10], $0x80, s26, s10, $0xb8;
	[tilespmem:$0x19800] =	vst v63  }
0x2b6: {  	s24 =	simm.s32 $0x5F8  }
0x2b7: {  	[tilespmem:s22], [sflag:$0x4] =	stream.indirect.gather [hbm4b:s31+s11], $0x80, s24, s11, $0xb8;
	[tilespmem:$0x19800] =	vst v63  }
0x2b8: {  	s23 =	rddreg [dreg:$0x9]  }
0x2b9: {  	[hbm4b:s23+s2] =	stream.linear.scatter [tilespmem:s20], [sflag:$0x6], $0x6400, $0x38;
	[tilespmem:$0x19800] =	vst v63  }
0x2ba: {  	_ =	swait.ge [sflag:s19], $0x4000  }
0x2bb: {  	[sflag:s19] =	ssyncset.done $0x0  }
0x2bc: {  	[sflag:s19] =	ssyncadd.s32 $0xFFFFC000  }
0x2bd: {  	_ =	swait.ge [sflag:s19], $0x2400  }
0x2be: {  	[sflag:s19] =	ssyncset.done $0x0  }
0x2bf: {  	[sflag:s19] =	ssyncadd.s32 $0xFFFFDC00  }
0x2c0: {  	_ =	swait.ge [sflag:s6], $0x6400  }
0x2c1: {  	[sflag:s6] =	ssyncset.done $0x0  }
0x2c2: {  	s23 =	simm.s32 $0x640;
	[sflag:s6] =	ssyncadd.s32 $0xFFFF9C00  }
0x2c3: {  	[tilespmem:s5], [sflag:$0x1] =	stream.indirect.gather [hbm4b:s31+s10], $0x80, s23, s10, $0xb8;
	[tilespmem:$0x19800] =	vst v63  }
0x2c4: {  	s21 =	simm.s32 $0x6C0  }
0x2c5: {  	[tilespmem:s15], [sflag:$0x1] =	stream.indirect.gather [hbm4b:s31+s11], $0x80, s21, s11, $0xb8;
	[tilespmem:$0x19800] =	vst v63  }
0x2c6: {  	s0 =	rddreg [dreg:$0xa]  }
0x2c7: {  	[hbm4b:s0+s2] =	stream.linear.scatter [tilespmem:s17], [sflag:$0x7], $0x6400, $0x38;
	[tilespmem:$0x19800] =	vst v63  }
0x2c8: {  	_ =	swait.ge [sflag:s18], $0x4000  }
0x2c9: {  	[sflag:s18] =	ssyncset.done $0x0  }
0x2ca: {  	[sflag:s18] =	ssyncadd.s32 $0xFFFFC000  }
0x2cb: {  	_ =	swait.ge [sflag:s18], $0x2400  }
0x2cc: {  	[sflag:s18] =	ssyncset.done $0x0  }
0x2cd: {  	[sflag:s18] =	ssyncadd.s32 $0xFFFFDC00  }
0x2ce: {  	_ =	swait.ge [sflag:s8], $0x6400  }
0x2cf: {  	[sflag:s8] =	ssyncset.done $0x0  }
0x2d0: {  	s21 =	simm.s32 $0x708;
	[sflag:s8] =	ssyncadd.s32 $0xFFFF9C00  }
0x2d1: {  	[tilespmem:s20], [sflag:$0x2] =	stream.indirect.gather [hbm4b:s31+s10], $0x80, s21, s10, $0xb8;
	[tilespmem:$0x19800] =	vst v63  }
0x2d2: {  	s21 =	simm.s32 $0x788  }
0x2d3: {  	[tilespmem:s12], [sflag:$0x2] =	stream.indirect.gather [hbm4b:s31+s11], $0x80, s21, s11, $0xb8;
	[tilespmem:$0x19800] =	vst v63  }
0x2d4: {  	s0 =	rddreg [dreg:$0xb]  }
0x2d5: {  	[hbm4b:s0+s2] =	stream.linear.scatter [tilespmem:s28], [sflag:$0x8], $0x6400, $0x38;
	[tilespmem:$0x19800] =	vst v63  }
0x2d6: {  	_ =	swait.ge [sflag:s9], $0x4000  }
0x2d7: {  	[sflag:s9] =	ssyncset.done $0x0  }
0x2d8: {  	[sflag:s9] =	ssyncadd.s32 $0xFFFFC000  }
0x2d9: {  	_ =	swait.ge [sflag:s9], $0x2400  }
0x2da: {  	[sflag:s9] =	ssyncset.done $0x0  }
0x2db: {  	[sflag:s9] =	ssyncadd.s32 $0xFFFFDC00  }
0x2dc: {  	_ =	swait.ge [sflag:s16], $0x6400  }
0x2dd: {  	[sflag:s16] =	ssyncset.done $0x0  }
0x2de: {  	s21 =	rddreg [dreg:$0xc];
	[sflag:s16] =	ssyncadd.s32 $0xFFFF9C00  }
0x2df: {  	[hbm4b:s21+s2] =	stream.linear.scatter [tilespmem:s5], [sflag:$0x5], $0x6400, $0x38;
	[tilespmem:$0x19800] =	vst v63  }
0x2e0: {  	_ =	swait.ge [sflag:s7], $0x4000  }
0x2e1: {  	[sflag:s7] =	ssyncset.done $0x0  }
0x2e2: {  	[sflag:s7] =	ssyncadd.s32 $0xFFFFC000  }
0x2e3: {  	_ =	swait.ge [sflag:s7], $0x2400  }
0x2e4: {  	[sflag:s7] =	ssyncset.done $0x0  }
0x2e5: {  	[sflag:s7] =	ssyncadd.s32 $0xFFFFDC00  }
0x2e6: {  	_ =	swait.ge [sflag:s13], $0x6400  }
0x2e7: {  	[sflag:s13] =	ssyncset.done $0x0  }
0x2e8: {  	s21 =	rddreg [dreg:$0xd];
	[sflag:s13] =	ssyncadd.s32 $0xFFFF9C00  }
0x2e9: {  	[hbm4b:s21+s2] =	stream.linear.scatter [tilespmem:s20], [sflag:$0x6], $0x6400, $0x38;
	[tilespmem:$0x19800] =	vst v63  }
0x2ea: {  	_ =	swait.ge [sflag:s8], $0x6400  }
0x2eb: {  	[sflag:s8] =	ssyncset.done $0x0  }
0x2ec: {  	[sflag:s8] =	ssyncadd.s32 $0xFFFF9C00  }
0x2ed: {  	_ =	swait.ge [sflag:s6], $0x6400  }
0x2ee: {  	[sflag:s6] =	ssyncset.done $0x0  }
0x2ef: {  	s21 =	rddreg [dreg:$0x3];
	[sflag:s6] =	ssyncadd.s32 $0xFFFF9C00  }
0x2f0: {  	[tilespmem:s2], [sflag:$0x9] =	stream.linear.gather [hbm4b:s21+s2], $0x7D0, $0x38;
	[tilespmem:$0x19800] =	vst v63  }
0x2f1: {  	_ =	swait.ge [sflag:s14], $0x7D0  }
0x2f2: {  	[sflag:s14] =	ssyncset.done $0x0  }
0x2f3: {  	[sflag:s14] =	ssyncadd.s32 $0xFFFFF830  }
0x2f4: {  	[tilespmem:s5], [sflag:$0x1] =	stream.indirect.gather [hbm4b:s4+s10], $0x80, s2, s10, $0xb8;
	[tilespmem:$0x19800] =	vst v63  }
0x2f5: {  	_ = 	snop  }
0x2f6: {  	[tilespmem:s15], [sflag:$0x1] =	stream.indirect.gather [hbm4b:s4+s11], $0x80, s10, s11, $0xb8;
	[tilespmem:$0x19800] =	vst v63  }
0x2f7: {  	_ = 	snop  }
0x2f8: {  	[tilespmem:s20], [sflag:$0x2] =	stream.indirect.gather [hbm4b:s4+s10], $0x80, s1, s10, $0xb8;
	[tilespmem:$0x19800] =	vst v63  }
0x2f9: {  	_ = 	snop  }
0x2fa: {  	[tilespmem:s12], [sflag:$0x2] =	stream.indirect.gather [hbm4b:s4+s11], $0x80, s3, s11, $0xb8;
	[tilespmem:$0x19800] =	vst v63  }
0x2fb: {  	_ =	swait.ge [sflag:s9], $0x4000  }
0x2fc: {  	[sflag:s9] =	ssyncset.done $0x0  }
0x2fd: {  	[sflag:s9] =	ssyncadd.s32 $0xFFFFC000  }
0x2fe: {  	_ =	swait.ge [sflag:s9], $0x2400  }
0x2ff: {  	[sflag:s9] =	ssyncset.done $0x0  }
0x300: {  	s14 =	simm.s32 $0x190;
	[sflag:s9] =	ssyncadd.s32 $0xFFFFDC00  }
0x301: {  	[tilespmem:s17], [sflag:$0x3] =	stream.indirect.gather [hbm4b:s4+s10], $0x80, s14, s10, $0xb8;
	[tilespmem:$0x19800] =	vst v63  }
0x302: {  	s3 =	simm.s32 $0x210  }
0x303: {  	[tilespmem:s25], [sflag:$0x3] =	stream.indirect.gather [hbm4b:s4+s11], $0x80, s3, s11, $0xb8;
	[tilespmem:$0x19800] =	vst v63  }
0x304: {  	s21 =	rddreg [dreg:$0xe]  }
0x305: {  	[hbm4b:s21+s2] =	stream.linear.scatter [tilespmem:s5], [sflag:$0x5], $0x6400, $0x38;
	[tilespmem:$0x19800] =	vst v63  }
0x306: {  	_ =	swait.ge [sflag:s7], $0x4000  }
0x307: {  	[sflag:s7] =	ssyncset.done $0x0  }
0x308: {  	[sflag:s7] =	ssyncadd.s32 $0xFFFFC000  }
0x309: {  	_ =	swait.ge [sflag:s7], $0x2400  }
0x30a: {  	[sflag:s7] =	ssyncset.done $0x0  }
0x30b: {  	s14 =	simm.s32 $0x258;
	[sflag:s7] =	ssyncadd.s32 $0xFFFFDC00  }
0x30c: {  	[tilespmem:s28], [sflag:$0x4] =	stream.indirect.gather [hbm4b:s4+s10], $0x80, s14, s10, $0xb8;
	[tilespmem:$0x19800] =	vst v63  }
0x30d: {  	s3 =	simm.s32 $0x2D8  }
0x30e: {  	[tilespmem:s22], [sflag:$0x4] =	stream.indirect.gather [hbm4b:s4+s11], $0x80, s3, s11, $0xb8;
	[tilespmem:$0x19800] =	vst v63  }
0x30f: {  	s21 =	rddreg [dreg:$0xf]  }
0x310: {  	[hbm4b:s21+s2] =	stream.linear.scatter [tilespmem:s20], [sflag:$0x6], $0x6400, $0x38;
	[tilespmem:$0x19800] =	vst v63  }
0x311: {  	_ =	swait.ge [sflag:s19], $0x4000  }
0x312: {  	[sflag:s19] =	ssyncset.done $0x0  }
0x313: {  	[sflag:s19] =	ssyncadd.s32 $0xFFFFC000  }
0x314: {  	_ =	swait.ge [sflag:s19], $0x2400  }
0x315: {  	[sflag:s19] =	ssyncset.done $0x0  }
0x316: {  	[sflag:s19] =	ssyncadd.s32 $0xFFFFDC00  }
0x317: {  	_ =	swait.ge [sflag:s6], $0x6400  }
0x318: {  	[sflag:s6] =	ssyncset.done $0x0  }
0x319: {  	s14 =	simm.s32 $0x320;
	[sflag:s6] =	ssyncadd.s32 $0xFFFF9C00  }
0x31a: {  	[tilespmem:s5], [sflag:$0x1] =	stream.indirect.gather [hbm4b:s4+s10], $0x80, s14, s10, $0xb8;
	[tilespmem:$0x19800] =	vst v63  }
0x31b: {  	s3 =	simm.s32 $0x3A0  }
0x31c: {  	[tilespmem:s15], [sflag:$0x1] =	stream.indirect.gather [hbm4b:s4+s11], $0x80, s3, s11, $0xb8;
	[tilespmem:$0x19800] =	vst v63  }
0x31d: {  	s21 =	rddreg [dreg:$0x10]  }
0x31e: {  	[hbm4b:s21+s2] =	stream.linear.scatter [tilespmem:s17], [sflag:$0x7], $0x6400, $0x38;
	[tilespmem:$0x19800] =	vst v63  }
0x31f: {  	_ =	swait.ge [sflag:s18], $0x4000  }
0x320: {  	[sflag:s18] =	ssyncset.done $0x0  }
0x321: {  	[sflag:s18] =	ssyncadd.s32 $0xFFFFC000  }
0x322: {  	_ =	swait.ge [sflag:s18], $0x2400  }
0x323: {  	[sflag:s18] =	ssyncset.done $0x0  }
0x324: {  	[sflag:s18] =	ssyncadd.s32 $0xFFFFDC00  }
0x325: {  	_ =	swait.ge [sflag:s8], $0x6400  }
0x326: {  	[sflag:s8] =	ssyncset.done $0x0  }
0x327: {  	s14 =	simm.s32 $0x3E8;
	[sflag:s8] =	ssyncadd.s32 $0xFFFF9C00  }
0x328: {  	[tilespmem:s20], [sflag:$0x2] =	stream.indirect.gather [hbm4b:s4+s10], $0x80, s14, s10, $0xb8;
	[tilespmem:$0x19800] =	vst v63  }
0x329: {  	s3 =	simm.s32 $0x468  }
0x32a: {  	[tilespmem:s12], [sflag:$0x2] =	stream.indirect.gather [hbm4b:s4+s11], $0x80, s3, s11, $0xb8;
	[tilespmem:$0x19800] =	vst v63  }
0x32b: {  	s21 =	rddreg [dreg:$0x11]  }
0x32c: {  	[hbm4b:s21+s2] =	stream.linear.scatter [tilespmem:s28], [sflag:$0x8], $0x6400, $0x38;
	[tilespmem:$0x19800] =	vst v63  }
0x32d: {  	_ =	swait.ge [sflag:s9], $0x4000  }
0x32e: {  	[sflag:s9] =	ssyncset.done $0x0  }
0x32f: {  	[sflag:s9] =	ssyncadd.s32 $0xFFFFC000  }
0x330: {  	_ =	swait.ge [sflag:s9], $0x2400  }
0x331: {  	[sflag:s9] =	ssyncset.done $0x0  }
0x332: {  	[sflag:s9] =	ssyncadd.s32 $0xFFFFDC00  }
0x333: {  	_ =	swait.ge [sflag:s16], $0x6400  }
0x334: {  	[sflag:s16] =	ssyncset.done $0x0  }
0x335: {  	[sflag:s16] =	ssyncadd.s32 $0xFFFF9C00  }
0x336: {  	[tilespmem:s17], [sflag:$0x3] =	stream.indirect.gather [hbm4b:s4+s10], $0x80, s30, s10, $0xb8;
	[tilespmem:$0x19800] =	vst v63  }
0x337: {  	_ = 	snop  }
0x338: {  	[tilespmem:s25], [sflag:$0x3] =	stream.indirect.gather [hbm4b:s4+s11], $0x80, s29, s11, $0xb8;
	[tilespmem:$0x19800] =	vst v63  }
0x339: {  	s14 =	rddreg [dreg:$0x12]  }
0x33a: {  	[hbm4b:s14+s2] =	stream.linear.scatter [tilespmem:s5], [sflag:$0x5], $0x6400, $0x38;
	[tilespmem:$0x19800] =	vst v63  }
0x33b: {  	_ =	swait.ge [sflag:s7], $0x4000  }
0x33c: {  	[sflag:s7] =	ssyncset.done $0x0  }
0x33d: {  	[sflag:s7] =	ssyncadd.s32 $0xFFFFC000  }
0x33e: {  	_ =	swait.ge [sflag:s7], $0x2400  }
0x33f: {  	[sflag:s7] =	ssyncset.done $0x0  }
0x340: {  	[sflag:s7] =	ssyncadd.s32 $0xFFFFDC00  }
0x341: {  	_ =	swait.ge [sflag:s13], $0x6400  }
0x342: {  	[sflag:s13] =	ssyncset.done $0x0  }
0x343: {  	[sflag:s13] =	ssyncadd.s32 $0xFFFF9C00  }
0x344: {  	[tilespmem:s28], [sflag:$0x4] =	stream.indirect.gather [hbm4b:s4+s10], $0x80, s26, s10, $0xb8;
	[tilespmem:$0x19800] =	vst v63  }
0x345: {  	_ = 	snop  }
0x346: {  	[tilespmem:s22], [sflag:$0x4] =	stream.indirect.gather [hbm4b:s4+s11], $0x80, s24, s11, $0xb8;
	[tilespmem:$0x19800] =	vst v63  }
0x347: {  	s21 =	rddreg [dreg:$0x13]  }
0x348: {  	[hbm4b:s21+s2] =	stream.linear.scatter [tilespmem:s20], [sflag:$0x6], $0x6400, $0x38;
	[tilespmem:$0x19800] =	vst v63  }
0x349: {  	_ =	swait.ge [sflag:s19], $0x4000  }
0x34a: {  	[sflag:s19] =	ssyncset.done $0x0  }
0x34b: {  	[sflag:s19] =	ssyncadd.s32 $0xFFFFC000  }
0x34c: {  	_ =	swait.ge [sflag:s19], $0x2400  }
0x34d: {  	[sflag:s19] =	ssyncset.done $0x0  }
0x34e: {  	[sflag:s19] =	ssyncadd.s32 $0xFFFFDC00  }
0x34f: {  	_ =	swait.ge [sflag:s6], $0x6400  }
0x350: {  	[sflag:s6] =	ssyncset.done $0x0  }
0x351: {  	[sflag:s6] =	ssyncadd.s32 $0xFFFF9C00  }
0x352: {  	[tilespmem:s5], [sflag:$0x1] =	stream.indirect.gather [hbm4b:s4+s10], $0x80, s23, s10, $0xb8;
	[tilespmem:$0x19800] =	vst v63  }
0x353: {  	s24 =	simm.s32 $0x6C0  }
0x354: {  	[tilespmem:s15], [sflag:$0x1] =	stream.indirect.gather [hbm4b:s4+s11], $0x80, s24, s11, $0xb8;
	[tilespmem:$0x19800] =	vst v63  }
0x355: {  	s23 =	rddreg [dreg:$0x14]  }
0x356: {  	[hbm4b:s23+s2] =	stream.linear.scatter [tilespmem:s17], [sflag:$0x7], $0x6400, $0x38;
	[tilespmem:$0x19800] =	vst v63  }
0x357: {  	_ =	swait.ge [sflag:s18], $0x4000  }
0x358: {  	[sflag:s18] =	ssyncset.done $0x0  }
0x359: {  	[sflag:s18] =	ssyncadd.s32 $0xFFFFC000  }
0x35a: {  	_ =	swait.ge [sflag:s18], $0x2400  }
0x35b: {  	[sflag:s18] =	ssyncset.done $0x0  }
0x35c: {  	[sflag:s18] =	ssyncadd.s32 $0xFFFFDC00  }
0x35d: {  	_ =	swait.ge [sflag:s8], $0x6400  }
0x35e: {  	[sflag:s8] =	ssyncset.done $0x0  }
0x35f: {  	s25 =	simm.s32 $0x708;
	[sflag:s8] =	ssyncadd.s32 $0xFFFF9C00  }
0x360: {  	[tilespmem:s20], [sflag:$0x2] =	stream.indirect.gather [hbm4b:s4+s10], $0x80, s25, s10, $0xb8;
	[tilespmem:$0x19800] =	vst v63  }
0x361: {  	s31 =	simm.s32 $0x788  }
0x362: {  	[tilespmem:s12], [sflag:$0x2] =	stream.indirect.gather [hbm4b:s4+s11], $0x80, s31, s11, $0xb8;
	[tilespmem:$0x19800] =	vst v63  }
0x363: {  	s26 =	rddreg [dreg:$0x15]  }
0x364: {  	[hbm4b:s26+s2] =	stream.linear.scatter [tilespmem:s28], [sflag:$0x8], $0x6400, $0x38;
	[tilespmem:$0x19800] =	vst v63  }
0x365: {  	_ =	swait.ge [sflag:s9], $0x4000  }
0x366: {  	[sflag:s9] =	ssyncset.done $0x0  }
0x367: {  	[sflag:s9] =	ssyncadd.s32 $0xFFFFC000  }
0x368: {  	_ =	swait.ge [sflag:s9], $0x2400  }
0x369: {  	[sflag:s9] =	ssyncset.done $0x0  }
0x36a: {  	[sflag:s9] =	ssyncadd.s32 $0xFFFFDC00  }
0x36b: {  	_ =	swait.ge [sflag:s16], $0x6400  }
0x36c: {  	[sflag:s16] =	ssyncset.done $0x0  }
0x36d: {  	s29 =	rddreg [dreg:$0x16];
	[sflag:s16] =	ssyncadd.s32 $0xFFFF9C00  }
0x36e: {  	[hbm4b:s29+s2] =	stream.linear.scatter [tilespmem:s5], [sflag:$0x5], $0x6400, $0x38;
	[tilespmem:$0x19800] =	vst v63  }
0x36f: {  	_ =	swait.ge [sflag:s7], $0x4000  }
0x370: {  	[sflag:s7] =	ssyncset.done $0x0  }
0x371: {  	[sflag:s7] =	ssyncadd.s32 $0xFFFFC000  }
0x372: {  	_ =	swait.ge [sflag:s7], $0x2400  }
0x373: {  	[sflag:s7] =	ssyncset.done $0x0  }
0x374: {  	[sflag:s7] =	ssyncadd.s32 $0xFFFFDC00  }
0x375: {  	_ =	swait.ge [sflag:s13], $0x6400  }
0x376: {  	[sflag:s13] =	ssyncset.done $0x0  }
0x377: {  	s30 =	rddreg [dreg:$0x17];
	[sflag:s13] =	ssyncadd.s32 $0xFFFF9C00  }
0x378: {  	[hbm4b:s30+s2] =	stream.linear.scatter [tilespmem:s20], [sflag:$0x6], $0x6400, $0x38;
	[tilespmem:$0x19800] =	vst v63  }
0x379: {  	_ =	swait.ge [sflag:s8], $0x6400  }
0x37a: {  	[sflag:s8] =	ssyncset.done $0x0  }
0x37b: {  	[sflag:s8] =	ssyncadd.s32 $0xFFFF9C00  }
0x37c: {  	_ =	swait.ge [sflag:s6], $0x6400  }
0x37d: {  	[sflag:s6] =	ssyncset.done $0x0  }
0x37e: {  	[sflag:s6] =	ssyncadd.s32 $0xFFFF9C00  }
0x37f: {  	_ =	sfence.sel $0x180000  }
0x380: {  	[bflag:$0x0] =	sbarrier.arrive $0xFFFF  }
0x381: {  	_ =	strace $0x9000004A  }
0x382: {  	s31 =	stileid.u32;
	[bflag:$0x2] =	sbarrier.arrive $0xFFFF  }
0x383: {  	p0 =	sne.s32 s31, $0x0;
	s0 =	rddreg [dreg:$0x1]  }
0x384: {  	s0 =	sadd.s32 @!p0 $0x100000, s0  }
0x385: {  	[sflag:s0] =	ssyncadd.tile.s32 @!p0 $0x1;
	_ =	shalt  }
.LBB2_6:
.Ltmp3:
0x386: {  	(pc) =	sbr.rel .LBB2_5-.Ltmp3, $2  }
0x387: {  	_ =	sdelay $0x2  }
0x388: {  	s14 =	simm.s32 $0x9  }
.Lfunc_end2:
_tile_overlayer_lowered:
.L_overlay_start_2:
0x389: {  	(tag) =	ssettag $0x2  }
0x38a: {  	s0 =	rddreg [dreg:$0x0];
	s2 =	stileid.u32  }
0x38b: {  	s1 =	rddreg [dreg:$0x1];
	p0 =	sne.s32 s2, $0x0  }
0x38c: {  	s3 =	rddreg [dreg:$0x2];
	[bflag:$0x3] =	sbarrier.arrive $0xFFFF;
	s2 =	simm.s32 @!p0 $0x1C09  }
0x38d: {  	[timem:s3], [sflag:s2] =	dma.local @!p0 [hbm:s0], s1  }
0x38e: {  	s0 =	simm.s32 @!p0 $0x9  }
0x38f: {  	_ =	swait.ge @!p0 [sflag:s0], s1  }
0x390: {  	s1 =	ssub.s32 @!p0 $0x0, s1;
	[sflag:s0] =	ssyncset.done @!p0 $0x0  }
0x391: {  	[sflag:s0] =	ssyncadd.s32 @!p0 s1  }
0x392: {  	[bflag:$0x3] =	sbarrier.arrive $0xFFFF  }
0x393: {  	_ =	shalt  }

// kernel: kernel.7.cloned.1.call-start
scs
__scs_entry_jumppad:
0x0: {  	(pc) =	sbr.rel $0x88, $3  }
0x1: {  	(tag) =	ssettag $0x0;
	lr =	simm.s32 $0x1  }
0x2: {  	[smem:$0x3F94] =	sst lr;
	_ =	strace $0xD0000000  }
0x3: {  	_ = 	snop  }
0x4: {  	_ = 	snop  }
0x5: {  	_ = 	snop  }
0x6: {  	_ = 	snop  }
0x7: {  	_ = 	snop  }
__scs_overlays_trampoline_lowered:
0x8: {  	[smem:$0x3FA3] =	sst s0  }
0x9: {  	[smem:$0x3FA4] =	sst s1  }
0xa: {  	[smem:$0x3FA5] =	sst s2  }
0xb: {  	[smem:$0x3FA6] =	sst s3  }
0xc: {  	[smem:$0x3FA7] =	sst s4  }
0xd: {  	[smem:$0x3FA8] =	sst s5  }
0xe: {  	[smem:$0x3FA9] =	sst s6  }
0xf: {  	[smem:$0x3FAA] =	sst s7  }
0x10: {  	[smem:$0x3FAB] =	sst s8  }
0x11: {  	[smem:$0x3FAC] =	sst s9;
	s0 =	simm.s32 @!p0 $0x0  }
0x12: {  	s1 =	sld [smem:$0x3F92];
	s0 =	simm.s32 @p0 $0x1  }
0x13: {  	[smem:$0x3FAD] =	sst s0;
	s0 =	simm.s32 @!p1 $0x0  }
0x14: {  	s2 =	sld [smem:$0x3F91];
	s0 =	simm.s32 @p1 $0x1  }
0x15: {  	[smem:$0x3FAE] =	sst s0;
	s0 =	simm.s32 @!p2 $0x0  }
0x16: {  	s3 =	sld [smem:$0x3FDB];
	s0 =	simm.s32 @p2 $0x1  }
0x17: {  	s4 =	simm.s32 $0x1BF5;
	[smem:$0x3FB0] =	sst s0  }
0x18: {  	s0 =	sld [smem:$0x3F93];
	_ =	swait.ge [sflag:s4], $0x0  }
0x19: {  	s7 =	sld [smem:$0x3F94]  }
0x1a: {  	s8 =	sadd.s32 $0xFFFFE003, lr  }
0x1b: {  	s9 =	sadd.s32 $0xFFFFFEF7, lr;
	s5 =	simm.s32 $0xFFFFFFFF;
	p2 =	slt.u32 s8, $0xFFFFF086  }
0x1c: {  	p1 =	slt.u32 s9, $0xF7A;
	s5 =	simm.s32 @!p2 $0x0  }
0x1d: {  	s5 =	simm.s32 @p1 $0x1;
	p0 =	seq.s32 s7, s2  }
0x1e: {  	s7 =	smul.u32 @!p0 $0xF7A, s2;
	p2 =	seq.s32 @!p0 s5, $0x0  }
0x1f: {  	s9 =	smul.u32 $0xF7A, s1;
	s8 =	simm.s32 @!p0 $0x1BF5;
	p2 =	por !p2, p0  }
0x20: {  	[sflag:s8] =	ssyncset.s32 @!p0 $0xFFFFF086;
	s6 =	sadd.s32 @!p0 s3, s7;
	s7 =	simm.s32 @!p0 $0x108  }
0x21: {  	s3 =	sadd.s32 s3, s9;
	s6 =	sadd.s32 @!p0 $0x88, s6;
	s7 =	simm.s32 @p2 $0x1082  }
0x22: {  	[simem:s7], [sflag:s8] =	dma.local @!p0 [hbm:s6], $0xF7A  }
0x23: {  	s9 =	sor.u32 $0xD0000000, s2;
	s6 =	simm.s32 $0x108;
	_ =	swait.ge @!p0 [sflag:s8], $0x0  }
0x24: {  	s3 =	sadd.s32 $0x88, s3;
	s6 =	simm.s32 @!p1 $0x1082;
	[sflag:s4] =	ssyncset.s32 $0xFFFFF086  }
0x25: {  	[simem:s6], [sflag:s4] =	dma.local [hbm:s3], $0xF7A  }
0x26: {  	[smem:$0x3F94] =	sst s1;
	(tag) =	ssettag s2;
	_ =	strace s9  }
0x27: {  	s1 =	sld [smem:$0x3FA4]  }
0x28: {  	s2 =	sld [smem:$0x3FA5]  }
0x29: {  	s4 =	sld [smem:$0x3FA7]  }
0x2a: {  	p0 =	seq.s32 s5, $0x0;
	s5 =	sld [smem:$0x3FA8]  }
0x2b: {  	s6 =	sld [smem:$0x3FA9]  }
0x2c: {  	s7 =	sld [smem:$0x3FAA]  }
0x2d: {  	s3 =	simm.s32 $0x108;
	s8 =	sld [smem:$0x3FAB]  }
0x2e: {  	s3 =	simm.s32 @!p0 $0x1082;
	s9 =	sld [smem:$0x3FAC]  }
0x2f: {  	lr =	sadd.s32 s0, s3;
	s0 =	sld [smem:$0x3FA3]  }
0x30: {  	s3 =	sld [smem:$0x3FA6]  }
0x31: {  	[smem:$0x3FAF] =	sst s10  }
0x32: {  	s10 =	sld [smem:$0x3FAD];
	_ =	sdelay $0x3  }
0x33: {  	p0 =	seq.s32 s10, $0x1;
	s10 =	sld [smem:$0x3FAF];
	_ =	sdelay $0x3  }
0x34: {  	[smem:$0x3FAF] =	sst s10  }
0x35: {  	s10 =	sld [smem:$0x3FAE];
	_ =	sdelay $0x3  }
0x36: {  	p1 =	seq.s32 s10, $0x1;
	s10 =	sld [smem:$0x3FAF];
	_ =	sdelay $0x3  }
0x37: {  	[smem:$0x3FAF] =	sst s10  }
0x38: {  	s10 =	sld [smem:$0x3FB0]  }
0x39: {  	_ = 	snop;
	(pc) =	sbr.ind lr, $3  }
0x3a: {  	_ = 	snop  }
0x3b: {  	_ = 	snop  }
0x3c: {  	p2 =	seq.s32 s10, $0x1;
	s10 =	sld [smem:$0x3FAF]  }
0x3d: {  	_ =	shalt  }
0x3e: {  	_ =	shalt  }
0x3f: {  	_ =	shalt  }
0x40: {  	_ =	shalt  }
0x41: {  	_ =	shalt  }
0x42: {  	_ =	shalt  }
0x43: {  	_ =	shalt  }
0x44: {  	_ =	shalt  }
0x45: {  	_ =	shalt  }
0x46: {  	_ =	shalt  }
0x47: {  	_ =	shalt  }
0x48: {  	_ =	shalt  }
0x49: {  	_ =	shalt  }
0x4a: {  	_ =	shalt  }
0x4b: {  	_ =	shalt  }
0x4c: {  	_ =	shalt  }
0x4d: {  	_ =	shalt  }
0x4e: {  	_ =	shalt  }
0x4f: {  	_ =	shalt  }
0x50: {  	_ =	shalt  }
0x51: {  	_ =	shalt  }
0x52: {  	_ =	shalt  }
0x53: {  	_ =	shalt  }
0x54: {  	_ =	shalt  }
0x55: {  	_ =	shalt  }
0x56: {  	_ =	shalt  }
0x57: {  	_ =	shalt  }
0x58: {  	_ =	shalt  }
0x59: {  	_ =	shalt  }
0x5a: {  	_ =	shalt  }
0x5b: {  	_ =	shalt  }
0x5c: {  	_ =	shalt  }
0x5d: {  	_ =	shalt  }
0x5e: {  	_ =	shalt  }
0x5f: {  	_ =	shalt  }
0x60: {  	_ =	shalt  }
0x61: {  	_ =	shalt  }
0x62: {  	_ =	shalt  }
0x63: {  	_ =	shalt  }
0x64: {  	_ =	shalt  }
0x65: {  	_ =	shalt  }
0x66: {  	_ =	shalt  }
0x67: {  	_ =	shalt  }
0x68: {  	_ =	shalt  }
0x69: {  	_ =	shalt  }
0x6a: {  	_ =	shalt  }
0x6b: {  	_ =	shalt  }
0x6c: {  	_ =	shalt  }
0x6d: {  	_ =	shalt  }
0x6e: {  	_ =	shalt  }
0x6f: {  	_ =	shalt  }
0x70: {  	_ =	shalt  }
0x71: {  	_ =	shalt  }
0x72: {  	_ =	shalt  }
0x73: {  	_ =	shalt  }
0x74: {  	_ =	shalt  }
0x75: {  	_ =	shalt  }
0x76: {  	_ =	shalt  }
0x77: {  	_ =	shalt  }
0x78: {  	_ =	shalt  }
0x79: {  	_ =	shalt  }
0x7a: {  	_ =	shalt  }
0x7b: {  	_ =	shalt  }
0x7c: {  	_ =	shalt  }
0x7d: {  	_ =	shalt  }
0x7e: {  	_ =	shalt  }
0x7f: {  	_ =	shalt  }
0x80: {  	_ =	shalt  }
0x81: {  	_ =	shalt  }
0x82: {  	_ =	shalt  }
0x83: {  	_ =	shalt  }
0x84: {  	_ =	shalt  }
0x85: {  	_ =	shalt  }
0x86: {  	_ =	shalt  }
0x87: {  	_ =	shalt  }
.Lfunc_end0:
.L_simem_size_0:
called_computation_lowered:
.L_overlay_start_0:
0x88: {  	s2 =	sld [smem:$0x3FD9]  }
0x89: {  	s3 =	sld [smem:$0x3FFE];
	_ =	sdelay $0x1  }
0x8a: {  	s1 =	srdreg.scid  }
0x8b: {  	s0 =	sand.u32 $0x1, s1  }
0x8c: {  	s14 =	sshll.u32 s0, $0xA;
	s2 =	sadd.s32 s3, s2  }
0x8d: {  	s2 =	sadd.s32 s2, s14  }
0x8e: {  	[smem:$0x3FBB] =	sst s2  }
0x8f: {  	_ = 	snop  }
0x90: {  	s2 =	sld [smem:$0x3FD0];
	_ =	sdelay $0x2  }
0x91: {  	s15 =	simm.s32 $0xB;
	s4 =	simm.s32 $0x10  }
0x92: {  	[smem:s4], [sflag:s15] =	dma.local [hbm:s2], $0x1  }
0x93: {  	_ =	swait.eq [sflag:s15], $0x1  }
0x94: {  	[sflag:s15] =	ssyncset.done $0x0  }
0x95: {  	s16 =	sld [smem:$0x10];
	[sflag:s15] =	ssyncadd.s32 $0xFFFFFFFF  }
0x96: {  	s17 =	sld [smem:$0x11];
	(tm) =	ssettm $0x1  }
0x97: {  	s18 =	sld [smem:$0x3FFB];
	_ =	sdelay $0x3  }
0x98: {  	_ =	strace s18  }
0x99: {  	s4 =	sld [smem:$0x3FFC];
	_ =	sdelay $0x3  }
0x9a: {  	_ =	strace s4  }
0x9b: {  	s4 =	sld [smem:$0x3FFD];
	_ =	sdelay $0x3  }
0x9c: {  	_ =	strace s4  }
0x9d: {  	_ =	strace $0x8FFFFFFF  }
0x9e: {  	s19 =	sld [smem:$0x3FDB];
	_ =	sdelay $0x1  }
0x9f: {  	s5 =	simm.s32 $_scs_section_size  }
0xa0: {  	s6 =	simm.s32 $_size__tile_overlayer_lowered;
	s7 =	simm.s32 $_tile_overlayer_lowered  }
0xa1: {  	s22 =	simm.s32 $0x1BFF;
	s21 =	sshll.u32 s7, $0x1;
	s4 =	sadd.s32 s5, s19  }
0xa2: {  	s8 =	simm.s32 $0x0;
	s20 =	sshll.u32 s6, $0x1;
	s6 =	sadd.s32 s21, s4  }
0xa3: {  	[timem:s8], [sflag:s22] =	dma.local [hbm:s6], s20  }
0xa4: {  	_ =	swait.ge [sflag:s22], s20  }
0xa5: {  	s5 =	ssub.s32 $0x0, s20;
	[sflag:s22] =	ssyncset.done $0x0  }
0xa6: {  	[sflag:s22] =	ssyncadd.s32 s5;
	_ =	sdelay $0x1  }
0xa7: {  	s23 =	simm.s32 $0x1B8B  }
0xa8: {  	_ =	swait.ge [sflag:s23], $0x1  }
0xa9: {  	[sflag:s23] =	ssyncset.done $0x0  }
0xaa: {  	s25 =	simm.s32 $0x1B8E;
	s24 =	sld [smem:$0x3FFE];
	[sflag:s23] =	ssyncadd.s32 $0xFFFFFFFF  }
0xab: {  	s26 =	simm.s32 $execute0_lowered;
	[smem:$0x3FD2] =	sst s25  }
0xac: {  	s6 =	sshll.u32 s26, $0x1;
	_ =	strace $0x80000046;
	[dreg:$0x1] =	wrdreg $0xFFFFFFFF  }
0xad: {  	s28 =	simm.s32 $_size_execute0_lowered;
	s4 =	sadd.s32 s4, s6;
	[dreg:$0x0] =	wrdreg $0x0  }
0xae: {  	s6 =	sshll.u32 s28, $0x1;
	[dreg:$0x2] =	wrdreg s4  }
0xaf: {  	[dreg:$0x3] =	wrdreg s6  }
0xb0: {  	[dreg:$0x4] =	wrdreg $0xC0  }
0xb1: {  	_ =	task [dreg:s8], $0x5FFFF  }
0xb2: {  	[dreg:$0x1] =	wrdreg $0xFFFFFFFF  }
0xb3: {  	[dreg:$0x0] =	wrdreg $0x60  }
0xb4: {  	[dreg:$0x2] =	wrdreg s17  }
0xb5: {  	[dreg:$0x3] =	wrdreg s16  }
0xb6: {  	[dreg:$0x4] =	wrdreg s24  }
0xb7: {  	[dreg:$0x5] =	wrdreg $0x9  }
0xb8: {  	_ =	task.clear_ibuf [dreg:s8], $0x6FFFF;
	_ =	strace $0x90000046  }
0xb9: {  	s29 =	simm.s32 $0x9;
	_ =	strace $0x80000048  }
0xba: {  	_ =	swait.ge [sflag:s29], $0x1  }
0xbb: {  	[sflag:s29] =	ssyncadd.s32 $0xFFFFFFFF  }
0xbc: {  	_ =	strace $0x90000048  }
0xbd: {  	_ =	sfence  }
0xbe: {  	s30 =	sld [smem:$0x0];
	_ =	sdelay $0x2  }
0xbf: {  	s31 =	sshll.u32 s1, $0xD;
	s1 =	sshrl.u32 s1, $0x2  }
0xc0: {  	s3 =	sand.u32 $0x4000, s31;
	s1 =	sadd.s32 s1, s30  }
0xc1: {  	s0 =	sor.u32 s3, s0;
	s1 =	sshll.u32 s1, $0x11  }
0xc2: {  	s0 =	sor.u32 s1, s0  }
0xc3: {  	s0 =	sadd.s32 $0x8F2B, s0  }
0xc4: {  	[sflag:s0] =	ssyncadd.remote.s32 $0x1  }
0xc5: {  	_ =	sfence.sel $0xFFFF  }
0xc6: {  	[dreg:$0x0] =	wrdreg $0xFFFFFFFF;
	(pc) =	sbr.abs _section_cstart, $3  }
0xc7: {  	[dreg:$0x1] =	wrdreg $0xFFFFFFFF  }
0xc8: {  	_ =	task.clear_ibuf [dreg:s8], $0x2FFFF;
	_ =	strace $0x9FFFFFFF  }
0xc9: {  	(tm) =	ssettm $0x7FFFFFFF  }
tec
execute0_lowered:
.L_overlay_start_1:
0x0: {  	(tag) =	ssettag $0x1  }
0x1: {  	s1 =	rddreg [dreg:$0x0]  }
0x2: {  	s3 =	rddreg [dreg:$0x1];
	s0 =	srdreg.scid  }
0x3: {  	s6 =	stileid.u32;
	s2 =	rddreg [dreg:$0x2];
	s4 =	simm.s32 $0x0  }
0x4: {  	s10 =	simm.s32 $0x9;
	s11 =	simm.s32 $0x80;
	s12 =	simm.s32 $0x2780  }
0x5: {  	s13 =	simm.s32 $0x48;
	s14 =	simm.s32 $0x6780;
	s15 =	simm.s32 $0xC8  }
0x6: {  	s16 =	simm.s32 $0x8B80;
	s17 =	simm.s32 $0x148;
	s18 =	simm.s32 $0xCB80  }
0x7: {  	s19 =	simm.s32 $0x1;
	s20 =	simm.s32 $0xEF80;
	s21 =	simm.s32 $0x12F80  }
0x8: {  	s22 =	simm.s32 $0x2;
	s23 =	simm.s32 $0x15380;
	s24 =	simm.s32 $0x19380  }
0x9: {  	s25 =	simm.s32 $0x6;
	s28 =	simm.s32 $0x3;
	s29 =	simm.s32 $0x4  }
0xa: {  	s0 =	sand.u32 $0x1, s0;
	s5 =	sshll.u32 s6, $0x1;
	s6 =	smul.u32 $0x4E200, s6  }
0xb: {  	s5 =	sor.u32 s0, s5;
	s7 =	ssub.s32 $0x2, s0;
	s0 =	smul.u32 $0x27100, s0  }
0xc: {  	s30 =	simm.s32 $0x0;
	[smem:$0x7FF] =	sst s4;
	s5 =	smul.u32 $0x2710, s5  }
.Ltmp0:
0xd: {  	_ =	strace $0x80000047;
	s26 =	sshrl.u32 s7, $0x1;
	(pc) =	sbr.rel .LBB2_1-.Ltmp0, $4  }
0xe: {  	s7 =	ssub.s32 s7, s26;
	s26 =	simm.s32 $0x5;
	s5 =	sshrl.u32 s5, $0x3  }
0xf: {  	s7 =	smax.u32 s7, $0x1;
	s5 =	sadd.s32 s5, s2;
	s2 =	sadd.s32 s6, s2  }
0x10: {  	s31 =	sadd.s32 $0xB600, s5;
	s0 =	sadd.s32 s0, s2;
	s6 =	sadd.s32 $0x1800, s5  }
0x11: {  	[dreg:$0x4] =	wrdreg s31;
	s2 =	sadd.s32 $0x63800, s0;
	s9 =	sadd.s32 $0x545800, s0  }
.LBB2_19:
0x12: {  	s30 =	sadd.s32 $0x1, s30  }
0x13: {  	_ =	swait.ge [sflag:s25], $0x6400;
	p0 =	sne.s32 s30, s7  }
.Ltmp1:
0x14: {  	[sflag:s25] =	ssyncset.done $0x0;
	(pc) =	sbr.rel @!p0 .LBB2_20-.Ltmp1, $4  }
0x15: {  	[sflag:s25] =	ssyncadd.s32 $0xFFFF9C00  }
0x16: {  	_ =	swait.ge [sflag:s26], $0x6400  }
0x17: {  	[sflag:s26] =	ssyncset.done $0x0  }
0x18: {  	[sflag:s26] =	ssyncadd.s32 $0xFFFF9C00  }
.LBB2_1:
0x19: {  	s0 =	rddreg [dreg:$0x4]  }
0x1a: {  	[tilespmem:s4], [sflag:$0x9] =	stream.linear.gather [hbm4b:s0+s4], $0x2710, $0x38;
	[tilespmem:$0x1B780] =	vst v63  }
0x1b: {  	_ =	swait.ge [sflag:s10], $0x2710  }
0x1c: {  	[sflag:s10] =	ssyncset.done $0x0  }
0x1d: {  	[sflag:s10] =	ssyncadd.s32 $0xFFFFD8F0  }
0x1e: {  	[tilespmem:s12], [sflag:$0x1] =	stream.indirect.gather [hbm4b:s1+s11], $0x80, s4, s11, $0xb8;
	[tilespmem:$0x1B780] =	vst v63  }
0x1f: {  	_ = 	snop  }
0x20: {  	[tilespmem:s14], [sflag:$0x1] =	stream.indirect.gather [hbm4b:s1+s13], $0x80, s11, s13, $0xb8;
	[tilespmem:$0x1B780] =	vst v63  }
.Ltmp2:
0x21: {  	_ = 	snop;
	(pc) =	sbr.rel .LBB2_2-.Ltmp2, $4  }
0x22: {  	_ = 	snop  }
0x23: {  	[tilespmem:s16], [sflag:$0x2] =	stream.indirect.gather [hbm4b:s1+s11], $0x80, s15, s11, $0xb8;
	[tilespmem:$0x1B780] =	vst v63  }
0x24: {  	s31 =	simm.s32 $0x210;
	s8 =	smov.u32 s2;
	s0 =	simm.s32 $0x0  }
0x25: {  	[tilespmem:s18], [sflag:$0x2] =	stream.indirect.gather [hbm4b:s1+s13], $0x80, s17, s13, $0xb8;
	[tilespmem:$0x1B780] =	vst v63  }
.LBB2_8:
0x26: {  	_ =	swait.ge [sflag:s29], $0x4000  }
0x27: {  	[sflag:s29] =	ssyncset.done $0x0  }
0x28: {  	[sflag:s29] =	ssyncadd.s32 $0xFFFFC000  }
0x29: {  	_ =	swait.ge [sflag:s29], $0x2400  }
0x2a: {  	[sflag:s29] =	ssyncset.done $0x0  }
0x2b: {  	s5 =	simm.s32 @!p0 $0x6;
	[sflag:s29] =	ssyncadd.s32 $0xFFFFDC00  }
0x2c: {  	_ =	swait.ge @!p0 [sflag:s5], $0x6400  }
0x2d: {  	p1 =	por p0, !p1;
	[sflag:s5] =	ssyncset.done @!p0 $0x0  }
0x2e: {  	[sflag:s5] =	ssyncadd.s32 @!p0 $0xFFFF9C00;
	s5 =	sadd.s32 @p1 $0xFFFFFF80, s31  }
0x2f: {  	[tilespmem:s16], [sflag:$0x2] =	stream.indirect.gather @p1 [hbm4b:s1+s11], $0x80, s5, s11, $0xb8;
	[tilespmem:$0x1B780] =	vst v63  }
0x30: {  	_ = 	snop  }
0x31: {  	[tilespmem:s18], [sflag:$0x2] =	stream.indirect.gather @p1 [hbm4b:s1+s13], $0x80, s31, s13, $0xb8;
	[tilespmem:$0x1B780] =	vst v63  }
0x32: {  	_ = 	snop  }
0x33: {  	[hbm4b:s8+s4] =	stream.linear.scatter [tilespmem:s23], [sflag:$0x8], $0x6400, $0x38;
	[tilespmem:$0x1B780] =	vst v63  }
.LBB2_9:
0x34: {  	s0 =	sadd.s32 $0x1, s0  }
0x35: {  	p0 =	sne.s32 s0, $0x32  }
.Ltmp3:
0x36: {  	_ = 	snop;
	(pc) =	sbr.rel @!p0 .LBB2_10-.Ltmp3, $2  }
0x37: {  	_ =	sdelay $0x2  }
0x38: {  	s8 =	sadd.s32 $0xC80, s8;
	s31 =	sadd.s32 $0xC8, s31  }
.LBB2_2:
0x39: {  	s5 =	sand.u32 $0x3, s0  }
0x3a: {  	p0 =	sgt.s32 s5, $0x1  }
.Ltmp4:
0x3b: {  	_ = 	snop;
	(pc) =	sbr.rel @p0 .LBB2_7-.Ltmp4, $1  }
0x3c: {  	_ =	sdelay $0x3  }
0x3d: {  	p0 =	seq.s32 s5, $0x0  }
.Ltmp5:
0x3e: {  	_ = 	snop;
	(pc) =	sbr.rel @!p0 .LBB2_5-.Ltmp5, $1  }
0x3f: {  	_ =	sdelay $0x3  }
0x40: {  	_ =	swait.ge [sflag:s19], $0x4000  }
0x41: {  	[sflag:s19] =	ssyncset.done $0x0  }
0x42: {  	[sflag:s19] =	ssyncadd.s32 $0xFFFFC000  }
0x43: {  	_ =	swait.ge [sflag:s19], $0x2400  }
0x44: {  	p0 =	slt.u32 s0, $0x2;
	[sflag:s19] =	ssyncset.done $0x0  }
0x45: {  	s5 =	simm.s32 @!p0 $0x7;
	[sflag:s19] =	ssyncadd.s32 $0xFFFFDC00  }
0x46: {  	p1 =	sgt.u32 @!p0 s0, $0x2F;
	_ =	swait.ge @!p0 [sflag:s5], $0x6400  }
0x47: {  	p1 =	por p0, !p1;
	[sflag:s5] =	ssyncset.done @!p0 $0x0  }
0x48: {  	[sflag:s5] =	ssyncadd.s32 @!p0 $0xFFFF9C00;
	s5 =	sadd.s32 @p1 $0xFFFFFF80, s31  }
0x49: {  	[tilespmem:s20], [sflag:$0x3] =	stream.indirect.gather @p1 [hbm4b:s1+s11], $0x80, s5, s11, $0xb8;
	[tilespmem:$0x1B780] =	vst v63  }
.Ltmp6:
0x4a: {  	_ = 	snop;
	(pc) =	sbr.rel .LBB2_9-.Ltmp6, $4  }
0x4b: {  	_ = 	snop  }
0x4c: {  	[tilespmem:s21], [sflag:$0x3] =	stream.indirect.gather @p1 [hbm4b:s1+s13], $0x80, s31, s13, $0xb8;
	[tilespmem:$0x1B780] =	vst v63  }
0x4d: {  	_ = 	snop  }
0x4e: {  	[hbm4b:s8+s4] =	stream.linear.scatter [tilespmem:s12], [sflag:$0x5], $0x6400, $0x38;
	[tilespmem:$0x1B780] =	vst v63  }
.LBB2_7:
0x4f: {  	p2 =	seq.s32 s5, $0x2  }
.Ltmp7:
0x50: {  	_ = 	snop;
	(pc) =	sbr.rel @!p2 .LBB2_8-.Ltmp7, $3  }
0x51: {  	_ =	sdelay $0x1  }
0x52: {  	p0 =	slt.u32 s0, $0x2  }
0x53: {  	p1 =	sgt.u32 @!p0 s0, $0x2F  }
0x54: {  	_ =	swait.ge [sflag:s28], $0x4000  }
0x55: {  	[sflag:s28] =	ssyncset.done $0x0  }
0x56: {  	[sflag:s28] =	ssyncadd.s32 $0xFFFFC000  }
0x57: {  	_ =	swait.ge [sflag:s28], $0x2400  }
0x58: {  	[sflag:s28] =	ssyncset.done $0x0  }
0x59: {  	s5 =	simm.s32 @!p0 $0x5;
	[sflag:s28] =	ssyncadd.s32 $0xFFFFDC00  }
0x5a: {  	_ =	swait.ge @!p0 [sflag:s5], $0x6400  }
0x5b: {  	p1 =	por p0, !p1;
	[sflag:s5] =	ssyncset.done @!p0 $0x0  }
0x5c: {  	[sflag:s5] =	ssyncadd.s32 @!p0 $0xFFFF9C00;
	s5 =	sadd.s32 @p1 $0xFFFFFF80, s31  }
0x5d: {  	[tilespmem:s12], [sflag:$0x1] =	stream.indirect.gather @p1 [hbm4b:s1+s11], $0x80, s5, s11, $0xb8;
	[tilespmem:$0x1B780] =	vst v63  }
.Ltmp8:
0x5e: {  	_ = 	snop;
	(pc) =	sbr.rel .LBB2_9-.Ltmp8, $4  }
0x5f: {  	_ = 	snop  }
0x60: {  	[tilespmem:s14], [sflag:$0x1] =	stream.indirect.gather @p1 [hbm4b:s1+s13], $0x80, s31, s13, $0xb8;
	[tilespmem:$0x1B780] =	vst v63  }
0x61: {  	_ = 	snop  }
0x62: {  	[hbm4b:s8+s4] =	stream.linear.scatter [tilespmem:s20], [sflag:$0x7], $0x6400, $0x38;
	[tilespmem:$0x1B780] =	vst v63  }
.LBB2_5:
0x63: {  	_ =	swait.ge [sflag:s22], $0x4000  }
0x64: {  	[sflag:s22] =	ssyncset.done $0x0  }
0x65: {  	[sflag:s22] =	ssyncadd.s32 $0xFFFFC000  }
0x66: {  	_ =	swait.ge [sflag:s22], $0x2400  }
0x67: {  	p0 =	slt.u32 s0, $0x2;
	[sflag:s22] =	ssyncset.done $0x0  }
0x68: {  	s5 =	simm.s32 @!p0 $0x8;
	[sflag:s22] =	ssyncadd.s32 $0xFFFFDC00  }
0x69: {  	p1 =	sgt.u32 @!p0 s0, $0x2F;
	_ =	swait.ge @!p0 [sflag:s5], $0x6400  }
0x6a: {  	p1 =	por p0, !p1;
	[sflag:s5] =	ssyncset.done @!p0 $0x0  }
0x6b: {  	[sflag:s5] =	ssyncadd.s32 @!p0 $0xFFFF9C00;
	s5 =	sadd.s32 @p1 $0xFFFFFF80, s31  }
0x6c: {  	[tilespmem:s23], [sflag:$0x4] =	stream.indirect.gather @p1 [hbm4b:s1+s11], $0x80, s5, s11, $0xb8;
	[tilespmem:$0x1B780] =	vst v63  }
.Ltmp9:
0x6d: {  	_ = 	snop;
	(pc) =	sbr.rel .LBB2_9-.Ltmp9, $4  }
0x6e: {  	_ = 	snop  }
0x6f: {  	[tilespmem:s24], [sflag:$0x4] =	stream.indirect.gather @p1 [hbm4b:s1+s13], $0x80, s31, s13, $0xb8;
	[tilespmem:$0x1B780] =	vst v63  }
0x70: {  	_ = 	snop  }
0x71: {  	[hbm4b:s8+s4] =	stream.linear.scatter [tilespmem:s16], [sflag:$0x6], $0x6400, $0x38;
	[tilespmem:$0x1B780] =	vst v63  }
.LBB2_10:
0x72: {  	_ =	swait.ge [sflag:s25], $0x6400  }
0x73: {  	[sflag:s25] =	ssyncset.done $0x0  }
0x74: {  	[sflag:s25] =	ssyncadd.s32 $0xFFFF9C00  }
0x75: {  	_ =	swait.ge [sflag:s26], $0x6400  }
0x76: {  	[sflag:s26] =	ssyncset.done $0x0  }
0x77: {  	s31 =	simm.s32 $0x0;
	[sflag:s26] =	ssyncadd.s32 $0xFFFF9C00  }
0x78: {  	[tilespmem:s31], [sflag:$0x9] =	stream.linear.gather [hbm4b:s6+s31], $0x2710, $0x38;
	[tilespmem:$0x1B780] =	vst v63  }
0x79: {  	_ =	swait.ge [sflag:s10], $0x2710  }
0x7a: {  	[sflag:s10] =	ssyncset.done $0x0  }
0x7b: {  	[sflag:s10] =	ssyncadd.s32 $0xFFFFD8F0  }
0x7c: {  	[tilespmem:s12], [sflag:$0x1] =	stream.indirect.gather [hbm4b:s3+s11], $0x80, s31, s11, $0xb8;
	[tilespmem:$0x1B780] =	vst v63  }
0x7d: {  	_ = 	snop  }
0x7e: {  	[tilespmem:s14], [sflag:$0x1] =	stream.indirect.gather [hbm4b:s3+s13], $0x80, s11, s13, $0xb8;
	[tilespmem:$0x1B780] =	vst v63  }
.Ltmp10:
0x7f: {  	_ = 	snop;
	(pc) =	sbr.rel .LBB2_11-.Ltmp10, $4  }
0x80: {  	_ = 	snop  }
0x81: {  	[tilespmem:s16], [sflag:$0x2] =	stream.indirect.gather [hbm4b:s3+s11], $0x80, s15, s11, $0xb8;
	[tilespmem:$0x1B780] =	vst v63  }
0x82: {  	s0 =	simm.s32 $0x210;
	s8 =	smov.u32 s9  }
0x83: {  	[tilespmem:s18], [sflag:$0x2] =	stream.indirect.gather [hbm4b:s3+s13], $0x80, s17, s13, $0xb8;
	[tilespmem:$0x1B780] =	vst v63  }
.LBB2_17:
0x84: {  	_ =	swait.ge [sflag:s29], $0x4000  }
0x85: {  	[sflag:s29] =	ssyncset.done $0x0  }
0x86: {  	[sflag:s29] =	ssyncadd.s32 $0xFFFFC000  }
0x87: {  	_ =	swait.ge [sflag:s29], $0x2400  }
0x88: {  	[sflag:s29] =	ssyncset.done $0x0  }
0x89: {  	s5 =	simm.s32 @!p0 $0x6;
	[sflag:s29] =	ssyncadd.s32 $0xFFFFDC00  }
0x8a: {  	_ =	swait.ge @!p0 [sflag:s5], $0x6400  }
0x8b: {  	p1 =	por p0, !p1;
	[sflag:s5] =	ssyncset.done @!p0 $0x0  }
0x8c: {  	[sflag:s5] =	ssyncadd.s32 @!p0 $0xFFFF9C00;
	s5 =	sadd.s32 @p1 $0xFFFFFF80, s0  }
0x8d: {  	[tilespmem:s16], [sflag:$0x2] =	stream.indirect.gather @p1 [hbm4b:s3+s11], $0x80, s5, s11, $0xb8;
	[tilespmem:$0x1B780] =	vst v63  }
0x8e: {  	_ = 	snop  }
0x8f: {  	[tilespmem:s18], [sflag:$0x2] =	stream.indirect.gather @p1 [hbm4b:s3+s13], $0x80, s0, s13, $0xb8;
	[tilespmem:$0x1B780] =	vst v63  }
0x90: {  	_ = 	snop  }
0x91: {  	[hbm4b:s8+s4] =	stream.linear.scatter [tilespmem:s23], [sflag:$0x8], $0x6400, $0x38;
	[tilespmem:$0x1B780] =	vst v63  }
.LBB2_18:
0x92: {  	s31 =	sadd.s32 $0x1, s31  }
0x93: {  	p0 =	sne.s32 s31, $0x32  }
.Ltmp11:
0x94: {  	_ = 	snop;
	(pc) =	sbr.rel @!p0 .LBB2_19-.Ltmp11, $2  }
0x95: {  	_ =	sdelay $0x2  }
0x96: {  	s8 =	sadd.s32 $0xC80, s8;
	s0 =	sadd.s32 $0xC8, s0  }
.LBB2_11:
0x97: {  	s5 =	sand.u32 $0x3, s31  }
0x98: {  	p0 =	sgt.s32 s5, $0x1  }
.Ltmp12:
0x99: {  	_ = 	snop;
	(pc) =	sbr.rel @p0 .LBB2_16-.Ltmp12, $1  }
0x9a: {  	_ =	sdelay $0x3  }
0x9b: {  	p0 =	seq.s32 s5, $0x0  }
.Ltmp13:
0x9c: {  	_ = 	snop;
	(pc) =	sbr.rel @!p0 .LBB2_14-.Ltmp13, $1  }
0x9d: {  	_ =	sdelay $0x3  }
0x9e: {  	_ =	swait.ge [sflag:s19], $0x4000  }
0x9f: {  	[sflag:s19] =	ssyncset.done $0x0  }
0xa0: {  	[sflag:s19] =	ssyncadd.s32 $0xFFFFC000  }
0xa1: {  	_ =	swait.ge [sflag:s19], $0x2400  }
0xa2: {  	p0 =	slt.u32 s31, $0x2;
	[sflag:s19] =	ssyncset.done $0x0  }
0xa3: {  	s5 =	simm.s32 @!p0 $0x7;
	[sflag:s19] =	ssyncadd.s32 $0xFFFFDC00  }
0xa4: {  	p1 =	sgt.u32 @!p0 s31, $0x2F;
	_ =	swait.ge @!p0 [sflag:s5], $0x6400  }
0xa5: {  	p1 =	por p0, !p1;
	[sflag:s5] =	ssyncset.done @!p0 $0x0  }
0xa6: {  	[sflag:s5] =	ssyncadd.s32 @!p0 $0xFFFF9C00;
	s5 =	sadd.s32 @p1 $0xFFFFFF80, s0  }
0xa7: {  	[tilespmem:s20], [sflag:$0x3] =	stream.indirect.gather @p1 [hbm4b:s3+s11], $0x80, s5, s11, $0xb8;
	[tilespmem:$0x1B780] =	vst v63  }
.Ltmp14:
0xa8: {  	_ = 	snop;
	(pc) =	sbr.rel .LBB2_18-.Ltmp14, $4  }
0xa9: {  	_ = 	snop  }
0xaa: {  	[tilespmem:s21], [sflag:$0x3] =	stream.indirect.gather @p1 [hbm4b:s3+s13], $0x80, s0, s13, $0xb8;
	[tilespmem:$0x1B780] =	vst v63  }
0xab: {  	_ = 	snop  }
0xac: {  	[hbm4b:s8+s4] =	stream.linear.scatter [tilespmem:s12], [sflag:$0x5], $0x6400, $0x38;
	[tilespmem:$0x1B780] =	vst v63  }
.LBB2_16:
0xad: {  	p2 =	seq.s32 s5, $0x2  }
.Ltmp15:
0xae: {  	_ = 	snop;
	(pc) =	sbr.rel @!p2 .LBB2_17-.Ltmp15, $3  }
0xaf: {  	_ =	sdelay $0x1  }
0xb0: {  	p0 =	slt.u32 s31, $0x2  }
0xb1: {  	p1 =	sgt.u32 @!p0 s31, $0x2F  }
0xb2: {  	_ =	swait.ge [sflag:s28], $0x4000  }
0xb3: {  	[sflag:s28] =	ssyncset.done $0x0  }
0xb4: {  	[sflag:s28] =	ssyncadd.s32 $0xFFFFC000  }
0xb5: {  	_ =	swait.ge [sflag:s28], $0x2400  }
0xb6: {  	[sflag:s28] =	ssyncset.done $0x0  }
0xb7: {  	s5 =	simm.s32 @!p0 $0x5;
	[sflag:s28] =	ssyncadd.s32 $0xFFFFDC00  }
0xb8: {  	_ =	swait.ge @!p0 [sflag:s5], $0x6400  }
0xb9: {  	p1 =	por p0, !p1;
	[sflag:s5] =	ssyncset.done @!p0 $0x0  }
0xba: {  	[sflag:s5] =	ssyncadd.s32 @!p0 $0xFFFF9C00;
	s5 =	sadd.s32 @p1 $0xFFFFFF80, s0  }
0xbb: {  	[tilespmem:s12], [sflag:$0x1] =	stream.indirect.gather @p1 [hbm4b:s3+s11], $0x80, s5, s11, $0xb8;
	[tilespmem:$0x1B780] =	vst v63  }
.Ltmp16:
0xbc: {  	_ = 	snop;
	(pc) =	sbr.rel .LBB2_18-.Ltmp16, $4  }
0xbd: {  	_ = 	snop  }
0xbe: {  	[tilespmem:s14], [sflag:$0x1] =	stream.indirect.gather @p1 [hbm4b:s3+s13], $0x80, s0, s13, $0xb8;
	[tilespmem:$0x1B780] =	vst v63  }
0xbf: {  	_ = 	snop  }
0xc0: {  	[hbm4b:s8+s4] =	stream.linear.scatter [tilespmem:s20], [sflag:$0x7], $0x6400, $0x38;
	[tilespmem:$0x1B780] =	vst v63  }
.LBB2_14:
0xc1: {  	_ =	swait.ge [sflag:s22], $0x4000  }
0xc2: {  	[sflag:s22] =	ssyncset.done $0x0  }
0xc3: {  	[sflag:s22] =	ssyncadd.s32 $0xFFFFC000  }
0xc4: {  	_ =	swait.ge [sflag:s22], $0x2400  }
0xc5: {  	p0 =	slt.u32 s31, $0x2;
	[sflag:s22] =	ssyncset.done $0x0  }
0xc6: {  	s5 =	simm.s32 @!p0 $0x8;
	[sflag:s22] =	ssyncadd.s32 $0xFFFFDC00  }
0xc7: {  	p1 =	sgt.u32 @!p0 s31, $0x2F;
	_ =	swait.ge @!p0 [sflag:s5], $0x6400  }
0xc8: {  	p1 =	por p0, !p1;
	[sflag:s5] =	ssyncset.done @!p0 $0x0  }
0xc9: {  	[sflag:s5] =	ssyncadd.s32 @!p0 $0xFFFF9C00;
	s5 =	sadd.s32 @p1 $0xFFFFFF80, s0  }
0xca: {  	[tilespmem:s23], [sflag:$0x4] =	stream.indirect.gather @p1 [hbm4b:s3+s11], $0x80, s5, s11, $0xb8;
	[tilespmem:$0x1B780] =	vst v63  }
.Ltmp17:
0xcb: {  	_ = 	snop;
	(pc) =	sbr.rel .LBB2_18-.Ltmp17, $4  }
0xcc: {  	_ = 	snop  }
0xcd: {  	[tilespmem:s24], [sflag:$0x4] =	stream.indirect.gather @p1 [hbm4b:s3+s13], $0x80, s0, s13, $0xb8;
	[tilespmem:$0x1B780] =	vst v63  }
0xce: {  	_ = 	snop  }
0xcf: {  	[hbm4b:s8+s4] =	stream.linear.scatter [tilespmem:s16], [sflag:$0x6], $0x6400, $0x38;
	[tilespmem:$0x1B780] =	vst v63  }
.LBB2_20:
0xd0: {  	_ =	sfence.sel $0x180000  }
0xd1: {  	[bflag:$0x0] =	sbarrier.arrive $0xFFFF  }
0xd2: {  	_ =	strace $0x90000047  }
0xd3: {  	s0 =	stileid.u32;
	[bflag:$0x2] =	sbarrier.arrive $0xFFFF  }
0xd4: {  	p0 =	sne.s32 s0, $0x0;
	s0 =	rddreg [dreg:$0x3]  }
0xd5: {  	s0 =	sadd.s32 @!p0 $0x100000, s0  }
0xd6: {  	[sflag:s0] =	ssyncadd.tile.s32 @!p0 $0x1;
	_ =	shalt  }
.Lfunc_end2:
_tile_overlayer_lowered:
.L_overlay_start_2:
0xd7: {  	(tag) =	ssettag $0x2  }
0xd8: {  	s0 =	rddreg [dreg:$0x0];
	s2 =	stileid.u32  }
0xd9: {  	s1 =	rddreg [dreg:$0x1];
	p0 =	sne.s32 s2, $0x0  }
0xda: {  	s3 =	rddreg [dreg:$0x2];
	[bflag:$0x3] =	sbarrier.arrive $0xFFFF;
	s2 =	simm.s32 @!p0 $0x1C09  }
0xdb: {  	[timem:s3], [sflag:s2] =	dma.local @!p0 [hbm:s0], s1  }
0xdc: {  	s0 =	simm.s32 @!p0 $0x9  }
0xdd: {  	_ =	swait.ge @!p0 [sflag:s0], s1  }
0xde: {  	s1 =	ssub.s32 @!p0 $0x0, s1;
	[sflag:s0] =	ssyncset.done @!p0 $0x0  }
0xdf: {  	[sflag:s0] =	ssyncadd.s32 @!p0 s1  }
0xe0: {  	[bflag:$0x3] =	sbarrier.arrive $0xFFFF  }
0xe1: {  	_ =	shalt  }

</sc_bundles>
